<compile_context>
chip_gen: v7x
topology: tpu7x:2x2x1
jax: 0.10.2.dev20260603
libtpu: 0.0.44.dev20260713+nightly
codegen_flags: <defaults>
</compile_context>

<pallas_src>
import functools

import jax
import jax.numpy as jnp
from jax import lax
from jax.experimental import pallas as pl
from jax.experimental.pallas import tpu as pltpu
from jax.experimental.pallas import tpu_sc as plsc

N_RAY = 8192
N_SAMP = 192
FLAT = N_SAMP * 3
NW = 32
RPW = N_RAY // NW
G = 16
NG = RPW // G
f32 = jnp.float32
i32 = jnp.int32


def _sc_body(rgb_h, nbs_h, sig_h, z_h,
             comp_h, w_h, d_h, o_h,
             rgb_a, nb_a, sig_a, z_a, rgb_b, nb_b, sig_b, z_b,
             w_v, comp_s, d_s, o_s, sem_a, sem_b):
    wid = lax.axis_index("s") * 2 + lax.axis_index("c")
    iota = lax.iota(i32, 16)

    def copies(g, rgb_v, nb_v, sig_v, z_v, sem):
        r0 = wid * RPW + g * G
        yield rgb_h.at[pl.ds(r0, G)], rgb_v.at[:, pl.ds(0, FLAT)], sem
        for i in range(5):
            yield (nbs_h.at[pl.ds(i * N_RAY + r0, G)],
                   nb_v.at[pl.ds(i * G, G), pl.ds(0, FLAT)], sem)
        yield sig_h.at[pl.ds(r0, G)], sig_v.at[:, pl.ds(0, N_SAMP)], sem
        yield z_h.at[pl.ds(r0, G)], z_v.at[:, pl.ds(0, N_SAMP)], sem

    def fire(g, rgb_v, nb_v, sig_v, z_v, sem):
        for src, dst, sm in copies(g, rgb_v, nb_v, sig_v, z_v, sem):
            pltpu.async_copy(src, dst, sm)

    def drain(g, rgb_v, nb_v, sig_v, z_v, sem):
        for src, dst, sm in copies(g, rgb_v, nb_v, sig_v, z_v, sem):
            pltpu.make_async_copy(src, dst, sm).wait()

    def compute(g, rgb_v, nb_v, sig_v, z_v):
        r0 = wid * RPW + g * G

        def samp_body(s, carry):
            tr, zz, ar, ag, ab, ad, ao = carry
            vs = jnp.full((16,), s, i32)
            sig = plsc.load_gather(sig_v, [iota, vs])
            vs1 = jnp.full((16,), jnp.minimum(s + 1, N_SAMP - 1), i32)
            zn = plsc.load_gather(z_v, [iota, vs1])
            delta = jnp.where(s == N_SAMP - 1, jnp.full((16,), 1e10, f32),
                              zn - zz)
            ds = delta * jnp.maximum(sig, 0.0)
            tr_next = tr * jnp.exp(-ds)
            w = tr - tr_next
            plsc.store_scatter(w_v, [iota, vs], w)
            m = w >= 0.01
            col0 = jnp.full((16,), s * 3, i32)
            col1 = jnp.full((16,), s * 3 + 1, i32)
            col2 = jnp.full((16,), s * 3 + 2, i32)
            rc0 = plsc.load_gather(rgb_v, [iota, col0])
            rc1 = plsc.load_gather(rgb_v, [iota, col1])
            rc2 = plsc.load_gather(rgb_v, [iota, col2])
            den = jnp.full((16,), 1.0, f32)
            s0 = jnp.zeros((16,), f32)
            s1 = jnp.zeros((16,), f32)
            s2 = jnp.zeros((16,), f32)
            for i in range(5):
                row = iota + i * G
                n0 = plsc.load_gather(nb_v, [row, col0])
                n1 = plsc.load_gather(nb_v, [row, col1])
                n2 = plsc.load_gather(nb_v, [row, col2])
                d0 = rc0 - n0
                d1 = rc1 - n1
                d2 = rc2 - n2
                wi = jnp.exp(-(d0 * d0 + d1 * d1 + d2 * d2))
                den = den + wi
                s0 = s0 + n0 * wi
                s1 = s1 + n1 * wi
                s2 = s2 + n2 * wi
            inv = 1.0 / den
            rn0 = jnp.where(m, (rc0 + s0) * inv, rc0)
            rn1 = jnp.where(m, (rc1 + s1) * inv, rc1)
            rn2 = jnp.where(m, (rc2 + s2) * inv, rc2)
            return (tr_next, zn, ar + w * rn0, ag + w * rn1, ab + w * rn2,
                    ad + w * zz, ao + w)

        zv16 = jnp.zeros((16,), f32)
        one16 = jnp.full((16,), 1.0, f32)
        z0 = plsc.load_gather(z_v, [iota, jnp.zeros((16,), i32)])
        _, _, ar, ag, ab, ad, ao = lax.fori_loop(
            0, N_SAMP, samp_body,
            (one16, z0, zv16, zv16, zv16, zv16, zv16))

        plsc.store_scatter(comp_s, [iota, jnp.zeros((16,), i32)], ar)
        plsc.store_scatter(comp_s, [iota, jnp.full((16,), 1, i32)], ag)
        plsc.store_scatter(comp_s, [iota, jnp.full((16,), 2, i32)], ab)
        d_s[...] = ad
        o_s[...] = ao
        pltpu.sync_copy(w_v.at[:, pl.ds(0, N_SAMP)], w_h.at[pl.ds(r0, G)])
        pltpu.sync_copy(comp_s, comp_h.at[pl.ds(r0, G)])
        pltpu.sync_copy(d_s, d_h.at[pl.ds(r0, G)])
        pltpu.sync_copy(o_s, o_h.at[pl.ds(r0, G)])

    bufs_a = (rgb_a, nb_a, sig_a, z_a)
    bufs_b = (rgb_b, nb_b, sig_b, z_b)
    fire(0, *bufs_a, sem_a)

    def pair_body(k, _):
        g0 = 2 * k
        drain(g0, *bufs_a, sem_a)
        fire(g0 + 1, *bufs_b, sem_b)
        compute(g0, *bufs_a)
        drain(g0 + 1, *bufs_b, sem_b)

        @pl.when(k < NG // 2 - 1)
        def _():
            fire(g0 + 2, *bufs_a, sem_a)

        compute(g0 + 1, *bufs_b)
        return 0

    lax.fori_loop(0, NG // 2, pair_body, 0)


@jax.jit
def _run_sc(rgb2, nbs2, sigma, z_vals):
    fn = functools.partial(
        pl.kernel,
        out_type=[
            jax.ShapeDtypeStruct((N_RAY, 3), f32),
            jax.ShapeDtypeStruct((N_RAY, N_SAMP), f32),
            jax.ShapeDtypeStruct((N_RAY,), f32),
            jax.ShapeDtypeStruct((N_RAY,), f32),
        ],
        mesh=plsc.VectorSubcoreMesh(core_axis_name="c", subcore_axis_name="s"),
        compiler_params=pltpu.CompilerParams(
            needs_layout_passes=False, use_tc_tiling_on_sc=False),
        scratch_types=[
            pltpu.VMEM((G, FLAT + 1), f32),
            pltpu.VMEM((5 * G, FLAT + 1), f32),
            pltpu.VMEM((G, N_SAMP + 1), f32),
            pltpu.VMEM((G, N_SAMP + 1), f32),
            pltpu.VMEM((G, FLAT + 1), f32),
            pltpu.VMEM((5 * G, FLAT + 1), f32),
            pltpu.VMEM((G, N_SAMP + 1), f32),
            pltpu.VMEM((G, N_SAMP + 1), f32),
            pltpu.VMEM((G, N_SAMP + 1), f32),
            pltpu.VMEM((G, 3), f32),
            pltpu.VMEM((16,), f32),
            pltpu.VMEM((16,), f32),
            pltpu.SemaphoreType.DMA,
            pltpu.SemaphoreType.DMA,
        ],
    )(_sc_body)
    return fn(rgb2, nbs2, sigma, z_vals)


def kernel(rgb, neighbor_rgbs, sigma, z_vals, white_bkgd):
    comp, w, depth, opac = _run_sc(
        rgb.reshape(N_RAY, FLAT), neighbor_rgbs.reshape(5 * N_RAY, FLAT),
        sigma, z_vals)
    comp_rgb = jnp.where(white_bkgd, comp + (1.0 - opac)[:, None], comp)
    return comp_rgb, depth, opac, w

# --- scband reference (transcript-rebuilt; emitter-appended) ---
"""Pipeline reference for scband-bilateral-volumetric-renderer-36816459662064 (READ-ONLY COPY).

The authoritative reference and input builder live on the scoring server;
editing this copy changes nothing except your own understanding.
"""

import jax, jax.numpy as jnp
import numpy as np

N_RAY = 8192
N_SAMP = 192

def setup_inputs(seed: int = 0) -> dict:
    key = jax.random.key(seed)
    k1, k2, k3, k4 = jax.random.split(key, 4)
    rgb = jax.random.uniform(k1, (N_RAY, N_SAMP, 3), dtype=jnp.float32)
    neighbor_rgbs = jax.random.uniform(k2, (5 * N_RAY, N_SAMP, 3), dtype=jnp.float32)
    sigma = jax.random.normal(k3, (N_RAY, N_SAMP), dtype=jnp.float32)
    z_vals = jnp.sort(jax.random.uniform(k4, (N_RAY, N_SAMP), dtype=jnp.float32, minval=2.0, maxval=6.0), axis=-1)
    return {"rgb": rgb, "neighbor_rgbs": neighbor_rgbs, "sigma": sigma, "z_vals": z_vals, "white_bkgd": True}

def reference(rgb, neighbor_rgbs, sigma, z_vals, white_bkgd):
    eps = 1e-10
    gamma = 1.0
    deltas = z_vals[:, 1:] - z_vals[:, :-1]
    deltas = jnp.concatenate([deltas, 1e10 * jnp.ones_like(deltas[:, :1])], axis=-1)
    sigma_act = jax.nn.relu(sigma)
    alpha = 1.0 - jnp.exp(-deltas * sigma_act)
    accum_prod = jnp.concatenate([jnp.ones_like(alpha[:, :1]), jnp.cumprod(1.0 - alpha[:, :-1] + eps, axis=-1)], axis=-1)
    weights = alpha * accum_prod
    num_rays = rgb.shape[0]
    mask = weights >= 0.01
    nbs = [neighbor_rgbs[i * num_rays:(i + 1) * num_rays] for i in range(5)]
    ws = [jnp.exp(-jnp.sum((rgb - nb) ** 2, axis=-1) / gamma) for nb in nbs]
    numer = rgb
    for nb, w in zip(nbs, ws):
        numer = numer + nb * w[..., None]
    denom = 1.0 + ws[0] + ws[1] + ws[2] + ws[3] + ws[4]
    rgb_new = jnp.where(mask[..., None], numer / denom[..., None], rgb)
    comp_rgb = jnp.sum(weights[..., None] * rgb_new, axis=-2)
    depth = jnp.sum(weights * z_vals, axis=-1)
    opacity = jnp.sum(weights, axis=-1)
    comp_rgb = jnp.where(white_bkgd, comp_rgb + (1.0 - opacity[..., None]), comp_rgb)
    return (comp_rgb, depth, opacity, weights)

if __name__ == "__main__":
    import jax
    _d = setup_inputs()
    print(jax.jit(kernel)(*tuple(_d.values())))

</pallas_src>

<mosaic_0001>
#map = affine_map<(d0, d1) -> (0, 0)>
#map1 = affine_map<(d0, d1) -> (0)>
module attributes {stable_mosaic.version = 14 : i64} {
  func.func @_sc_body(%arg0: i32, %arg1: i32, %arg2: memref<8192x576xf32, #tpu.memory_space<hbm>>, %arg3: memref<40960x576xf32, #tpu.memory_space<hbm>>, %arg4: memref<8192x192xf32, #tpu.memory_space<hbm>>, %arg5: memref<8192x192xf32, #tpu.memory_space<hbm>>, %arg6: memref<8192x3xf32, #tpu.memory_space<hbm>>, %arg7: memref<8192x192xf32, #tpu.memory_space<hbm>>, %arg8: memref<8192xf32, #tpu.memory_space<hbm>>, %arg9: memref<8192xf32, #tpu.memory_space<hbm>>, %arg10: memref<16x577xf32, #tpu.memory_space<vmem>>, %arg11: memref<80x577xf32, #tpu.memory_space<vmem>>, %arg12: memref<16x193xf32, #tpu.memory_space<vmem>>, %arg13: memref<16x193xf32, #tpu.memory_space<vmem>>, %arg14: memref<16x577xf32, #tpu.memory_space<vmem>>, %arg15: memref<80x577xf32, #tpu.memory_space<vmem>>, %arg16: memref<16x193xf32, #tpu.memory_space<vmem>>, %arg17: memref<16x193xf32, #tpu.memory_space<vmem>>, %arg18: memref<16x193xf32, #tpu.memory_space<vmem>>, %arg19: memref<16x3xf32, #tpu.memory_space<vmem>>, %arg20: memref<16xf32, #tpu.memory_space<vmem>>, %arg21: memref<16xf32, #tpu.memory_space<vmem>>, %arg22: memref<!tpu.dma_semaphore, #tpu.memory_space<semaphore_mem>>, %arg23: memref<!tpu.dma_semaphore, #tpu.memory_space<semaphore_mem>>) attributes {dimension_semantics = [#tpu.dimension_semantics<core_parallel>, #tpu.dimension_semantics<subcore_parallel>], iteration_bounds = array<i64: 2, 16>, scalar_prefetch = 0 : i64, scratch_operands = 14 : i64, tpu.core_type = #tpu.core_type<sc_vector_subcore>, window_params = [{transform_indices = #map}, {transform_indices = #map}, {transform_indices = #map}, {transform_indices = #map}, {transform_indices = #map}, {transform_indices = #map}, {transform_indices = #map1}, {transform_indices = #map1}]} {
    %mul3A = arith.constant 2 : i32
    %mul3A_0 = arith.muli %arg1, %mul3A : i32
    %add3A = arith.addi %mul3A_0, %arg0 : i32
    %iota3A = tpu.iota {dimensions = array<i32: 0>} : vector<16xi32>
    %mul3A_1 = arith.constant 256 : i32
    %mul3A_2 = arith.muli %add3A, %mul3A_1 : i32
    %add3A_3 = arith.constant 0 : i32
    %add3A_4 = arith.addi %mul3A_2, %add3A_3 : i32
    %dma_start3A = arith.constant 0 : i32
    %dma_start3A_5 = arith.constant 0 : i32
    %dma_start3A_6 = tpu.memref_slice %arg10[%dma_start3A, %dma_start3A_5] : memref<16x577xf32, #tpu.memory_space<vmem>> -> memref<16x576xf32, #tpu.memory_space<vmem>>
    %dma_start3A_7 = arith.constant 0 : i32
    %dma_start3A_8 = tpu.memref_slice %arg2[%add3A_4, %dma_start3A_7] : memref<8192x576xf32, #tpu.memory_space<hbm>> -> memref<16x576xf32, #tpu.memory_space<hbm>>
    %dma_start3A_9 = arith.constant 0 : i32
    %dma_start3A_10 = arith.constant 0 : i32
    %dma_start3A_11 = tpu.memref_slice %arg10[%dma_start3A_9, %dma_start3A_10] : memref<16x577xf32, #tpu.memory_space<vmem>> -> memref<16x576xf32, #tpu.memory_space<vmem>>
    %dma_start3A_12 = arith.constant 0 : i32
    %dma_start3A_13 = tpu.memref_slice %arg2[%add3A_4, %dma_start3A_12] : memref<8192x576xf32, #tpu.memory_space<hbm>> -> memref<16x576xf32, #tpu.memory_space<hbm>>
    tpu.enqueue_dma source(%dma_start3A_13 : memref<16x576xf32, #tpu.memory_space<hbm>>) target(%dma_start3A_11 : memref<16x576xf32, #tpu.memory_space<vmem>>) target_semaphore(%arg22 : memref<!tpu.dma_semaphore, #tpu.memory_space<semaphore_mem>>)
    %add3A_14 = arith.constant 0 : i32
    %add3A_15 = arith.addi %add3A_14, %add3A_4 : i32
    %dma_start3A_16 = arith.constant 0 : i32
    %dma_start3A_17 = arith.constant 0 : i32
    %dma_start3A_18 = tpu.memref_slice %arg11[%dma_start3A_16, %dma_start3A_17] : memref<80x577xf32, #tpu.memory_space<vmem>> -> memref<16x576xf32, #tpu.memory_space<vmem>>
    %dma_start3A_19 = arith.constant 0 : i32
    %dma_start3A_20 = tpu.memref_slice %arg3[%add3A_15, %dma_start3A_19] : memref<40960x576xf32, #tpu.memory_space<hbm>> -> memref<16x576xf32, #tpu.memory_space<hbm>>
    %dma_start3A_21 = arith.constant 0 : i32
    %dma_start3A_22 = arith.constant 0 : i32
    %dma_start3A_23 = tpu.memref_slice %arg11[%dma_start3A_21, %dma_start3A_22] : memref<80x577xf32, #tpu.memory_space<vmem>> -> memref<16x576xf32, #tpu.memory_space<vmem>>
    %dma_start3A_24 = arith.constant 0 : i32
    %dma_start3A_25 = tpu.memref_slice %arg3[%add3A_15, %dma_start3A_24] : memref<40960x576xf32, #tpu.memory_space<hbm>> -> memref<16x576xf32, #tpu.memory_space<hbm>>
    tpu.enqueue_dma source(%dma_start3A_25 : memref<16x576xf32, #tpu.memory_space<hbm>>) target(%dma_start3A_23 : memref<16x576xf32, #tpu.memory_space<vmem>>) target_semaphore(%arg22 : memref<!tpu.dma_semaphore, #tpu.memory_space<semaphore_mem>>)
    %add3A_26 = arith.constant 8192 : i32
    %add3A_27 = arith.addi %add3A_26, %add3A_4 : i32
    %dma_start3A_28 = arith.constant 16 : i32
    %dma_start3A_29 = arith.constant 0 : i32
    %dma_start3A_30 = tpu.memref_slice %arg11[%dma_start3A_28, %dma_start3A_29] : memref<80x577xf32, #tpu.memory_space<vmem>> -> memref<16x576xf32, #tpu.memory_space<vmem>>
    %dma_start3A_31 = arith.constant 0 : i32
    %dma_start3A_32 = tpu.memref_slice %arg3[%add3A_27, %dma_start3A_31] : memref<40960x576xf32, #tpu.memory_space<hbm>> -> memref<16x576xf32, #tpu.memory_space<hbm>>
    %dma_start3A_33 = arith.constant 16 : i32
    %dma_start3A_34 = arith.constant 0 : i32
    %dma_start3A_35 = tpu.memref_slice %arg11[%dma_start3A_33, %dma_start3A_34] : memref<80x577xf32, #tpu.memory_space<vmem>> -> memref<16x576xf32, #tpu.memory_space<vmem>>
    %dma_start3A_36 = arith.constant 0 : i32
    %dma_start3A_37 = tpu.memref_slice %arg3[%add3A_27, %dma_start3A_36] : memref<40960x576xf32, #tpu.memory_space<hbm>> -> memref<16x576xf32, #tpu.memory_space<hbm>>
    tpu.enqueue_dma source(%dma_start3A_37 : memref<16x576xf32, #tpu.memory_space<hbm>>) target(%dma_start3A_35 : memref<16x576xf32, #tpu.memory_space<vmem>>) target_semaphore(%arg22 : memref<!tpu.dma_semaphore, #tpu.memory_space<semaphore_mem>>)
    %add3A_38 = arith.constant 16384 : i32
    %add3A_39 = arith.addi %add3A_38, %add3A_4 : i32
    %dma_start3A_40 = arith.constant 32 : i32
    %dma_start3A_41 = arith.constant 0 : i32
    %dma_start3A_42 = tpu.memref_slice %arg11[%dma_start3A_40, %dma_start3A_41] : memref<80x577xf32, #tpu.memory_space<vmem>> -> memref<16x576xf32, #tpu.memory_space<vmem>>
    %dma_start3A_43 = arith.constant 0 : i32
    %dma_start3A_44 = tpu.memref_slice %arg3[%add3A_39, %dma_start3A_43] : memref<40960x576xf32, #tpu.memory_space<hbm>> -> memref<16x576xf32, #tpu.memory_space<hbm>>
    %dma_start3A_45 = arith.constant 32 : i32
    %dma_start3A_46 = arith.constant 0 : i32
    %dma_start3A_47 = tpu.memref_slice %arg11[%dma_start3A_45, %dma_start3A_46] : memref<80x577xf32, #tpu.memory_space<vmem>> -> memref<16x576xf32, #tpu.memory_space<vmem>>
    %dma_start3A_48 = arith.constant 0 : i32
    %dma_start3A_49 = tpu.memref_slice %arg3[%add3A_39, %dma_start3A_48] : memref<40960x576xf32, #tpu.memory_space<hbm>> -> memref<16x576xf32, #tpu.memory_space<hbm>>
    tpu.enqueue_dma source(%dma_start3A_49 : memref<16x576xf32, #tpu.memory_space<hbm>>) target(%dma_start3A_47 : memref<16x576xf32, #tpu.memory_space<vmem>>) target_semaphore(%arg22 : memref<!tpu.dma_semaphore, #tpu.memory_space<semaphore_mem>>)
    %add3A_50 = arith.constant 24576 : i32
    %add3A_51 = arith.addi %add3A_50, %add3A_4 : i32
    %dma_start3A_52 = arith.constant 48 : i32
    %dma_start3A_53 = arith.constant 0 : i32
    %dma_start3A_54 = tpu.memref_slice %arg11[%dma_start3A_52, %dma_start3A_53] : memref<80x577xf32, #tpu.memory_space<vmem>> -> memref<16x576xf32, #tpu.memory_space<vmem>>
    %dma_start3A_55 = arith.constant 0 : i32
    %dma_start3A_56 = tpu.memref_slice %arg3[%add3A_51, %dma_start3A_55] : memref<40960x576xf32, #tpu.memory_space<hbm>> -> memref<16x576xf32, #tpu.memory_space<hbm>>
    %dma_start3A_57 = arith.constant 48 : i32
    %dma_start3A_58 = arith.constant 0 : i32
    %dma_start3A_59 = tpu.memref_slice %arg11[%dma_start3A_57, %dma_start3A_58] : memref<80x577xf32, #tpu.memory_space<vmem>> -> memref<16x576xf32, #tpu.memory_space<vmem>>
    %dma_start3A_60 = arith.constant 0 : i32
    %dma_start3A_61 = tpu.memref_slice %arg3[%add3A_51, %dma_start3A_60] : memref<40960x576xf32, #tpu.memory_space<hbm>> -> memref<16x576xf32, #tpu.memory_space<hbm>>
    tpu.enqueue_dma source(%dma_start3A_61 : memref<16x576xf32, #tpu.memory_space<hbm>>) target(%dma_start3A_59 : memref<16x576xf32, #tpu.memory_space<vmem>>) target_semaphore(%arg22 : memref<!tpu.dma_semaphore, #tpu.memory_space<semaphore_mem>>)
    %add3A_62 = arith.constant 32768 : i32
    %add3A_63 = arith.addi %add3A_62, %add3A_4 : i32
    %dma_start3A_64 = arith.constant 64 : i32
    %dma_start3A_65 = arith.constant 0 : i32
    %dma_start3A_66 = tpu.memref_slice %arg11[%dma_start3A_64, %dma_start3A_65] : memref<80x577xf32, #tpu.memory_space<vmem>> -> memref<16x576xf32, #tpu.memory_space<vmem>>
    %dma_start3A_67 = arith.constant 0 : i32
    %dma_start3A_68 = tpu.memref_slice %arg3[%add3A_63, %dma_start3A_67] : memref<40960x576xf32, #tpu.memory_space<hbm>> -> memref<16x576xf32, #tpu.memory_space<hbm>>
    %dma_start3A_69 = arith.constant 64 : i32
    %dma_start3A_70 = arith.constant 0 : i32
    %dma_start3A_71 = tpu.memref_slice %arg11[%dma_start3A_69, %dma_start3A_70] : memref<80x577xf32, #tpu.memory_space<vmem>> -> memref<16x576xf32, #tpu.memory_space<vmem>>
    %dma_start3A_72 = arith.constant 0 : i32
    %dma_start3A_73 = tpu.memref_slice %arg3[%add3A_63, %dma_start3A_72] : memref<40960x576xf32, #tpu.memory_space<hbm>> -> memref<16x576xf32, #tpu.memory_space<hbm>>
    tpu.enqueue_dma source(%dma_start3A_73 : memref<16x576xf32, #tpu.memory_space<hbm>>) target(%dma_start3A_71 : memref<16x576xf32, #tpu.memory_space<vmem>>) target_semaphore(%arg22 : memref<!tpu.dma_semaphore, #tpu.memory_space<semaphore_mem>>)
    %dma_start3A_74 = arith.constant 0 : i32
    %dma_start3A_75 = arith.constant 0 : i32
    %dma_start3A_76 = tpu.memref_slice %arg12[%dma_start3A_74, %dma_start3A_75] : memref<16x193xf32, #tpu.memory_space<vmem>> -> memref<16x192xf32, #tpu.memory_space<vmem>>
    %dma_start3A_77 = arith.constant 0 : i32
    %dma_start3A_78 = tpu.memref_slice %arg4[%add3A_4, %dma_start3A_77] : memref<8192x192xf32, #tpu.memory_space<hbm>> -> memref<16x192xf32, #tpu.memory_space<hbm>>
    %dma_start3A_79 = arith.constant 0 : i32
    %dma_start3A_80 = arith.constant 0 : i32
    %dma_start3A_81 = tpu.memref_slice %arg12[%dma_start3A_79, %dma_start3A_80] : memref<16x193xf32, #tpu.memory_space<vmem>> -> memref<16x192xf32, #tpu.memory_space<vmem>>
    %dma_start3A_82 = arith.constant 0 : i32
    %dma_start3A_83 = tpu.memref_slice %arg4[%add3A_4, %dma_start3A_82] : memref<8192x192xf32, #tpu.memory_space<hbm>> -> memref<16x192xf32, #tpu.memory_space<hbm>>
    tpu.enqueue_dma source(%dma_start3A_83 : memref<16x192xf32, #tpu.memory_space<hbm>>) target(%dma_start3A_81 : memref<16x192xf32, #tpu.memory_space<vmem>>) target_semaphore(%arg22 : memref<!tpu.dma_semaphore, #tpu.memory_space<semaphore_mem>>)
    %dma_start3A_84 = arith.constant 0 : i32
    %dma_start3A_85 = arith.constant 0 : i32
    %dma_start3A_86 = tpu.memref_slice %arg13[%dma_start3A_84, %dma_start3A_85] : memref<16x193xf32, #tpu.memory_space<vmem>> -> memref<16x192xf32, #tpu.memory_space<vmem>>
    %dma_start3A_87 = arith.constant 0 : i32
    %dma_start3A_88 = tpu.memref_slice %arg5[%add3A_4, %dma_start3A_87] : memref<8192x192xf32, #tpu.memory_space<hbm>> -> memref<16x192xf32, #tpu.memory_space<hbm>>
    %dma_start3A_89 = arith.constant 0 : i32
    %dma_start3A_90 = arith.constant 0 : i32
    %dma_start3A_91 = tpu.memref_slice %arg13[%dma_start3A_89, %dma_start3A_90] : memref<16x193xf32, #tpu.memory_space<vmem>> -> memref<16x192xf32, #tpu.memory_space<vmem>>
    %dma_start3A_92 = arith.constant 0 : i32
    %dma_start3A_93 = tpu.memref_slice %arg5[%add3A_4, %dma_start3A_92] : memref<8192x192xf32, #tpu.memory_space<hbm>> -> memref<16x192xf32, #tpu.memory_space<hbm>>
    tpu.enqueue_dma source(%dma_start3A_93 : memref<16x192xf32, #tpu.memory_space<hbm>>) target(%dma_start3A_91 : memref<16x192xf32, #tpu.memory_space<vmem>>) target_semaphore(%arg22 : memref<!tpu.dma_semaphore, #tpu.memory_space<semaphore_mem>>)
    %scan3A = arith.constant 0 : i32
    %scan3A_94 = arith.constant 0 : i32
    %scan3A_95 = arith.constant 8 : i32
    %scan3A_96 = arith.addi %scan3A_94, %scan3A_95 : i32
    %scan3A_97 = arith.constant 1 : i32
    %scan3A_98 = scf.for %scan3A_100 = %scan3A_94 to %scan3A_96 step %scan3A_97 iter_args(%scan3A_101 = %scan3A) -> (i32)  : i32 {
      %mul3A_102 = arith.constant 2 : i32
      %mul3A_103 = arith.muli %mul3A_102, %scan3A_100 : i32
      %mul3A_104 = arith.constant 256 : i32
      %mul3A_105 = arith.muli %add3A, %mul3A_104 : i32
      %mul3A_106 = arith.constant 16 : i32
      %mul3A_107 = arith.muli %mul3A_103, %mul3A_106 : i32
      %add3A_108 = arith.addi %mul3A_105, %mul3A_107 : i32
      %dma_wait3A = arith.constant 0 : i32
      %dma_wait3A_109 = arith.constant 0 : i32
      %dma_wait3A_110 = tpu.memref_slice %arg10[%dma_wait3A, %dma_wait3A_109] : memref<16x577xf32, #tpu.memory_space<vmem>> -> memref<16x576xf32, #tpu.memory_space<vmem>>
      %dma_wait3A_111 = arith.constant 0 : i32
      %dma_wait3A_112 = tpu.memref_slice %arg2[%add3A_108, %dma_wait3A_111] : memref<8192x576xf32, #tpu.memory_space<hbm>> -> memref<16x576xf32, #tpu.memory_space<hbm>>
      %dma_wait3A_113 = arith.constant 0 : i32
      %dma_wait3A_114 = arith.constant 0 : i32
      %dma_wait3A_115 = tpu.memref_slice %arg10[%dma_wait3A_113, %dma_wait3A_114] : memref<16x577xf32, #tpu.memory_space<vmem>> -> memref<16x576xf32, #tpu.memory_space<vmem>>
      %dma_wait3A_116 = arith.constant 0 : i32
      %dma_wait3A_117 = tpu.memref_slice %arg2[%add3A_108, %dma_wait3A_116] : memref<8192x576xf32, #tpu.memory_space<hbm>> -> memref<16x576xf32, #tpu.memory_space<hbm>>
      tpu.wait_dma2 semaphore(%arg22 : memref<!tpu.dma_semaphore, #tpu.memory_space<semaphore_mem>>) src(%dma_wait3A_117 : memref<16x576xf32, #tpu.memory_space<hbm>>) dst(%dma_wait3A_115 : memref<16x576xf32, #tpu.memory_space<vmem>>)
      %add3A_118 = arith.constant 0 : i32
      %add3A_119 = arith.addi %add3A_118, %add3A_108 : i32
      %dma_wait3A_120 = arith.constant 0 : i32
      %dma_wait3A_121 = arith.constant 0 : i32
      %dma_wait3A_122 = tpu.memref_slice %arg11[%dma_wait3A_120, %dma_wait3A_121] : memref<80x577xf32, #tpu.memory_space<vmem>> -> memref<16x576xf32, #tpu.memory_space<vmem>>
      %dma_wait3A_123 = arith.constant 0 : i32
      %dma_wait3A_124 = tpu.memref_slice %arg3[%add3A_119, %dma_wait3A_123] : memref<40960x576xf32, #tpu.memory_space<hbm>> -> memref<16x576xf32, #tpu.memory_space<hbm>>
      %dma_wait3A_125 = arith.constant 0 : i32
      %dma_wait3A_126 = arith.constant 0 : i32
      %dma_wait3A_127 = tpu.memref_slice %arg11[%dma_wait3A_125, %dma_wait3A_126] : memref<80x577xf32, #tpu.memory_space<vmem>> -> memref<16x576xf32, #tpu.memory_space<vmem>>
      %dma_wait3A_128 = arith.constant 0 : i32
      %dma_wait3A_129 = tpu.memref_slice %arg3[%add3A_119, %dma_wait3A_128] : memref<40960x576xf32, #tpu.memory_space<hbm>> -> memref<16x576xf32, #tpu.memory_space<hbm>>
      tpu.wait_dma2 semaphore(%arg22 : memref<!tpu.dma_semaphore, #tpu.memory_space<semaphore_mem>>) src(%dma_wait3A_129 : memref<16x576xf32, #tpu.memory_space<hbm>>) dst(%dma_wait3A_127 : memref<16x576xf32, #tpu.memory_space<vmem>>)
      %add3A_130 = arith.constant 8192 : i32
      %add3A_131 = arith.addi %add3A_130, %add3A_108 : i32
      %dma_wait3A_132 = arith.constant 16 : i32
      %dma_wait3A_133 = arith.constant 0 : i32
      %dma_wait3A_134 = tpu.memref_slice %arg11[%dma_wait3A_132, %dma_wait3A_133] : memref<80x577xf32, #tpu.memory_space<vmem>> -> memref<16x576xf32, #tpu.memory_space<vmem>>
      %dma_wait3A_135 = arith.constant 0 : i32
      %dma_wait3A_136 = tpu.memref_slice %arg3[%add3A_131, %dma_wait3A_135] : memref<40960x576xf32, #tpu.memory_space<hbm>> -> memref<16x576xf32, #tpu.memory_space<hbm>>
      %dma_wait3A_137 = arith.constant 16 : i32
      %dma_wait3A_138 = arith.constant 0 : i32
      %dma_wait3A_139 = tpu.memref_slice %arg11[%dma_wait3A_137, %dma_wait3A_138] : memref<80x577xf32, #tpu.memory_space<vmem>> -> memref<16x576xf32, #tpu.memory_space<vmem>>
      %dma_wait3A_140 = arith.constant 0 : i32
      %dma_wait3A_141 = tpu.memref_slice %arg3[%add3A_131, %dma_wait3A_140] : memref<40960x576xf32, #tpu.memory_space<hbm>> -> memref<16x576xf32, #tpu.memory_space<hbm>>
      tpu.wait_dma2 semaphore(%arg22 : memref<!tpu.dma_semaphore, #tpu.memory_space<semaphore_mem>>) src(%dma_wait3A_141 : memref<16x576xf32, #tpu.memory_space<hbm>>) dst(%dma_wait3A_139 : memref<16x576xf32, #tpu.memory_space<vmem>>)
      %add3A_142 = arith.constant 16384 : i32
      %add3A_143 = arith.addi %add3A_142, %add3A_108 : i32
      %dma_wait3A_144 = arith.constant 32 : i32
      %dma_wait3A_145 = arith.constant 0 : i32
      %dma_wait3A_146 = tpu.memref_slice %arg11[%dma_wait3A_144, %dma_wait3A_145] : memref<80x577xf32, #tpu.memory_space<vmem>> -> memref<16x576xf32, #tpu.memory_space<vmem>>
      %dma_wait3A_147 = arith.constant 0 : i32
      %dma_wait3A_148 = tpu.memref_slice %arg3[%add3A_143, %dma_wait3A_147] : memref<40960x576xf32, #tpu.memory_space<hbm>> -> memref<16x576xf32, #tpu.memory_space<hbm>>
      %dma_wait3A_149 = arith.constant 32 : i32
      %dma_wait3A_150 = arith.constant 0 : i32
      %dma_wait3A_151 = tpu.memref_slice %arg11[%dma_wait3A_149, %dma_wait3A_150] : memref<80x577xf32, #tpu.memory_space<vmem>> -> memref<16x576xf32, #tpu.memory_space<vmem>>
      %dma_wait3A_152 = arith.constant 0 : i32
      %dma_wait3A_153 = tpu.memref_slice %arg3[%add3A_143, %dma_wait3A_152] : memref<40960x576xf32, #tpu.memory_space<hbm>> -> memref<16x576xf32, #tpu.memory_space<hbm>>
      tpu.wait_dma2 semaphore(%arg22 : memref<!tpu.dma_semaphore, #tpu.memory_space<semaphore_mem>>) src(%dma_wait3A_153 : memref<16x576xf32, #tpu.memory_space<hbm>>) dst(%dma_wait3A_151 : memref<16x576xf32, #tpu.memory_space<vmem>>)
      %add3A_154 = arith.constant 24576 : i32
      %add3A_155 = arith.addi %add3A_154, %add3A_108 : i32
      %dma_wait3A_156 = arith.constant 48 : i32
      %dma_wait3A_157 = arith.constant 0 : i32
      %dma_wait3A_158 = tpu.memref_slice %arg11[%dma_wait3A_156, %dma_wait3A_157] : memref<80x577xf32, #tpu.memory_space<vmem>> -> memref<16x576xf32, #tpu.memory_space<vmem>>
      %dma_wait3A_159 = arith.constant 0 : i32
      %dma_wait3A_160 = tpu.memref_slice %arg3[%add3A_155, %dma_wait3A_159] : memref<40960x576xf32, #tpu.memory_space<hbm>> -> memref<16x576xf32, #tpu.memory_space<hbm>>
      %dma_wait3A_161 = arith.constant 48 : i32
      %dma_wait3A_162 = arith.constant 0 : i32
      %dma_wait3A_163 = tpu.memref_slice %arg11[%dma_wait3A_161, %dma_wait3A_162] : memref<80x577xf32, #tpu.memory_space<vmem>> -> memref<16x576xf32, #tpu.memory_space<vmem>>
      %dma_wait3A_164 = arith.constant 0 : i32
      %dma_wait3A_165 = tpu.memref_slice %arg3[%add3A_155, %dma_wait3A_164] : memref<40960x576xf32, #tpu.memory_space<hbm>> -> memref<16x576xf32, #tpu.memory_space<hbm>>
      tpu.wait_dma2 semaphore(%arg22 : memref<!tpu.dma_semaphore, #tpu.memory_space<semaphore_mem>>) src(%dma_wait3A_165 : memref<16x576xf32, #tpu.memory_space<hbm>>) dst(%dma_wait3A_163 : memref<16x576xf32, #tpu.memory_space<vmem>>)
      %add3A_166 = arith.constant 32768 : i32
      %add3A_167 = arith.addi %add3A_166, %add3A_108 : i32
      %dma_wait3A_168 = arith.constant 64 : i32
      %dma_wait3A_169 = arith.constant 0 : i32
      %dma_wait3A_170 = tpu.memref_slice %arg11[%dma_wait3A_168, %dma_wait3A_169] : memref<80x577xf32, #tpu.memory_space<vmem>> -> memref<16x576xf32, #tpu.memory_space<vmem>>
      %dma_wait3A_171 = arith.constant 0 : i32
      %dma_wait3A_172 = tpu.memref_slice %arg3[%add3A_167, %dma_wait3A_171] : memref<40960x576xf32, #tpu.memory_space<hbm>> -> memref<16x576xf32, #tpu.memory_space<hbm>>
      %dma_wait3A_173 = arith.constant 64 : i32
      %dma_wait3A_174 = arith.constant 0 : i32
      %dma_wait3A_175 = tpu.memref_slice %arg11[%dma_wait3A_173, %dma_wait3A_174] : memref<80x577xf32, #tpu.memory_space<vmem>> -> memref<16x576xf32, #tpu.memory_space<vmem>>
      %dma_wait3A_176 = arith.constant 0 : i32
      %dma_wait3A_177 = tpu.memref_slice %arg3[%add3A_167, %dma_wait3A_176] : memref<40960x576xf32, #tpu.memory_space<hbm>> -> memref<16x576xf32, #tpu.memory_space<hbm>>
      tpu.wait_dma2 semaphore(%arg22 : memref<!tpu.dma_semaphore, #tpu.memory_space<semaphore_mem>>) src(%dma_wait3A_177 : memref<16x576xf32, #tpu.memory_space<hbm>>) dst(%dma_wait3A_175 : memref<16x576xf32, #tpu.memory_space<vmem>>)
      %dma_wait3A_178 = arith.constant 0 : i32
      %dma_wait3A_179 = arith.constant 0 : i32
      %dma_wait3A_180 = tpu.memref_slice %arg12[%dma_wait3A_178, %dma_wait3A_179] : memref<16x193xf32, #tpu.memory_space<vmem>> -> memref<16x192xf32, #tpu.memory_space<vmem>>
      %dma_wait3A_181 = arith.constant 0 : i32
      %dma_wait3A_182 = tpu.memref_slice %arg4[%add3A_108, %dma_wait3A_181] : memref<8192x192xf32, #tpu.memory_space<hbm>> -> memref<16x192xf32, #tpu.memory_space<hbm>>
      %dma_wait3A_183 = arith.constant 0 : i32
      %dma_wait3A_184 = arith.constant 0 : i32
      %dma_wait3A_185 = tpu.memref_slice %arg12[%dma_wait3A_183, %dma_wait3A_184] : memref<16x193xf32, #tpu.memory_space<vmem>> -> memref<16x192xf32, #tpu.memory_space<vmem>>
      %dma_wait3A_186 = arith.constant 0 : i32
      %dma_wait3A_187 = tpu.memref_slice %arg4[%add3A_108, %dma_wait3A_186] : memref<8192x192xf32, #tpu.memory_space<hbm>> -> memref<16x192xf32, #tpu.memory_space<hbm>>
      tpu.wait_dma2 semaphore(%arg22 : memref<!tpu.dma_semaphore, #tpu.memory_space<semaphore_mem>>) src(%dma_wait3A_187 : memref<16x192xf32, #tpu.memory_space<hbm>>) dst(%dma_wait3A_185 : memref<16x192xf32, #tpu.memory_space<vmem>>)
      %dma_wait3A_188 = arith.constant 0 : i32
      %dma_wait3A_189 = arith.constant 0 : i32
      %dma_wait3A_190 = tpu.memref_slice %arg13[%dma_wait3A_188, %dma_wait3A_189] : memref<16x193xf32, #tpu.memory_space<vmem>> -> memref<16x192xf32, #tpu.memory_space<vmem>>
      %dma_wait3A_191 = arith.constant 0 : i32
      %dma_wait3A_192 = tpu.memref_slice %arg5[%add3A_108, %dma_wait3A_191] : memref<8192x192xf32, #tpu.memory_space<hbm>> -> memref<16x192xf32, #tpu.memory_space<hbm>>
      %dma_wait3A_193 = arith.constant 0 : i32
      %dma_wait3A_194 = arith.constant 0 : i32
      %dma_wait3A_195 = tpu.memref_slice %arg13[%dma_wait3A_193, %dma_wait3A_194] : memref<16x193xf32, #tpu.memory_space<vmem>> -> memref<16x192xf32, #tpu.memory_space<vmem>>
      %dma_wait3A_196 = arith.constant 0 : i32
      %dma_wait3A_197 = tpu.memref_slice %arg5[%add3A_108, %dma_wait3A_196] : memref<8192x192xf32, #tpu.memory_space<hbm>> -> memref<16x192xf32, #tpu.memory_space<hbm>>
      tpu.wait_dma2 semaphore(%arg22 : memref<!tpu.dma_semaphore, #tpu.memory_space<semaphore_mem>>) src(%dma_wait3A_197 : memref<16x192xf32, #tpu.memory_space<hbm>>) dst(%dma_wait3A_195 : memref<16x192xf32, #tpu.memory_space<vmem>>)
      %add3A_198 = arith.constant 1 : i32
      %add3A_199 = arith.addi %mul3A_103, %add3A_198 : i32
      %mul3A_200 = arith.constant 256 : i32
      %mul3A_201 = arith.muli %add3A, %mul3A_200 : i32
      %mul3A_202 = arith.constant 16 : i32
      %mul3A_203 = arith.muli %add3A_199, %mul3A_202 : i32
      %add3A_204 = arith.addi %mul3A_201, %mul3A_203 : i32
      %dma_start3A_205 = arith.constant 0 : i32
      %dma_start3A_206 = arith.constant 0 : i32
      %dma_start3A_207 = tpu.memref_slice %arg14[%dma_start3A_205, %dma_start3A_206] : memref<16x577xf32, #tpu.memory_space<vmem>> -> memref<16x576xf32, #tpu.memory_space<vmem>>
      %dma_start3A_208 = arith.constant 0 : i32
      %dma_start3A_209 = tpu.memref_slice %arg2[%add3A_204, %dma_start3A_208] : memref<8192x576xf32, #tpu.memory_space<hbm>> -> memref<16x576xf32, #tpu.memory_space<hbm>>
      %dma_start3A_210 = arith.constant 0 : i32
      %dma_start3A_211 = arith.constant 0 : i32
      %dma_start3A_212 = tpu.memref_slice %arg14[%dma_start3A_210, %dma_start3A_211] : memref<16x577xf32, #tpu.memory_space<vmem>> -> memref<16x576xf32, #tpu.memory_space<vmem>>
      %dma_start3A_213 = arith.constant 0 : i32
      %dma_start3A_214 = tpu.memref_slice %arg2[%add3A_204, %dma_start3A_213] : memref<8192x576xf32, #tpu.memory_space<hbm>> -> memref<16x576xf32, #tpu.memory_space<hbm>>
      tpu.enqueue_dma source(%dma_start3A_214 : memref<16x576xf32, #tpu.memory_space<hbm>>) target(%dma_start3A_212 : memref<16x576xf32, #tpu.memory_space<vmem>>) target_semaphore(%arg23 : memref<!tpu.dma_semaphore, #tpu.memory_space<semaphore_mem>>)
      %add3A_215 = arith.constant 0 : i32
      %add3A_216 = arith.addi %add3A_215, %add3A_204 : i32
      %dma_start3A_217 = arith.constant 0 : i32
      %dma_start3A_218 = arith.constant 0 : i32
      %dma_start3A_219 = tpu.memref_slice %arg15[%dma_start3A_217, %dma_start3A_218] : memref<80x577xf32, #tpu.memory_space<vmem>> -> memref<16x576xf32, #tpu.memory_space<vmem>>
      %dma_start3A_220 = arith.constant 0 : i32
      %dma_start3A_221 = tpu.memref_slice %arg3[%add3A_216, %dma_start3A_220] : memref<40960x576xf32, #tpu.memory_space<hbm>> -> memref<16x576xf32, #tpu.memory_space<hbm>>
      %dma_start3A_222 = arith.constant 0 : i32
      %dma_start3A_223 = arith.constant 0 : i32
      %dma_start3A_224 = tpu.memref_slice %arg15[%dma_start3A_222, %dma_start3A_223] : memref<80x577xf32, #tpu.memory_space<vmem>> -> memref<16x576xf32, #tpu.memory_space<vmem>>
      %dma_start3A_225 = arith.constant 0 : i32
      %dma_start3A_226 = tpu.memref_slice %arg3[%add3A_216, %dma_start3A_225] : memref<40960x576xf32, #tpu.memory_space<hbm>> -> memref<16x576xf32, #tpu.memory_space<hbm>>
      tpu.enqueue_dma source(%dma_start3A_226 : memref<16x576xf32, #tpu.memory_space<hbm>>) target(%dma_start3A_224 : memref<16x576xf32, #tpu.memory_space<vmem>>) target_semaphore(%arg23 : memref<!tpu.dma_semaphore, #tpu.memory_space<semaphore_mem>>)
      %add3A_227 = arith.constant 8192 : i32
      %add3A_228 = arith.addi %add3A_227, %add3A_204 : i32
      %dma_start3A_229 = arith.constant 16 : i32
      %dma_start3A_230 = arith.constant 0 : i32
      %dma_start3A_231 = tpu.memref_slice %arg15[%dma_start3A_229, %dma_start3A_230] : memref<80x577xf32, #tpu.memory_space<vmem>> -> memref<16x576xf32, #tpu.memory_space<vmem>>
      %dma_start3A_232 = arith.constant 0 : i32
      %dma_start3A_233 = tpu.memref_slice %arg3[%add3A_228, %dma_start3A_232] : memref<40960x576xf32, #tpu.memory_space<hbm>> -> memref<16x576xf32, #tpu.memory_space<hbm>>
      %dma_start3A_234 = arith.constant 16 : i32
      %dma_start3A_235 = arith.constant 0 : i32
      %dma_start3A_236 = tpu.memref_slice %arg15[%dma_start3A_234, %dma_start3A_235] : memref<80x577xf32, #tpu.memory_space<vmem>> -> memref<16x576xf32, #tpu.memory_space<vmem>>
      %dma_start3A_237 = arith.constant 0 : i32
      %dma_start3A_238 = tpu.memref_slice %arg3[%add3A_228, %dma_start3A_237] : memref<40960x576xf32, #tpu.memory_space<hbm>> -> memref<16x576xf32, #tpu.memory_space<hbm>>
      tpu.enqueue_dma source(%dma_start3A_238 : memref<16x576xf32, #tpu.memory_space<hbm>>) target(%dma_start3A_236 : memref<16x576xf32, #tpu.memory_space<vmem>>) target_semaphore(%arg23 : memref<!tpu.dma_semaphore, #tpu.memory_space<semaphore_mem>>)
      %add3A_239 = arith.constant 16384 : i32
      %add3A_240 = arith.addi %add3A_239, %add3A_204 : i32
      %dma_start3A_241 = arith.constant 32 : i32
      %dma_start3A_242 = arith.constant 0 : i32
      %dma_start3A_243 = tpu.memref_slice %arg15[%dma_start3A_241, %dma_start3A_242] : memref<80x577xf32, #tpu.memory_space<vmem>> -> memref<16x576xf32, #tpu.memory_space<vmem>>
      %dma_start3A_244 = arith.constant 0 : i32
      %dma_start3A_245 = tpu.memref_slice %arg3[%add3A_240, %dma_start3A_244] : memref<40960x576xf32, #tpu.memory_space<hbm>> -> memref<16x576xf32, #tpu.memory_space<hbm>>
      %dma_start3A_246 = arith.constant 32 : i32
      %dma_start3A_247 = arith.constant 0 : i32
      %dma_start3A_248 = tpu.memref_slice %arg15[%dma_start3A_246, %dma_start3A_247] : memref<80x577xf32, #tpu.memory_space<vmem>> -> memref<16x576xf32, #tpu.memory_space<vmem>>
      %dma_start3A_249 = arith.constant 0 : i32
      %dma_start3A_250 = tpu.memref_slice %arg3[%add3A_240, %dma_start3A_249] : memref<40960x576xf32, #tpu.memory_space<hbm>> -> memref<16x576xf32, #tpu.memory_space<hbm>>
      tpu.enqueue_dma source(%dma_start3A_250 : memref<16x576xf32, #tpu.memory_space<hbm>>) target(%dma_start3A_248 : memref<16x576xf32, #tpu.memory_space<vmem>>) target_semaphore(%arg23 : memref<!tpu.dma_semaphore, #tpu.memory_space<semaphore_mem>>)
      %add3A_251 = arith.constant 24576 : i32
      %add3A_252 = arith.addi %add3A_251, %add3A_204 : i32
      %dma_start3A_253 = arith.constant 48 : i32
      %dma_start3A_254 = arith.constant 0 : i32
      %dma_start3A_255 = tpu.memref_slice %arg15[%dma_start3A_253, %dma_start3A_254] : memref<80x577xf32, #tpu.memory_space<vmem>> -> memref<16x576xf32, #tpu.memory_space<vmem>>
      %dma_start3A_256 = arith.constant 0 : i32
      %dma_start3A_257 = tpu.memref_slice %arg3[%add3A_252, %dma_start3A_256] : memref<40960x576xf32, #tpu.memory_space<hbm>> -> memref<16x576xf32, #tpu.memory_space<hbm>>
      %dma_start3A_258 = arith.constant 48 : i32
      %dma_start3A_259 = arith.constant 0 : i32
      %dma_start3A_260 = tpu.memref_slice %arg15[%dma_start3A_258, %dma_start3A_259] : memref<80x577xf32, #tpu.memory_space<vmem>> -> memref<16x576xf32, #tpu.memory_space<vmem>>
      %dma_start3A_261 = arith.constant 0 : i32
      %dma_start3A_262 = tpu.memref_slice %arg3[%add3A_252, %dma_start3A_261] : memref<40960x576xf32, #tpu.memory_space<hbm>> -> memref<16x576xf32, #tpu.memory_space<hbm>>
      tpu.enqueue_dma source(%dma_start3A_262 : memref<16x576xf32, #tpu.memory_space<hbm>>) target(%dma_start3A_260 : memref<16x576xf32, #tpu.memory_space<vmem>>) target_semaphore(%arg23 : memref<!tpu.dma_semaphore, #tpu.memory_space<semaphore_mem>>)
      %add3A_263 = arith.constant 32768 : i32
      %add3A_264 = arith.addi %add3A_263, %add3A_204 : i32
      %dma_start3A_265 = arith.constant 64 : i32
      %dma_start3A_266 = arith.constant 0 : i32
      %dma_start3A_267 = tpu.memref_slice %arg15[%dma_start3A_265, %dma_start3A_266] : memref<80x577xf32, #tpu.memory_space<vmem>> -> memref<16x576xf32, #tpu.memory_space<vmem>>
      %dma_start3A_268 = arith.constant 0 : i32
      %dma_start3A_269 = tpu.memref_slice %arg3[%add3A_264, %dma_start3A_268] : memref<40960x576xf32, #tpu.memory_space<hbm>> -> memref<16x576xf32, #tpu.memory_space<hbm>>
      %dma_start3A_270 = arith.constant 64 : i32
      %dma_start3A_271 = arith.constant 0 : i32
      %dma_start3A_272 = tpu.memref_slice %arg15[%dma_start3A_270, %dma_start3A_271] : memref<80x577xf32, #tpu.memory_space<vmem>> -> memref<16x576xf32, #tpu.memory_space<vmem>>
      %dma_start3A_273 = arith.constant 0 : i32
      %dma_start3A_274 = tpu.memref_slice %arg3[%add3A_264, %dma_start3A_273] : memref<40960x576xf32, #tpu.memory_space<hbm>> -> memref<16x576xf32, #tpu.memory_space<hbm>>
      tpu.enqueue_dma source(%dma_start3A_274 : memref<16x576xf32, #tpu.memory_space<hbm>>) target(%dma_start3A_272 : memref<16x576xf32, #tpu.memory_space<vmem>>) target_semaphore(%arg23 : memref<!tpu.dma_semaphore, #tpu.memory_space<semaphore_mem>>)
      %dma_start3A_275 = arith.constant 0 : i32
      %dma_start3A_276 = arith.constant 0 : i32
      %dma_start3A_277 = tpu.memref_slice %arg16[%dma_start3A_275, %dma_start3A_276] : memref<16x193xf32, #tpu.memory_space<vmem>> -> memref<16x192xf32, #tpu.memory_space<vmem>>
      %dma_start3A_278 = arith.constant 0 : i32
      %dma_start3A_279 = tpu.memref_slice %arg4[%add3A_204, %dma_start3A_278] : memref<8192x192xf32, #tpu.memory_space<hbm>> -> memref<16x192xf32, #tpu.memory_space<hbm>>
      %dma_start3A_280 = arith.constant 0 : i32
      %dma_start3A_281 = arith.constant 0 : i32
      %dma_start3A_282 = tpu.memref_slice %arg16[%dma_start3A_280, %dma_start3A_281] : memref<16x193xf32, #tpu.memory_space<vmem>> -> memref<16x192xf32, #tpu.memory_space<vmem>>
      %dma_start3A_283 = arith.constant 0 : i32
      %dma_start3A_284 = tpu.memref_slice %arg4[%add3A_204, %dma_start3A_283] : memref<8192x192xf32, #tpu.memory_space<hbm>> -> memref<16x192xf32, #tpu.memory_space<hbm>>
      tpu.enqueue_dma source(%dma_start3A_284 : memref<16x192xf32, #tpu.memory_space<hbm>>) target(%dma_start3A_282 : memref<16x192xf32, #tpu.memory_space<vmem>>) target_semaphore(%arg23 : memref<!tpu.dma_semaphore, #tpu.memory_space<semaphore_mem>>)
      %dma_start3A_285 = arith.constant 0 : i32
      %dma_start3A_286 = arith.constant 0 : i32
      %dma_start3A_287 = tpu.memref_slice %arg17[%dma_start3A_285, %dma_start3A_286] : memref<16x193xf32, #tpu.memory_space<vmem>> -> memref<16x192xf32, #tpu.memory_space<vmem>>
      %dma_start3A_288 = arith.constant 0 : i32
      %dma_start3A_289 = tpu.memref_slice %arg5[%add3A_204, %dma_start3A_288] : memref<8192x192xf32, #tpu.memory_space<hbm>> -> memref<16x192xf32, #tpu.memory_space<hbm>>
      %dma_start3A_290 = arith.constant 0 : i32
      %dma_start3A_291 = arith.constant 0 : i32
      %dma_start3A_292 = tpu.memref_slice %arg17[%dma_start3A_290, %dma_start3A_291] : memref<16x193xf32, #tpu.memory_space<vmem>> -> memref<16x192xf32, #tpu.memory_space<vmem>>
      %dma_start3A_293 = arith.constant 0 : i32
      %dma_start3A_294 = tpu.memref_slice %arg5[%add3A_204, %dma_start3A_293] : memref<8192x192xf32, #tpu.memory_space<hbm>> -> memref<16x192xf32, #tpu.memory_space<hbm>>
      tpu.enqueue_dma source(%dma_start3A_294 : memref<16x192xf32, #tpu.memory_space<hbm>>) target(%dma_start3A_292 : memref<16x192xf32, #tpu.memory_space<vmem>>) target_semaphore(%arg23 : memref<!tpu.dma_semaphore, #tpu.memory_space<semaphore_mem>>)
      %mul3A_295 = arith.constant 256 : i32
      %mul3A_296 = arith.muli %add3A, %mul3A_295 : i32
      %mul3A_297 = arith.constant 16 : i32
      %mul3A_298 = arith.muli %mul3A_103, %mul3A_297 : i32
      %add3A_299 = arith.addi %mul3A_296, %mul3A_298 : i32
      %broadcast_in_dim3A = arith.constant 0.000000e+00 : f32
      %broadcast_in_dim3A_300 = vector.broadcast %broadcast_in_dim3A : f32 to vector<16xf32>
      %broadcast_in_dim3A_301 = arith.constant 1.000000e+00 : f32
      %broadcast_in_dim3A_302 = vector.broadcast %broadcast_in_dim3A_301 : f32 to vector<16xf32>
      %broadcast_in_dim3A_303 = arith.constant 0 : i32
      %broadcast_in_dim3A_304 = vector.broadcast %broadcast_in_dim3A_303 : i32 to vector<16xi32>
      %gather3A = tpu.vector_load_idx %arg13[%iota3A, %broadcast_in_dim3A_304] : memref<16x193xf32, #tpu.memory_space<vmem>>[vector<16xi32>, vector<16xi32>], vector<16xf32>,
      %scan3A_305 = arith.constant 0 : i32
      %scan3A_306 = arith.constant 192 : i32
      %scan3A_307 = arith.addi %scan3A_305, %scan3A_306 : i32
      %scan3A_308 = arith.constant 1 : i32
      %scan3A_309:7 = scf.for %scan3A_450 = %scan3A_305 to %scan3A_307 step %scan3A_308 iter_args(%scan3A_451 = %broadcast_in_dim3A_302, %scan3A_452 = %gather3A, %scan3A_453 = %broadcast_in_dim3A_300, %scan3A_454 = %broadcast_in_dim3A_300, %scan3A_455 = %broadcast_in_dim3A_300, %scan3A_456 = %broadcast_in_dim3A_300, %scan3A_457 = %broadcast_in_dim3A_300) -> (vector<16xf32>, vector<16xf32>, vector<16xf32>, vector<16xf32>, vector<16xf32>, vector<16xf32>, vector<16xf32>)  : i32 {
        %broadcast_in_dim3A_458 = vector.broadcast %scan3A_450 : i32 to vector<16xi32>
        %gather3A_459 = tpu.vector_load_idx %arg12[%iota3A, %broadcast_in_dim3A_458] : memref<16x193xf32, #tpu.memory_space<vmem>>[vector<16xi32>, vector<16xi32>], vector<16xf32>,
        %add3A_460 = arith.constant 1 : i32
        %add3A_461 = arith.addi %scan3A_450, %add3A_460 : i32
        %min3A = arith.constant 191 : i32
        %min3A_462 = arith.minsi %add3A_461, %min3A : i32
        %broadcast_in_dim3A_463 = vector.broadcast %min3A_462 : i32 to vector<16xi32>
        %gather3A_464 = tpu.vector_load_idx %arg13[%iota3A, %broadcast_in_dim3A_463] : memref<16x193xf32, #tpu.memory_space<vmem>>[vector<16xi32>, vector<16xi32>], vector<16xf32>,
        %eq3A = arith.constant 191 : i32
        %eq3A_465 = arith.cmpi eq, %scan3A_450, %eq3A : i32
        %broadcast_in_dim3A_466 = arith.constant 1.000000e+10 : f32
        %broadcast_in_dim3A_467 = vector.broadcast %broadcast_in_dim3A_466 : f32 to vector<16xf32>
        %sub3A = arith.subf %gather3A_464, %scan3A_452 : vector<16xf32>
        %select_n3A = arith.select %eq3A_465, %broadcast_in_dim3A_467, %sub3A : vector<16xf32>
        %max3A = arith.constant 0.000000e+00 : f32
        %max3A_468 = vector.broadcast %max3A : f32 to vector<16xf32>
        %max3A_469 = arith.maximumf %gather3A_459, %max3A_468 : vector<16xf32>
        %mul3A_470 = arith.mulf %select_n3A, %max3A_469 : vector<16xf32>
        %neg3A = arith.constant 0.000000e+00 : f32
        %neg3A_471 = vector.broadcast %neg3A : f32 to vector<16xf32>
        %neg3A_472 = arith.subf %neg3A_471, %mul3A_470 : vector<16xf32>
        %exp3A = math.exp %neg3A_472 : vector<16xf32>
        %mul3A_473 = arith.mulf %scan3A_451, %exp3A : vector<16xf32>
        %sub3A_474 = arith.subf %scan3A_451, %mul3A_473 : vector<16xf32>
        tpu.vector_store_idx %arg18[%iota3A, %broadcast_in_dim3A_458], %sub3A_474 : memref<16x193xf32, #tpu.memory_space<vmem>>[vector<16xi32>, vector<16xi32>], vector<16xf32>,
        %ge3A = arith.constant 0.00999999977 : f32
        %ge3A_475 = vector.broadcast %ge3A : f32 to vector<16xf32>
        %ge3A_476 = arith.cmpf oge, %sub3A_474, %ge3A_475 : vector<16xf32>
        %mul3A_477 = arith.constant 3 : i32
        %mul3A_478 = arith.muli %scan3A_450, %mul3A_477 : i32
        %broadcast_in_dim3A_479 = vector.broadcast %mul3A_478 : i32 to vector<16xi32>
        %mul3A_480 = arith.constant 3 : i32
        %mul3A_481 = arith.muli %scan3A_450, %mul3A_480 : i32
        %add3A_482 = arith.constant 1 : i32
        %add3A_483 = arith.addi %mul3A_481, %add3A_482 : i32
        %broadcast_in_dim3A_484 = vector.broadcast %add3A_483 : i32 to vector<16xi32>
        %mul3A_485 = arith.constant 3 : i32
        %mul3A_486 = arith.muli %scan3A_450, %mul3A_485 : i32
        %add3A_487 = arith.constant 2 : i32
        %add3A_488 = arith.addi %mul3A_486, %add3A_487 : i32
        %broadcast_in_dim3A_489 = vector.broadcast %add3A_488 : i32 to vector<16xi32>
        %gather3A_490 = tpu.vector_load_idx %arg10[%iota3A, %broadcast_in_dim3A_479] : memref<16x577xf32, #tpu.memory_space<vmem>>[vector<16xi32>, vector<16xi32>], vector<16xf32>,
        %gather3A_491 = tpu.vector_load_idx %arg10[%iota3A, %broadcast_in_dim3A_484] : memref<16x577xf32, #tpu.memory_space<vmem>>[vector<16xi32>, vector<16xi32>], vector<16xf32>,
        %gather3A_492 = tpu.vector_load_idx %arg10[%iota3A, %broadcast_in_dim3A_489] : memref<16x577xf32, #tpu.memory_space<vmem>>[vector<16xi32>, vector<16xi32>], vector<16xf32>,
        %broadcast_in_dim3A_493 = arith.constant 1.000000e+00 : f32
        %broadcast_in_dim3A_494 = vector.broadcast %broadcast_in_dim3A_493 : f32 to vector<16xf32>
        %broadcast_in_dim3A_495 = arith.constant 0.000000e+00 : f32
        %broadcast_in_dim3A_496 = vector.broadcast %broadcast_in_dim3A_495 : f32 to vector<16xf32>
        %broadcast_in_dim3A_497 = arith.constant 0.000000e+00 : f32
        %broadcast_in_dim3A_498 = vector.broadcast %broadcast_in_dim3A_497 : f32 to vector<16xf32>
        %broadcast_in_dim3A_499 = arith.constant 0.000000e+00 : f32
        %broadcast_in_dim3A_500 = vector.broadcast %broadcast_in_dim3A_499 : f32 to vector<16xf32>
        %add3A_501 = arith.constant 0 : i32
        %add3A_502 = vector.broadcast %add3A_501 : i32 to vector<16xi32>
        %add3A_503 = arith.addi %iota3A, %add3A_502 : vector<16xi32>
        %gather3A_504 = tpu.vector_load_idx %arg11[%add3A_503, %broadcast_in_dim3A_479] : memref<80x577xf32, #tpu.memory_space<vmem>>[vector<16xi32>, vector<16xi32>], vector<16xf32>,
        %gather3A_505 = tpu.vector_load_idx %arg11[%add3A_503, %broadcast_in_dim3A_484] : memref<80x577xf32, #tpu.memory_space<vmem>>[vector<16xi32>, vector<16xi32>], vector<16xf32>,
        %gather3A_506 = tpu.vector_load_idx %arg11[%add3A_503, %broadcast_in_dim3A_489] : memref<80x577xf32, #tpu.memory_space<vmem>>[vector<16xi32>, vector<16xi32>], vector<16xf32>,
        %sub3A_507 = arith.subf %gather3A_490, %gather3A_504 : vector<16xf32>
        %sub3A_508 = arith.subf %gather3A_491, %gather3A_505 : vector<16xf32>
        %sub3A_509 = arith.subf %gather3A_492, %gather3A_506 : vector<16xf32>
        %mul3A_510 = arith.mulf %sub3A_507, %sub3A_507 : vector<16xf32>
        %mul3A_511 = arith.mulf %sub3A_508, %sub3A_508 : vector<16xf32>
        %add3A_512 = arith.addf %mul3A_510, %mul3A_511 : vector<16xf32>
        %mul3A_513 = arith.mulf %sub3A_509, %sub3A_509 : vector<16xf32>
        %add3A_514 = arith.addf %add3A_512, %mul3A_513 : vector<16xf32>
        %neg3A_515 = arith.constant 0.000000e+00 : f32
        %neg3A_516 = vector.broadcast %neg3A_515 : f32 to vector<16xf32>
        %neg3A_517 = arith.subf %neg3A_516, %add3A_514 : vector<16xf32>
        %exp3A_518 = math.exp %neg3A_517 : vector<16xf32>
        %add3A_519 = arith.addf %broadcast_in_dim3A_494, %exp3A_518 : vector<16xf32>
        %mul3A_520 = arith.mulf %gather3A_504, %exp3A_518 : vector<16xf32>
        %add3A_521 = arith.addf %broadcast_in_dim3A_496, %mul3A_520 : vector<16xf32>
        %mul3A_522 = arith.mulf %gather3A_505, %exp3A_518 : vector<16xf32>
        %add3A_523 = arith.addf %broadcast_in_dim3A_498, %mul3A_522 : vector<16xf32>
        %mul3A_524 = arith.mulf %gather3A_506, %exp3A_518 : vector<16xf32>
        %add3A_525 = arith.addf %broadcast_in_dim3A_500, %mul3A_524 : vector<16xf32>
        %add3A_526 = arith.constant 16 : i32
        %add3A_527 = vector.broadcast %add3A_526 : i32 to vector<16xi32>
        %add3A_528 = arith.addi %iota3A, %add3A_527 : vector<16xi32>
        %gather3A_529 = tpu.vector_load_idx %arg11[%add3A_528, %broadcast_in_dim3A_479] : memref<80x577xf32, #tpu.memory_space<vmem>>[vector<16xi32>, vector<16xi32>], vector<16xf32>,
        %gather3A_530 = tpu.vector_load_idx %arg11[%add3A_528, %broadcast_in_dim3A_484] : memref<80x577xf32, #tpu.memory_space<vmem>>[vector<16xi32>, vector<16xi32>], vector<16xf32>,
        %gather3A_531 = tpu.vector_load_idx %arg11[%add3A_528, %broadcast_in_dim3A_489] : memref<80x577xf32, #tpu.memory_space<vmem>>[vector<16xi32>, vector<16xi32>], vector<16xf32>,
        %sub3A_532 = arith.subf %gather3A_490, %gather3A_529 : vector<16xf32>
        %sub3A_533 = arith.subf %gather3A_491, %gather3A_530 : vector<16xf32>
        %sub3A_534 = arith.subf %gather3A_492, %gather3A_531 : vector<16xf32>
        %mul3A_535 = arith.mulf %sub3A_532, %sub3A_532 : vector<16xf32>
        %mul3A_536 = arith.mulf %sub3A_533, %sub3A_533 : vector<16xf32>
        %add3A_537 = arith.addf %mul3A_535, %mul3A_536 : vector<16xf32>
        %mul3A_538 = arith.mulf %sub3A_534, %sub3A_534 : vector<16xf32>
        %add3A_539 = arith.addf %add3A_537, %mul3A_538 : vector<16xf32>
        %neg3A_540 = arith.constant 0.000000e+00 : f32
        %neg3A_541 = vector.broadcast %neg3A_540 : f32 to vector<16xf32>
        %neg3A_542 = arith.subf %neg3A_541, %add3A_539 : vector<16xf32>
        %exp3A_543 = math.exp %neg3A_542 : vector<16xf32>
        %add3A_544 = arith.addf %add3A_519, %exp3A_543 : vector<16xf32>
        %mul3A_545 = arith.mulf %gather3A_529, %exp3A_543 : vector<16xf32>
        %add3A_546 = arith.addf %add3A_521, %mul3A_545 : vector<16xf32>
        %mul3A_547 = arith.mulf %gather3A_530, %exp3A_543 : vector<16xf32>
        %add3A_548 = arith.addf %add3A_523, %mul3A_547 : vector<16xf32>
        %mul3A_549 = arith.mulf %gather3A_531, %exp3A_543 : vector<16xf32>
        %add3A_550 = arith.addf %add3A_525, %mul3A_549 : vector<16xf32>
        %add3A_551 = arith.constant 32 : i32
        %add3A_552 = vector.broadcast %add3A_551 : i32 to vector<16xi32>
        %add3A_553 = arith.addi %iota3A, %add3A_552 : vector<16xi32>
        %gather3A_554 = tpu.vector_load_idx %arg11[%add3A_553, %broadcast_in_dim3A_479] : memref<80x577xf32, #tpu.memory_space<vmem>>[vector<16xi32>, vector<16xi32>], vector<16xf32>,
        %gather3A_555 = tpu.vector_load_idx %arg11[%add3A_553, %broadcast_in_dim3A_484] : memref<80x577xf32, #tpu.memory_space<vmem>>[vector<16xi32>, vector<16xi32>], vector<16xf32>,
        %gather3A_556 = tpu.vector_load_idx %arg11[%add3A_553, %broadcast_in_dim3A_489] : memref<80x577xf32, #tpu.memory_space<vmem>>[vector<16xi32>, vector<16xi32>], vector<16xf32>,
        %sub3A_557 = arith.subf %gather3A_490, %gather3A_554 : vector<16xf32>
        %sub3A_558 = arith.subf %gather3A_491, %gather3A_555 : vector<16xf32>
        %sub3A_559 = arith.subf %gather3A_492, %gather3A_556 : vector<16xf32>
        %mul3A_560 = arith.mulf %sub3A_557, %sub3A_557 : vector<16xf32>
        %mul3A_561 = arith.mulf %sub3A_558, %sub3A_558 : vector<16xf32>
        %add3A_562 = arith.addf %mul3A_560, %mul3A_561 : vector<16xf32>
        %mul3A_563 = arith.mulf %sub3A_559, %sub3A_559 : vector<16xf32>
        %add3A_564 = arith.addf %add3A_562, %mul3A_563 : vector<16xf32>
        %neg3A_565 = arith.constant 0.000000e+00 : f32
        %neg3A_566 = vector.broadcast %neg3A_565 : f32 to vector<16xf32>
        %neg3A_567 = arith.subf %neg3A_566, %add3A_564 : vector<16xf32>
        %exp3A_568 = math.exp %neg3A_567 : vector<16xf32>
        %add3A_569 = arith.addf %add3A_544, %exp3A_568 : vector<16xf32>
        %mul3A_570 = arith.mulf %gather3A_554, %exp3A_568 : vector<16xf32>
        %add3A_571 = arith.addf %add3A_546, %mul3A_570 : vector<16xf32>
        %mul3A_572 = arith.mulf %gather3A_555, %exp3A_568 : vector<16xf32>
        %add3A_573 = arith.addf %add3A_548, %mul3A_572 : vector<16xf32>
        %mul3A_574 = arith.mulf %gather3A_556, %exp3A_568 : vector<16xf32>
        %add3A_575 = arith.addf %add3A_550, %mul3A_574 : vector<16xf32>
        %add3A_576 = arith.constant 48 : i32
        %add3A_577 = vector.broadcast %add3A_576 : i32 to vector<16xi32>
        %add3A_578 = arith.addi %iota3A, %add3A_577 : vector<16xi32>
        %gather3A_579 = tpu.vector_load_idx %arg11[%add3A_578, %broadcast_in_dim3A_479] : memref<80x577xf32, #tpu.memory_space<vmem>>[vector<16xi32>, vector<16xi32>], vector<16xf32>,
        %gather3A_580 = tpu.vector_load_idx %arg11[%add3A_578, %broadcast_in_dim3A_484] : memref<80x577xf32, #tpu.memory_space<vmem>>[vector<16xi32>, vector<16xi32>], vector<16xf32>,
        %gather3A_581 = tpu.vector_load_idx %arg11[%add3A_578, %broadcast_in_dim3A_489] : memref<80x577xf32, #tpu.memory_space<vmem>>[vector<16xi32>, vector<16xi32>], vector<16xf32>,
        %sub3A_582 = arith.subf %gather3A_490, %gather3A_579 : vector<16xf32>
        %sub3A_583 = arith.subf %gather3A_491, %gather3A_580 : vector<16xf32>
        %sub3A_584 = arith.subf %gather3A_492, %gather3A_581 : vector<16xf32>
        %mul3A_585 = arith.mulf %sub3A_582, %sub3A_582 : vector<16xf32>
        %mul3A_586 = arith.mulf %sub3A_583, %sub3A_583 : vector<16xf32>
        %add3A_587 = arith.addf %mul3A_585, %mul3A_586 : vector<16xf32>
        %mul3A_588 = arith.mulf %sub3A_584, %sub3A_584 : vector<16xf32>
        %add3A_589 = arith.addf %add3A_587, %mul3A_588 : vector<16xf32>
        %neg3A_590 = arith.constant 0.000000e+00 : f32
        %neg3A_591 = vector.broadcast %neg3A_590 : f32 to vector<16xf32>
        %neg3A_592 = arith.subf %neg3A_591, %add3A_589 : vector<16xf32>
        %exp3A_593 = math.exp %neg3A_592 : vector<16xf32>
        %add3A_594 = arith.addf %add3A_569, %exp3A_593 : vector<16xf32>
        %mul3A_595 = arith.mulf %gather3A_579, %exp3A_593 : vector<16xf32>
        %add3A_596 = arith.addf %add3A_571, %mul3A_595 : vector<16xf32>
        %mul3A_597 = arith.mulf %gather3A_580, %exp3A_593 : vector<16xf32>
        %add3A_598 = arith.addf %add3A_573, %mul3A_597 : vector<16xf32>
        %mul3A_599 = arith.mulf %gather3A_581, %exp3A_593 : vector<16xf32>
        %add3A_600 = arith.addf %add3A_575, %mul3A_599 : vector<16xf32>
        %add3A_601 = arith.constant 64 : i32
        %add3A_602 = vector.broadcast %add3A_601 : i32 to vector<16xi32>
        %add3A_603 = arith.addi %iota3A, %add3A_602 : vector<16xi32>
        %gather3A_604 = tpu.vector_load_idx %arg11[%add3A_603, %broadcast_in_dim3A_479] : memref<80x577xf32, #tpu.memory_space<vmem>>[vector<16xi32>, vector<16xi32>], vector<16xf32>,
        %gather3A_605 = tpu.vector_load_idx %arg11[%add3A_603, %broadcast_in_dim3A_484] : memref<80x577xf32, #tpu.memory_space<vmem>>[vector<16xi32>, vector<16xi32>], vector<16xf32>,
        %gather3A_606 = tpu.vector_load_idx %arg11[%add3A_603, %broadcast_in_dim3A_489] : memref<80x577xf32, #tpu.memory_space<vmem>>[vector<16xi32>, vector<16xi32>], vector<16xf32>,
        %sub3A_607 = arith.subf %gather3A_490, %gather3A_604 : vector<16xf32>
        %sub3A_608 = arith.subf %gather3A_491, %gather3A_605 : vector<16xf32>
        %sub3A_609 = arith.subf %gather3A_492, %gather3A_606 : vector<16xf32>
        %mul3A_610 = arith.mulf %sub3A_607, %sub3A_607 : vector<16xf32>
        %mul3A_611 = arith.mulf %sub3A_608, %sub3A_608 : vector<16xf32>
        %add3A_612 = arith.addf %mul3A_610, %mul3A_611 : vector<16xf32>
        %mul3A_613 = arith.mulf %sub3A_609, %sub3A_609 : vector<16xf32>
        %add3A_614 = arith.addf %add3A_612, %mul3A_613 : vector<16xf32>
        %neg3A_615 = arith.constant 0.000000e+00 : f32
        %neg3A_616 = vector.broadcast %neg3A_615 : f32 to vector<16xf32>
        %neg3A_617 = arith.subf %neg3A_616, %add3A_614 : vector<16xf32>
        %exp3A_618 = math.exp %neg3A_617 : vector<16xf32>
        %add3A_619 = arith.addf %add3A_594, %exp3A_618 : vector<16xf32>
        %mul3A_620 = arith.mulf %gather3A_604, %exp3A_618 : vector<16xf32>
        %add3A_621 = arith.addf %add3A_596, %mul3A_620 : vector<16xf32>
        %mul3A_622 = arith.mulf %gather3A_605, %exp3A_618 : vector<16xf32>
        %add3A_623 = arith.addf %add3A_598, %mul3A_622 : vector<16xf32>
        %mul3A_624 = arith.mulf %gather3A_606, %exp3A_618 : vector<16xf32>
        %add3A_625 = arith.addf %add3A_600, %mul3A_624 : vector<16xf32>
        %div3A = arith.constant 1.000000e+00 : f32
        %div3A_626 = vector.broadcast %div3A : f32 to vector<16xf32>
        %div3A_627 = arith.divf %div3A_626, %add3A_619 : vector<16xf32>
        %add3A_628 = arith.addf %gather3A_490, %add3A_621 : vector<16xf32>
        %mul3A_629 = arith.mulf %add3A_628, %div3A_627 : vector<16xf32>
        %select_n3A_630 = arith.select %ge3A_476, %mul3A_629, %gather3A_490 : vector<16xi1>, vector<16xf32>
        %add3A_631 = arith.addf %gather3A_491, %add3A_623 : vector<16xf32>
        %mul3A_632 = arith.mulf %add3A_631, %div3A_627 : vector<16xf32>
        %select_n3A_633 = arith.select %ge3A_476, %mul3A_632, %gather3A_491 : vector<16xi1>, vector<16xf32>
        %add3A_634 = arith.addf %gather3A_492, %add3A_625 : vector<16xf32>
        %mul3A_635 = arith.mulf %add3A_634, %div3A_627 : vector<16xf32>
        %select_n3A_636 = arith.select %ge3A_476, %mul3A_635, %gather3A_492 : vector<16xi1>, vector<16xf32>
        %mul3A_637 = arith.mulf %sub3A_474, %select_n3A_630 : vector<16xf32>
        %add3A_638 = arith.addf %scan3A_453, %mul3A_637 : vector<16xf32>
        %mul3A_639 = arith.mulf %sub3A_474, %select_n3A_633 : vector<16xf32>
        %add3A_640 = arith.addf %scan3A_454, %mul3A_639 : vector<16xf32>
        %mul3A_641 = arith.mulf %sub3A_474, %select_n3A_636 : vector<16xf32>
        %add3A_642 = arith.addf %scan3A_455, %mul3A_641 : vector<16xf32>
        %mul3A_643 = arith.mulf %sub3A_474, %scan3A_452 : vector<16xf32>
        %add3A_644 = arith.addf %scan3A_456, %mul3A_643 : vector<16xf32>
        %add3A_645 = arith.addf %scan3A_457, %sub3A_474 : vector<16xf32>
        scf.yield %mul3A_473, %gather3A_464, %add3A_638, %add3A_640, %add3A_642, %add3A_644, %add3A_645 : vector<16xf32>, vector<16xf32>, vector<16xf32>, vector<16xf32>, vector<16xf32>, vector<16xf32>, vector<16xf32>
      }
      %scan3A_310 = arith.constant 192 : i32
      %broadcast_in_dim3A_311 = arith.constant 0 : i32
      %broadcast_in_dim3A_312 = vector.broadcast %broadcast_in_dim3A_311 : i32 to vector<16xi32>
      tpu.vector_store_idx %arg19[%iota3A, %broadcast_in_dim3A_312], %scan3A_309#2 : memref<16x3xf32, #tpu.memory_space<vmem>>[vector<16xi32>, vector<16xi32>], vector<16xf32>,
      %broadcast_in_dim3A_313 = arith.constant 1 : i32
      %broadcast_in_dim3A_314 = vector.broadcast %broadcast_in_dim3A_313 : i32 to vector<16xi32>
      tpu.vector_store_idx %arg19[%iota3A, %broadcast_in_dim3A_314], %scan3A_309#3 : memref<16x3xf32, #tpu.memory_space<vmem>>[vector<16xi32>, vector<16xi32>], vector<16xf32>,
      %broadcast_in_dim3A_315 = arith.constant 2 : i32
      %broadcast_in_dim3A_316 = vector.broadcast %broadcast_in_dim3A_315 : i32 to vector<16xi32>
      tpu.vector_store_idx %arg19[%iota3A, %broadcast_in_dim3A_316], %scan3A_309#4 : memref<16x3xf32, #tpu.memory_space<vmem>>[vector<16xi32>, vector<16xi32>], vector<16xf32>,
      %swap3A = arith.constant 0 : index
      %swap3A_317 = tpu.vector_load %arg20[%swap3A] {strides = array<i32>} : memref<16xf32, #tpu.memory_space<vmem>>, vector<16xf32>,
      tpu.vector_store %arg20[%swap3A], %scan3A_309#5 {strides = array<i32>} : memref<16xf32, #tpu.memory_space<vmem>>, vector<16xf32>,
      %swap3A_318 = arith.constant 0 : index
      %swap3A_319 = tpu.vector_load %arg21[%swap3A_318] {strides = array<i32>} : memref<16xf32, #tpu.memory_space<vmem>>, vector<16xf32>,
      tpu.vector_store %arg21[%swap3A_318], %scan3A_309#6 {strides = array<i32>} : memref<16xf32, #tpu.memory_space<vmem>>, vector<16xf32>,
      "tpu.region"() ({
        %run_scoped3A = tpu.sem_alloc : memref<!tpu.dma_semaphore, #tpu.memory_space<semaphore_mem>>
        %dma_start3A_450 = arith.constant 0 : i32
        %dma_start3A_451 = arith.constant 0 : i32
        %dma_start3A_452 = tpu.memref_slice %arg18[%dma_start3A_450, %dma_start3A_451] : memref<16x193xf32, #tpu.memory_space<vmem>> -> memref<16x192xf32, #tpu.memory_space<vmem>>
        %dma_start3A_453 = arith.constant 0 : i32
        %dma_start3A_454 = tpu.memref_slice %arg7[%add3A_299, %dma_start3A_453] : memref<8192x192xf32, #tpu.memory_space<hbm>> -> memref<16x192xf32, #tpu.memory_space<hbm>>
        %dma_start3A_455 = arith.constant 0 : i32
        %dma_start3A_456 = tpu.memref_slice %arg7[%add3A_299, %dma_start3A_455] : memref<8192x192xf32, #tpu.memory_space<hbm>> -> memref<16x192xf32, #tpu.memory_space<hbm>>
        %dma_start3A_457 = arith.constant 0 : i32
        %dma_start3A_458 = arith.constant 0 : i32
        %dma_start3A_459 = tpu.memref_slice %arg18[%dma_start3A_457, %dma_start3A_458] : memref<16x193xf32, #tpu.memory_space<vmem>> -> memref<16x192xf32, #tpu.memory_space<vmem>>
        tpu.enqueue_dma source(%dma_start3A_459 : memref<16x192xf32, #tpu.memory_space<vmem>>) target(%dma_start3A_456 : memref<16x192xf32, #tpu.memory_space<hbm>>) target_semaphore(%run_scoped3A : memref<!tpu.dma_semaphore, #tpu.memory_space<semaphore_mem>>)
        %dma_wait3A_460 = arith.constant 0 : i32
        %dma_wait3A_461 = arith.constant 0 : i32
        %dma_wait3A_462 = tpu.memref_slice %arg18[%dma_wait3A_460, %dma_wait3A_461] : memref<16x193xf32, #tpu.memory_space<vmem>> -> memref<16x192xf32, #tpu.memory_space<vmem>>
        %dma_wait3A_463 = arith.constant 0 : i32
        %dma_wait3A_464 = tpu.memref_slice %arg7[%add3A_299, %dma_wait3A_463] : memref<8192x192xf32, #tpu.memory_space<hbm>> -> memref<16x192xf32, #tpu.memory_space<hbm>>
        %dma_wait3A_465 = arith.constant 0 : i32
        %dma_wait3A_466 = tpu.memref_slice %arg7[%add3A_299, %dma_wait3A_465] : memref<8192x192xf32, #tpu.memory_space<hbm>> -> memref<16x192xf32, #tpu.memory_space<hbm>>
        %dma_wait3A_467 = arith.constant 0 : i32
        %dma_wait3A_468 = arith.constant 0 : i32
        %dma_wait3A_469 = tpu.memref_slice %arg18[%dma_wait3A_467, %dma_wait3A_468] : memref<16x193xf32, #tpu.memory_space<vmem>> -> memref<16x192xf32, #tpu.memory_space<vmem>>
        tpu.wait_dma2 semaphore(%run_scoped3A : memref<!tpu.dma_semaphore, #tpu.memory_space<semaphore_mem>>) src(%dma_wait3A_469 : memref<16x192xf32, #tpu.memory_space<vmem>>) dst(%dma_wait3A_466 : memref<16x192xf32, #tpu.memory_space<hbm>>)
        tpu.yield
      }) : () -> ()
      "tpu.region"() ({
        %run_scoped3A = tpu.sem_alloc : memref<!tpu.dma_semaphore, #tpu.memory_space<semaphore_mem>>
        %dma_start3A_450 = arith.constant 0 : i32
        %dma_start3A_451 = tpu.memref_slice %arg6[%add3A_299, %dma_start3A_450] : memref<8192x3xf32, #tpu.memory_space<hbm>> -> memref<16x3xf32, #tpu.memory_space<hbm>>
        %dma_start3A_452 = arith.constant 0 : i32
        %dma_start3A_453 = tpu.memref_slice %arg6[%add3A_299, %dma_start3A_452] : memref<8192x3xf32, #tpu.memory_space<hbm>> -> memref<16x3xf32, #tpu.memory_space<hbm>>
        tpu.enqueue_dma source(%arg19 : memref<16x3xf32, #tpu.memory_space<vmem>>) target(%dma_start3A_453 : memref<16x3xf32, #tpu.memory_space<hbm>>) target_semaphore(%run_scoped3A : memref<!tpu.dma_semaphore, #tpu.memory_space<semaphore_mem>>)
        %dma_wait3A_454 = arith.constant 0 : i32
        %dma_wait3A_455 = tpu.memref_slice %arg6[%add3A_299, %dma_wait3A_454] : memref<8192x3xf32, #tpu.memory_space<hbm>> -> memref<16x3xf32, #tpu.memory_space<hbm>>
        %dma_wait3A_456 = arith.constant 0 : i32
        %dma_wait3A_457 = tpu.memref_slice %arg6[%add3A_299, %dma_wait3A_456] : memref<8192x3xf32, #tpu.memory_space<hbm>> -> memref<16x3xf32, #tpu.memory_space<hbm>>
        tpu.wait_dma2 semaphore(%run_scoped3A : memref<!tpu.dma_semaphore, #tpu.memory_space<semaphore_mem>>) src(%arg19 : memref<16x3xf32, #tpu.memory_space<vmem>>) dst(%dma_wait3A_457 : memref<16x3xf32, #tpu.memory_space<hbm>>)
        tpu.yield
      }) : () -> ()
      "tpu.region"() ({
        %run_scoped3A = tpu.sem_alloc : memref<!tpu.dma_semaphore, #tpu.memory_space<semaphore_mem>>
        %dma_start3A_450 = tpu.memref_slice %arg8[%add3A_299] : memref<8192xf32, #tpu.memory_space<hbm>> -> memref<16xf32, #tpu.memory_space<hbm>>
        %dma_start3A_451 = tpu.memref_slice %arg8[%add3A_299] : memref<8192xf32, #tpu.memory_space<hbm>> -> memref<16xf32, #tpu.memory_space<hbm>>
        tpu.enqueue_dma source(%arg20 : memref<16xf32, #tpu.memory_space<vmem>>) target(%dma_start3A_451 : memref<16xf32, #tpu.memory_space<hbm>>) target_semaphore(%run_scoped3A : memref<!tpu.dma_semaphore, #tpu.memory_space<semaphore_mem>>)
        %dma_wait3A_452 = tpu.memref_slice %arg8[%add3A_299] : memref<8192xf32, #tpu.memory_space<hbm>> -> memref<16xf32, #tpu.memory_space<hbm>>
        %dma_wait3A_453 = tpu.memref_slice %arg8[%add3A_299] : memref<8192xf32, #tpu.memory_space<hbm>> -> memref<16xf32, #tpu.memory_space<hbm>>
        tpu.wait_dma2 semaphore(%run_scoped3A : memref<!tpu.dma_semaphore, #tpu.memory_space<semaphore_mem>>) src(%arg20 : memref<16xf32, #tpu.memory_space<vmem>>) dst(%dma_wait3A_453 : memref<16xf32, #tpu.memory_space<hbm>>)
        tpu.yield
      }) : () -> ()
      "tpu.region"() ({
        %run_scoped3A = tpu.sem_alloc : memref<!tpu.dma_semaphore, #tpu.memory_space<semaphore_mem>>
        %dma_start3A_450 = tpu.memref_slice %arg9[%add3A_299] : memref<8192xf32, #tpu.memory_space<hbm>> -> memref<16xf32, #tpu.memory_space<hbm>>
        %dma_start3A_451 = tpu.memref_slice %arg9[%add3A_299] : memref<8192xf32, #tpu.memory_space<hbm>> -> memref<16xf32, #tpu.memory_space<hbm>>
        tpu.enqueue_dma source(%arg21 : memref<16xf32, #tpu.memory_space<vmem>>) target(%dma_start3A_451 : memref<16xf32, #tpu.memory_space<hbm>>) target_semaphore(%run_scoped3A : memref<!tpu.dma_semaphore, #tpu.memory_space<semaphore_mem>>)
        %dma_wait3A_452 = tpu.memref_slice %arg9[%add3A_299] : memref<8192xf32, #tpu.memory_space<hbm>> -> memref<16xf32, #tpu.memory_space<hbm>>
        %dma_wait3A_453 = tpu.memref_slice %arg9[%add3A_299] : memref<8192xf32, #tpu.memory_space<hbm>> -> memref<16xf32, #tpu.memory_space<hbm>>
        tpu.wait_dma2 semaphore(%run_scoped3A : memref<!tpu.dma_semaphore, #tpu.memory_space<semaphore_mem>>) src(%arg21 : memref<16xf32, #tpu.memory_space<vmem>>) dst(%dma_wait3A_453 : memref<16xf32, #tpu.memory_space<hbm>>)
        tpu.yield
      }) : () -> ()
      %add3A_320 = arith.constant 1 : i32
      %add3A_321 = arith.addi %mul3A_103, %add3A_320 : i32
      %mul3A_322 = arith.constant 256 : i32
      %mul3A_323 = arith.muli %add3A, %mul3A_322 : i32
      %mul3A_324 = arith.constant 16 : i32
      %mul3A_325 = arith.muli %add3A_321, %mul3A_324 : i32
      %add3A_326 = arith.addi %mul3A_323, %mul3A_325 : i32
      %dma_wait3A_327 = arith.constant 0 : i32
      %dma_wait3A_328 = arith.constant 0 : i32
      %dma_wait3A_329 = tpu.memref_slice %arg14[%dma_wait3A_327, %dma_wait3A_328] : memref<16x577xf32, #tpu.memory_space<vmem>> -> memref<16x576xf32, #tpu.memory_space<vmem>>
      %dma_wait3A_330 = arith.constant 0 : i32
      %dma_wait3A_331 = tpu.memref_slice %arg2[%add3A_326, %dma_wait3A_330] : memref<8192x576xf32, #tpu.memory_space<hbm>> -> memref<16x576xf32, #tpu.memory_space<hbm>>
      %dma_wait3A_332 = arith.constant 0 : i32
      %dma_wait3A_333 = arith.constant 0 : i32
      %dma_wait3A_334 = tpu.memref_slice %arg14[%dma_wait3A_332, %dma_wait3A_333] : memref<16x577xf32, #tpu.memory_space<vmem>> -> memref<16x576xf32, #tpu.memory_space<vmem>>
      %dma_wait3A_335 = arith.constant 0 : i32
      %dma_wait3A_336 = tpu.memref_slice %arg2[%add3A_326, %dma_wait3A_335] : memref<8192x576xf32, #tpu.memory_space<hbm>> -> memref<16x576xf32, #tpu.memory_space<hbm>>
      tpu.wait_dma2 semaphore(%arg23 : memref<!tpu.dma_semaphore, #tpu.memory_space<semaphore_mem>>) src(%dma_wait3A_336 : memref<16x576xf32, #tpu.memory_space<hbm>>) dst(%dma_wait3A_334 : memref<16x576xf32, #tpu.memory_space<vmem>>)
      %add3A_337 = arith.constant 0 : i32
      %add3A_338 = arith.addi %add3A_337, %add3A_326 : i32
      %dma_wait3A_339 = arith.constant 0 : i32
      %dma_wait3A_340 = arith.constant 0 : i32
      %dma_wait3A_341 = tpu.memref_slice %arg15[%dma_wait3A_339, %dma_wait3A_340] : memref<80x577xf32, #tpu.memory_space<vmem>> -> memref<16x576xf32, #tpu.memory_space<vmem>>
      %dma_wait3A_342 = arith.constant 0 : i32
      %dma_wait3A_343 = tpu.memref_slice %arg3[%add3A_338, %dma_wait3A_342] : memref<40960x576xf32, #tpu.memory_space<hbm>> -> memref<16x576xf32, #tpu.memory_space<hbm>>
      %dma_wait3A_344 = arith.constant 0 : i32
      %dma_wait3A_345 = arith.constant 0 : i32
      %dma_wait3A_346 = tpu.memref_slice %arg15[%dma_wait3A_344, %dma_wait3A_345] : memref<80x577xf32, #tpu.memory_space<vmem>> -> memref<16x576xf32, #tpu.memory_space<vmem>>
      %dma_wait3A_347 = arith.constant 0 : i32
      %dma_wait3A_348 = tpu.memref_slice %arg3[%add3A_338, %dma_wait3A_347] : memref<40960x576xf32, #tpu.memory_space<hbm>> -> memref<16x576xf32, #tpu.memory_space<hbm>>
      tpu.wait_dma2 semaphore(%arg23 : memref<!tpu.dma_semaphore, #tpu.memory_space<semaphore_mem>>) src(%dma_wait3A_348 : memref<16x576xf32, #tpu.memory_space<hbm>>) dst(%dma_wait3A_346 : memref<16x576xf32, #tpu.memory_space<vmem>>)
      %add3A_349 = arith.constant 8192 : i32
      %add3A_350 = arith.addi %add3A_349, %add3A_326 : i32
      %dma_wait3A_351 = arith.constant 16 : i32
      %dma_wait3A_352 = arith.constant 0 : i32
      %dma_wait3A_353 = tpu.memref_slice %arg15[%dma_wait3A_351, %dma_wait3A_352] : memref<80x577xf32, #tpu.memory_space<vmem>> -> memref<16x576xf32, #tpu.memory_space<vmem>>
      %dma_wait3A_354 = arith.constant 0 : i32
      %dma_wait3A_355 = tpu.memref_slice %arg3[%add3A_350, %dma_wait3A_354] : memref<40960x576xf32, #tpu.memory_space<hbm>> -> memref<16x576xf32, #tpu.memory_space<hbm>>
      %dma_wait3A_356 = arith.constant 16 : i32
      %dma_wait3A_357 = arith.constant 0 : i32
      %dma_wait3A_358 = tpu.memref_slice %arg15[%dma_wait3A_356, %dma_wait3A_357] : memref<80x577xf32, #tpu.memory_space<vmem>> -> memref<16x576xf32, #tpu.memory_space<vmem>>
      %dma_wait3A_359 = arith.constant 0 : i32
      %dma_wait3A_360 = tpu.memref_slice %arg3[%add3A_350, %dma_wait3A_359] : memref<40960x576xf32, #tpu.memory_space<hbm>> -> memref<16x576xf32, #tpu.memory_space<hbm>>
      tpu.wait_dma2 semaphore(%arg23 : memref<!tpu.dma_semaphore, #tpu.memory_space<semaphore_mem>>) src(%dma_wait3A_360 : memref<16x576xf32, #tpu.memory_space<hbm>>) dst(%dma_wait3A_358 : memref<16x576xf32, #tpu.memory_space<vmem>>)
      %add3A_361 = arith.constant 16384 : i32
      %add3A_362 = arith.addi %add3A_361, %add3A_326 : i32
      %dma_wait3A_363 = arith.constant 32 : i32
      %dma_wait3A_364 = arith.constant 0 : i32
      %dma_wait3A_365 = tpu.memref_slice %arg15[%dma_wait3A_363, %dma_wait3A_364] : memref<80x577xf32, #tpu.memory_space<vmem>> -> memref<16x576xf32, #tpu.memory_space<vmem>>
      %dma_wait3A_366 = arith.constant 0 : i32
      %dma_wait3A_367 = tpu.memref_slice %arg3[%add3A_362, %dma_wait3A_366] : memref<40960x576xf32, #tpu.memory_space<hbm>> -> memref<16x576xf32, #tpu.memory_space<hbm>>
      %dma_wait3A_368 = arith.constant 32 : i32
      %dma_wait3A_369 = arith.constant 0 : i32
      %dma_wait3A_370 = tpu.memref_slice %arg15[%dma_wait3A_368, %dma_wait3A_369] : memref<80x577xf32, #tpu.memory_space<vmem>> -> memref<16x576xf32, #tpu.memory_space<vmem>>
      %dma_wait3A_371 = arith.constant 0 : i32
      %dma_wait3A_372 = tpu.memref_slice %arg3[%add3A_362, %dma_wait3A_371] : memref<40960x576xf32, #tpu.memory_space<hbm>> -> memref<16x576xf32, #tpu.memory_space<hbm>>
      tpu.wait_dma2 semaphore(%arg23 : memref<!tpu.dma_semaphore, #tpu.memory_space<semaphore_mem>>) src(%dma_wait3A_372 : memref<16x576xf32, #tpu.memory_space<hbm>>) dst(%dma_wait3A_370 : memref<16x576xf32, #tpu.memory_space<vmem>>)
      %add3A_373 = arith.constant 24576 : i32
      %add3A_374 = arith.addi %add3A_373, %add3A_326 : i32
      %dma_wait3A_375 = arith.constant 48 : i32
      %dma_wait3A_376 = arith.constant 0 : i32
      %dma_wait3A_377 = tpu.memref_slice %arg15[%dma_wait3A_375, %dma_wait3A_376] : memref<80x577xf32, #tpu.memory_space<vmem>> -> memref<16x576xf32, #tpu.memory_space<vmem>>
      %dma_wait3A_378 = arith.constant 0 : i32
      %dma_wait3A_379 = tpu.memref_slice %arg3[%add3A_374, %dma_wait3A_378] : memref<40960x576xf32, #tpu.memory_space<hbm>> -> memref<16x576xf32, #tpu.memory_space<hbm>>
      %dma_wait3A_380 = arith.constant 48 : i32
      %dma_wait3A_381 = arith.constant 0 : i32
      %dma_wait3A_382 = tpu.memref_slice %arg15[%dma_wait3A_380, %dma_wait3A_381] : memref<80x577xf32, #tpu.memory_space<vmem>> -> memref<16x576xf32, #tpu.memory_space<vmem>>
      %dma_wait3A_383 = arith.constant 0 : i32
      %dma_wait3A_384 = tpu.memref_slice %arg3[%add3A_374, %dma_wait3A_383] : memref<40960x576xf32, #tpu.memory_space<hbm>> -> memref<16x576xf32, #tpu.memory_space<hbm>>
      tpu.wait_dma2 semaphore(%arg23 : memref<!tpu.dma_semaphore, #tpu.memory_space<semaphore_mem>>) src(%dma_wait3A_384 : memref<16x576xf32, #tpu.memory_space<hbm>>) dst(%dma_wait3A_382 : memref<16x576xf32, #tpu.memory_space<vmem>>)
      %add3A_385 = arith.constant 32768 : i32
      %add3A_386 = arith.addi %add3A_385, %add3A_326 : i32
      %dma_wait3A_387 = arith.constant 64 : i32
      %dma_wait3A_388 = arith.constant 0 : i32
      %dma_wait3A_389 = tpu.memref_slice %arg15[%dma_wait3A_387, %dma_wait3A_388] : memref<80x577xf32, #tpu.memory_space<vmem>> -> memref<16x576xf32, #tpu.memory_space<vmem>>
      %dma_wait3A_390 = arith.constant 0 : i32
      %dma_wait3A_391 = tpu.memref_slice %arg3[%add3A_386, %dma_wait3A_390] : memref<40960x576xf32, #tpu.memory_space<hbm>> -> memref<16x576xf32, #tpu.memory_space<hbm>>
      %dma_wait3A_392 = arith.constant 64 : i32
      %dma_wait3A_393 = arith.constant 0 : i32
      %dma_wait3A_394 = tpu.memref_slice %arg15[%dma_wait3A_392, %dma_wait3A_393] : memref<80x577xf32, #tpu.memory_space<vmem>> -> memref<16x576xf32, #tpu.memory_space<vmem>>
      %dma_wait3A_395 = arith.constant 0 : i32
      %dma_wait3A_396 = tpu.memref_slice %arg3[%add3A_386, %dma_wait3A_395] : memref<40960x576xf32, #tpu.memory_space<hbm>> -> memref<16x576xf32, #tpu.memory_space<hbm>>
      tpu.wait_dma2 semaphore(%arg23 : memref<!tpu.dma_semaphore, #tpu.memory_space<semaphore_mem>>) src(%dma_wait3A_396 : memref<16x576xf32, #tpu.memory_space<hbm>>) dst(%dma_wait3A_394 : memref<16x576xf32, #tpu.memory_space<vmem>>)
      %dma_wait3A_397 = arith.constant 0 : i32
      %dma_wait3A_398 = arith.constant 0 : i32
      %dma_wait3A_399 = tpu.memref_slice %arg16[%dma_wait3A_397, %dma_wait3A_398] : memref<16x193xf32, #tpu.memory_space<vmem>> -> memref<16x192xf32, #tpu.memory_space<vmem>>
      %dma_wait3A_400 = arith.constant 0 : i32
      %dma_wait3A_401 = tpu.memref_slice %arg4[%add3A_326, %dma_wait3A_400] : memref<8192x192xf32, #tpu.memory_space<hbm>> -> memref<16x192xf32, #tpu.memory_space<hbm>>
      %dma_wait3A_402 = arith.constant 0 : i32
      %dma_wait3A_403 = arith.constant 0 : i32
      %dma_wait3A_404 = tpu.memref_slice %arg16[%dma_wait3A_402, %dma_wait3A_403] : memref<16x193xf32, #tpu.memory_space<vmem>> -> memref<16x192xf32, #tpu.memory_space<vmem>>
      %dma_wait3A_405 = arith.constant 0 : i32
      %dma_wait3A_406 = tpu.memref_slice %arg4[%add3A_326, %dma_wait3A_405] : memref<8192x192xf32, #tpu.memory_space<hbm>> -> memref<16x192xf32, #tpu.memory_space<hbm>>
      tpu.wait_dma2 semaphore(%arg23 : memref<!tpu.dma_semaphore, #tpu.memory_space<semaphore_mem>>) src(%dma_wait3A_406 : memref<16x192xf32, #tpu.memory_space<hbm>>) dst(%dma_wait3A_404 : memref<16x192xf32, #tpu.memory_space<vmem>>)
      %dma_wait3A_407 = arith.constant 0 : i32
      %dma_wait3A_408 = arith.constant 0 : i32
      %dma_wait3A_409 = tpu.memref_slice %arg17[%dma_wait3A_407, %dma_wait3A_408] : memref<16x193xf32, #tpu.memory_space<vmem>> -> memref<16x192xf32, #tpu.memory_space<vmem>>
      %dma_wait3A_410 = arith.constant 0 : i32
      %dma_wait3A_411 = tpu.memref_slice %arg5[%add3A_326, %dma_wait3A_410] : memref<8192x192xf32, #tpu.memory_space<hbm>> -> memref<16x192xf32, #tpu.memory_space<hbm>>
      %dma_wait3A_412 = arith.constant 0 : i32
      %dma_wait3A_413 = arith.constant 0 : i32
      %dma_wait3A_414 = tpu.memref_slice %arg17[%dma_wait3A_412, %dma_wait3A_413] : memref<16x193xf32, #tpu.memory_space<vmem>> -> memref<16x192xf32, #tpu.memory_space<vmem>>
      %dma_wait3A_415 = arith.constant 0 : i32
      %dma_wait3A_416 = tpu.memref_slice %arg5[%add3A_326, %dma_wait3A_415] : memref<8192x192xf32, #tpu.memory_space<hbm>> -> memref<16x192xf32, #tpu.memory_space<hbm>>
      tpu.wait_dma2 semaphore(%arg23 : memref<!tpu.dma_semaphore, #tpu.memory_space<semaphore_mem>>) src(%dma_wait3A_416 : memref<16x192xf32, #tpu.memory_space<hbm>>) dst(%dma_wait3A_414 : memref<16x192xf32, #tpu.memory_space<vmem>>)
      %lt3A = arith.constant 7 : i32
      %lt3A_417 = arith.cmpi slt, %scan3A_100, %lt3A : i32
      %convert_element_type3A = arith.extui %lt3A_417 : i1 to i32
      %cond3A = arith.constant 0 : i32
      %cond3A_418 = arith.cmpi ne, %convert_element_type3A, %cond3A : i32
      scf.if %cond3A_418 {
        %add3A_450 = arith.constant 2 : i32
        %add3A_451 = arith.addi %mul3A_103, %add3A_450 : i32
        %mul3A_452 = arith.constant 256 : i32
        %mul3A_453 = arith.muli %add3A, %mul3A_452 : i32
        %mul3A_454 = arith.constant 16 : i32
        %mul3A_455 = arith.muli %add3A_451, %mul3A_454 : i32
        %add3A_456 = arith.addi %mul3A_453, %mul3A_455 : i32
        %dma_start3A_457 = arith.constant 0 : i32
        %dma_start3A_458 = arith.constant 0 : i32
        %dma_start3A_459 = tpu.memref_slice %arg10[%dma_start3A_457, %dma_start3A_458] : memref<16x577xf32, #tpu.memory_space<vmem>> -> memref<16x576xf32, #tpu.memory_space<vmem>>
        %dma_start3A_460 = arith.constant 0 : i32
        %dma_start3A_461 = tpu.memref_slice %arg2[%add3A_456, %dma_start3A_460] : memref<8192x576xf32, #tpu.memory_space<hbm>> -> memref<16x576xf32, #tpu.memory_space<hbm>>
        %dma_start3A_462 = arith.constant 0 : i32
        %dma_start3A_463 = arith.constant 0 : i32
        %dma_start3A_464 = tpu.memref_slice %arg10[%dma_start3A_462, %dma_start3A_463] : memref<16x577xf32, #tpu.memory_space<vmem>> -> memref<16x576xf32, #tpu.memory_space<vmem>>
        %dma_start3A_465 = arith.constant 0 : i32
        %dma_start3A_466 = tpu.memref_slice %arg2[%add3A_456, %dma_start3A_465] : memref<8192x576xf32, #tpu.memory_space<hbm>> -> memref<16x576xf32, #tpu.memory_space<hbm>>
        tpu.enqueue_dma source(%dma_start3A_466 : memref<16x576xf32, #tpu.memory_space<hbm>>) target(%dma_start3A_464 : memref<16x576xf32, #tpu.memory_space<vmem>>) target_semaphore(%arg22 : memref<!tpu.dma_semaphore, #tpu.memory_space<semaphore_mem>>)
        %add3A_467 = arith.constant 0 : i32
        %add3A_468 = arith.addi %add3A_467, %add3A_456 : i32
        %dma_start3A_469 = arith.constant 0 : i32
        %dma_start3A_470 = arith.constant 0 : i32
        %dma_start3A_471 = tpu.memref_slice %arg11[%dma_start3A_469, %dma_start3A_470] : memref<80x577xf32, #tpu.memory_space<vmem>> -> memref<16x576xf32, #tpu.memory_space<vmem>>
        %dma_start3A_472 = arith.constant 0 : i32
        %dma_start3A_473 = tpu.memref_slice %arg3[%add3A_468, %dma_start3A_472] : memref<40960x576xf32, #tpu.memory_space<hbm>> -> memref<16x576xf32, #tpu.memory_space<hbm>>
        %dma_start3A_474 = arith.constant 0 : i32
        %dma_start3A_475 = arith.constant 0 : i32
        %dma_start3A_476 = tpu.memref_slice %arg11[%dma_start3A_474, %dma_start3A_475] : memref<80x577xf32, #tpu.memory_space<vmem>> -> memref<16x576xf32, #tpu.memory_space<vmem>>
        %dma_start3A_477 = arith.constant 0 : i32
        %dma_start3A_478 = tpu.memref_slice %arg3[%add3A_468, %dma_start3A_477] : memref<40960x576xf32, #tpu.memory_space<hbm>> -> memref<16x576xf32, #tpu.memory_space<hbm>>
        tpu.enqueue_dma source(%dma_start3A_478 : memref<16x576xf32, #tpu.memory_space<hbm>>) target(%dma_start3A_476 : memref<16x576xf32, #tpu.memory_space<vmem>>) target_semaphore(%arg22 : memref<!tpu.dma_semaphore, #tpu.memory_space<semaphore_mem>>)
        %add3A_479 = arith.constant 8192 : i32
        %add3A_480 = arith.addi %add3A_479, %add3A_456 : i32
        %dma_start3A_481 = arith.constant 16 : i32
        %dma_start3A_482 = arith.constant 0 : i32
        %dma_start3A_483 = tpu.memref_slice %arg11[%dma_start3A_481, %dma_start3A_482] : memref<80x577xf32, #tpu.memory_space<vmem>> -> memref<16x576xf32, #tpu.memory_space<vmem>>
        %dma_start3A_484 = arith.constant 0 : i32
        %dma_start3A_485 = tpu.memref_slice %arg3[%add3A_480, %dma_start3A_484] : memref<40960x576xf32, #tpu.memory_space<hbm>> -> memref<16x576xf32, #tpu.memory_space<hbm>>
        %dma_start3A_486 = arith.constant 16 : i32
        %dma_start3A_487 = arith.constant 0 : i32
        %dma_start3A_488 = tpu.memref_slice %arg11[%dma_start3A_486, %dma_start3A_487] : memref<80x577xf32, #tpu.memory_space<vmem>> -> memref<16x576xf32, #tpu.memory_space<vmem>>
        %dma_start3A_489 = arith.constant 0 : i32
        %dma_start3A_490 = tpu.memref_slice %arg3[%add3A_480, %dma_start3A_489] : memref<40960x576xf32, #tpu.memory_space<hbm>> -> memref<16x576xf32, #tpu.memory_space<hbm>>
        tpu.enqueue_dma source(%dma_start3A_490 : memref<16x576xf32, #tpu.memory_space<hbm>>) target(%dma_start3A_488 : memref<16x576xf32, #tpu.memory_space<vmem>>) target_semaphore(%arg22 : memref<!tpu.dma_semaphore, #tpu.memory_space<semaphore_mem>>)
        %add3A_491 = arith.constant 16384 : i32
        %add3A_492 = arith.addi %add3A_491, %add3A_456 : i32
        %dma_start3A_493 = arith.constant 32 : i32
        %dma_start3A_494 = arith.constant 0 : i32
        %dma_start3A_495 = tpu.memref_slice %arg11[%dma_start3A_493, %dma_start3A_494] : memref<80x577xf32, #tpu.memory_space<vmem>> -> memref<16x576xf32, #tpu.memory_space<vmem>>
        %dma_start3A_496 = arith.constant 0 : i32
        %dma_start3A_497 = tpu.memref_slice %arg3[%add3A_492, %dma_start3A_496] : memref<40960x576xf32, #tpu.memory_space<hbm>> -> memref<16x576xf32, #tpu.memory_space<hbm>>
        %dma_start3A_498 = arith.constant 32 : i32
        %dma_start3A_499 = arith.constant 0 : i32
        %dma_start3A_500 = tpu.memref_slice %arg11[%dma_start3A_498, %dma_start3A_499] : memref<80x577xf32, #tpu.memory_space<vmem>> -> memref<16x576xf32, #tpu.memory_space<vmem>>
        %dma_start3A_501 = arith.constant 0 : i32
        %dma_start3A_502 = tpu.memref_slice %arg3[%add3A_492, %dma_start3A_501] : memref<40960x576xf32, #tpu.memory_space<hbm>> -> memref<16x576xf32, #tpu.memory_space<hbm>>
        tpu.enqueue_dma source(%dma_start3A_502 : memref<16x576xf32, #tpu.memory_space<hbm>>) target(%dma_start3A_500 : memref<16x576xf32, #tpu.memory_space<vmem>>) target_semaphore(%arg22 : memref<!tpu.dma_semaphore, #tpu.memory_space<semaphore_mem>>)
        %add3A_503 = arith.constant 24576 : i32
        %add3A_504 = arith.addi %add3A_503, %add3A_456 : i32
        %dma_start3A_505 = arith.constant 48 : i32
        %dma_start3A_506 = arith.constant 0 : i32
        %dma_start3A_507 = tpu.memref_slice %arg11[%dma_start3A_505, %dma_start3A_506] : memref<80x577xf32, #tpu.memory_space<vmem>> -> memref<16x576xf32, #tpu.memory_space<vmem>>
        %dma_start3A_508 = arith.constant 0 : i32
        %dma_start3A_509 = tpu.memref_slice %arg3[%add3A_504, %dma_start3A_508] : memref<40960x576xf32, #tpu.memory_space<hbm>> -> memref<16x576xf32, #tpu.memory_space<hbm>>
        %dma_start3A_510 = arith.constant 48 : i32
        %dma_start3A_511 = arith.constant 0 : i32
        %dma_start3A_512 = tpu.memref_slice %arg11[%dma_start3A_510, %dma_start3A_511] : memref<80x577xf32, #tpu.memory_space<vmem>> -> memref<16x576xf32, #tpu.memory_space<vmem>>
        %dma_start3A_513 = arith.constant 0 : i32
        %dma_start3A_514 = tpu.memref_slice %arg3[%add3A_504, %dma_start3A_513] : memref<40960x576xf32, #tpu.memory_space<hbm>> -> memref<16x576xf32, #tpu.memory_space<hbm>>
        tpu.enqueue_dma source(%dma_start3A_514 : memref<16x576xf32, #tpu.memory_space<hbm>>) target(%dma_start3A_512 : memref<16x576xf32, #tpu.memory_space<vmem>>) target_semaphore(%arg22 : memref<!tpu.dma_semaphore, #tpu.memory_space<semaphore_mem>>)
        %add3A_515 = arith.constant 32768 : i32
        %add3A_516 = arith.addi %add3A_515, %add3A_456 : i32
        %dma_start3A_517 = arith.constant 64 : i32
        %dma_start3A_518 = arith.constant 0 : i32
        %dma_start3A_519 = tpu.memref_slice %arg11[%dma_start3A_517, %dma_start3A_518] : memref<80x577xf32, #tpu.memory_space<vmem>> -> memref<16x576xf32, #tpu.memory_space<vmem>>
        %dma_start3A_520 = arith.constant 0 : i32
        %dma_start3A_521 = tpu.memref_slice %arg3[%add3A_516, %dma_start3A_520] : memref<40960x576xf32, #tpu.memory_space<hbm>> -> memref<16x576xf32, #tpu.memory_space<hbm>>
        %dma_start3A_522 = arith.constant 64 : i32
        %dma_start3A_523 = arith.constant 0 : i32
        %dma_start3A_524 = tpu.memref_slice %arg11[%dma_start3A_522, %dma_start3A_523] : memref<80x577xf32, #tpu.memory_space<vmem>> -> memref<16x576xf32, #tpu.memory_space<vmem>>
        %dma_start3A_525 = arith.constant 0 : i32
        %dma_start3A_526 = tpu.memref_slice %arg3[%add3A_516, %dma_start3A_525] : memref<40960x576xf32, #tpu.memory_space<hbm>> -> memref<16x576xf32, #tpu.memory_space<hbm>>
        tpu.enqueue_dma source(%dma_start3A_526 : memref<16x576xf32, #tpu.memory_space<hbm>>) target(%dma_start3A_524 : memref<16x576xf32, #tpu.memory_space<vmem>>) target_semaphore(%arg22 : memref<!tpu.dma_semaphore, #tpu.memory_space<semaphore_mem>>)
        %dma_start3A_527 = arith.constant 0 : i32
        %dma_start3A_528 = arith.constant 0 : i32
        %dma_start3A_529 = tpu.memref_slice %arg12[%dma_start3A_527, %dma_start3A_528] : memref<16x193xf32, #tpu.memory_space<vmem>> -> memref<16x192xf32, #tpu.memory_space<vmem>>
        %dma_start3A_530 = arith.constant 0 : i32
        %dma_start3A_531 = tpu.memref_slice %arg4[%add3A_456, %dma_start3A_530] : memref<8192x192xf32, #tpu.memory_space<hbm>> -> memref<16x192xf32, #tpu.memory_space<hbm>>
        %dma_start3A_532 = arith.constant 0 : i32
        %dma_start3A_533 = arith.constant 0 : i32
        %dma_start3A_534 = tpu.memref_slice %arg12[%dma_start3A_532, %dma_start3A_533] : memref<16x193xf32, #tpu.memory_space<vmem>> -> memref<16x192xf32, #tpu.memory_space<vmem>>
        %dma_start3A_535 = arith.constant 0 : i32
        %dma_start3A_536 = tpu.memref_slice %arg4[%add3A_456, %dma_start3A_535] : memref<8192x192xf32, #tpu.memory_space<hbm>> -> memref<16x192xf32, #tpu.memory_space<hbm>>
        tpu.enqueue_dma source(%dma_start3A_536 : memref<16x192xf32, #tpu.memory_space<hbm>>) target(%dma_start3A_534 : memref<16x192xf32, #tpu.memory_space<vmem>>) target_semaphore(%arg22 : memref<!tpu.dma_semaphore, #tpu.memory_space<semaphore_mem>>)
        %dma_start3A_537 = arith.constant 0 : i32
        %dma_start3A_538 = arith.constant 0 : i32
        %dma_start3A_539 = tpu.memref_slice %arg13[%dma_start3A_537, %dma_start3A_538] : memref<16x193xf32, #tpu.memory_space<vmem>> -> memref<16x192xf32, #tpu.memory_space<vmem>>
        %dma_start3A_540 = arith.constant 0 : i32
        %dma_start3A_541 = tpu.memref_slice %arg5[%add3A_456, %dma_start3A_540] : memref<8192x192xf32, #tpu.memory_space<hbm>> -> memref<16x192xf32, #tpu.memory_space<hbm>>
        %dma_start3A_542 = arith.constant 0 : i32
        %dma_start3A_543 = arith.constant 0 : i32
        %dma_start3A_544 = tpu.memref_slice %arg13[%dma_start3A_542, %dma_start3A_543] : memref<16x193xf32, #tpu.memory_space<vmem>> -> memref<16x192xf32, #tpu.memory_space<vmem>>
        %dma_start3A_545 = arith.constant 0 : i32
        %dma_start3A_546 = tpu.memref_slice %arg5[%add3A_456, %dma_start3A_545] : memref<8192x192xf32, #tpu.memory_space<hbm>> -> memref<16x192xf32, #tpu.memory_space<hbm>>
        tpu.enqueue_dma source(%dma_start3A_546 : memref<16x192xf32, #tpu.memory_space<hbm>>) target(%dma_start3A_544 : memref<16x192xf32, #tpu.memory_space<vmem>>) target_semaphore(%arg22 : memref<!tpu.dma_semaphore, #tpu.memory_space<semaphore_mem>>)
      } else {
      }
      %add3A_419 = arith.constant 1 : i32
      %add3A_420 = arith.addi %mul3A_103, %add3A_419 : i32
      %mul3A_421 = arith.constant 256 : i32
      %mul3A_422 = arith.muli %add3A, %mul3A_421 : i32
      %mul3A_423 = arith.constant 16 : i32
      %mul3A_424 = arith.muli %add3A_420, %mul3A_423 : i32
      %add3A_425 = arith.addi %mul3A_422, %mul3A_424 : i32
      %broadcast_in_dim3A_426 = arith.constant 0.000000e+00 : f32
      %broadcast_in_dim3A_427 = vector.broadcast %broadcast_in_dim3A_426 : f32 to vector<16xf32>
      %broadcast_in_dim3A_428 = arith.constant 1.000000e+00 : f32
      %broadcast_in_dim3A_429 = vector.broadcast %broadcast_in_dim3A_428 : f32 to vector<16xf32>
      %broadcast_in_dim3A_430 = arith.constant 0 : i32
      %broadcast_in_dim3A_431 = vector.broadcast %broadcast_in_dim3A_430 : i32 to vector<16xi32>
      %gather3A_432 = tpu.vector_load_idx %arg17[%iota3A, %broadcast_in_dim3A_431] : memref<16x193xf32, #tpu.memory_space<vmem>>[vector<16xi32>, vector<16xi32>], vector<16xf32>,
      %scan3A_433 = arith.constant 0 : i32
      %scan3A_434 = arith.constant 192 : i32
      %scan3A_435 = arith.addi %scan3A_433, %scan3A_434 : i32
      %scan3A_436 = arith.constant 1 : i32
      %scan3A_437:7 = scf.for %scan3A_450 = %scan3A_433 to %scan3A_435 step %scan3A_436 iter_args(%scan3A_451 = %broadcast_in_dim3A_429, %scan3A_452 = %gather3A_432, %scan3A_453 = %broadcast_in_dim3A_427, %scan3A_454 = %broadcast_in_dim3A_427, %scan3A_455 = %broadcast_in_dim3A_427, %scan3A_456 = %broadcast_in_dim3A_427, %scan3A_457 = %broadcast_in_dim3A_427) -> (vector<16xf32>, vector<16xf32>, vector<16xf32>, vector<16xf32>, vector<16xf32>, vector<16xf32>, vector<16xf32>)  : i32 {
        %broadcast_in_dim3A_458 = vector.broadcast %scan3A_450 : i32 to vector<16xi32>
        %gather3A_459 = tpu.vector_load_idx %arg16[%iota3A, %broadcast_in_dim3A_458] : memref<16x193xf32, #tpu.memory_space<vmem>>[vector<16xi32>, vector<16xi32>], vector<16xf32>,
        %add3A_460 = arith.constant 1 : i32
        %add3A_461 = arith.addi %scan3A_450, %add3A_460 : i32
        %min3A = arith.constant 191 : i32
        %min3A_462 = arith.minsi %add3A_461, %min3A : i32
        %broadcast_in_dim3A_463 = vector.broadcast %min3A_462 : i32 to vector<16xi32>
        %gather3A_464 = tpu.vector_load_idx %arg17[%iota3A, %broadcast_in_dim3A_463] : memref<16x193xf32, #tpu.memory_space<vmem>>[vector<16xi32>, vector<16xi32>], vector<16xf32>,
        %eq3A = arith.constant 191 : i32
        %eq3A_465 = arith.cmpi eq, %scan3A_450, %eq3A : i32
        %broadcast_in_dim3A_466 = arith.constant 1.000000e+10 : f32
        %broadcast_in_dim3A_467 = vector.broadcast %broadcast_in_dim3A_466 : f32 to vector<16xf32>
        %sub3A = arith.subf %gather3A_464, %scan3A_452 : vector<16xf32>
        %select_n3A = arith.select %eq3A_465, %broadcast_in_dim3A_467, %sub3A : vector<16xf32>
        %max3A = arith.constant 0.000000e+00 : f32
        %max3A_468 = vector.broadcast %max3A : f32 to vector<16xf32>
        %max3A_469 = arith.maximumf %gather3A_459, %max3A_468 : vector<16xf32>
        %mul3A_470 = arith.mulf %select_n3A, %max3A_469 : vector<16xf32>
        %neg3A = arith.constant 0.000000e+00 : f32
        %neg3A_471 = vector.broadcast %neg3A : f32 to vector<16xf32>
        %neg3A_472 = arith.subf %neg3A_471, %mul3A_470 : vector<16xf32>
        %exp3A = math.exp %neg3A_472 : vector<16xf32>
        %mul3A_473 = arith.mulf %scan3A_451, %exp3A : vector<16xf32>
        %sub3A_474 = arith.subf %scan3A_451, %mul3A_473 : vector<16xf32>
        tpu.vector_store_idx %arg18[%iota3A, %broadcast_in_dim3A_458], %sub3A_474 : memref<16x193xf32, #tpu.memory_space<vmem>>[vector<16xi32>, vector<16xi32>], vector<16xf32>,
        %ge3A = arith.constant 0.00999999977 : f32
        %ge3A_475 = vector.broadcast %ge3A : f32 to vector<16xf32>
        %ge3A_476 = arith.cmpf oge, %sub3A_474, %ge3A_475 : vector<16xf32>
        %mul3A_477 = arith.constant 3 : i32
        %mul3A_478 = arith.muli %scan3A_450, %mul3A_477 : i32
        %broadcast_in_dim3A_479 = vector.broadcast %mul3A_478 : i32 to vector<16xi32>
        %mul3A_480 = arith.constant 3 : i32
        %mul3A_481 = arith.muli %scan3A_450, %mul3A_480 : i32
        %add3A_482 = arith.constant 1 : i32
        %add3A_483 = arith.addi %mul3A_481, %add3A_482 : i32
        %broadcast_in_dim3A_484 = vector.broadcast %add3A_483 : i32 to vector<16xi32>
        %mul3A_485 = arith.constant 3 : i32
        %mul3A_486 = arith.muli %scan3A_450, %mul3A_485 : i32
        %add3A_487 = arith.constant 2 : i32
        %add3A_488 = arith.addi %mul3A_486, %add3A_487 : i32
        %broadcast_in_dim3A_489 = vector.broadcast %add3A_488 : i32 to vector<16xi32>
        %gather3A_490 = tpu.vector_load_idx %arg14[%iota3A, %broadcast_in_dim3A_479] : memref<16x577xf32, #tpu.memory_space<vmem>>[vector<16xi32>, vector<16xi32>], vector<16xf32>,
        %gather3A_491 = tpu.vector_load_idx %arg14[%iota3A, %broadcast_in_dim3A_484] : memref<16x577xf32, #tpu.memory_space<vmem>>[vector<16xi32>, vector<16xi32>], vector<16xf32>,
        %gather3A_492 = tpu.vector_load_idx %arg14[%iota3A, %broadcast_in_dim3A_489] : memref<16x577xf32, #tpu.memory_space<vmem>>[vector<16xi32>, vector<16xi32>], vector<16xf32>,
        %broadcast_in_dim3A_493 = arith.constant 1.000000e+00 : f32
        %broadcast_in_dim3A_494 = vector.broadcast %broadcast_in_dim3A_493 : f32 to vector<16xf32>
        %broadcast_in_dim3A_495 = arith.constant 0.000000e+00 : f32
        %broadcast_in_dim3A_496 = vector.broadcast %broadcast_in_dim3A_495 : f32 to vector<16xf32>
        %broadcast_in_dim3A_497 = arith.constant 0.000000e+00 : f32
        %broadcast_in_dim3A_498 = vector.broadcast %broadcast_in_dim3A_497 : f32 to vector<16xf32>
        %broadcast_in_dim3A_499 = arith.constant 0.000000e+00 : f32
        %broadcast_in_dim3A_500 = vector.broadcast %broadcast_in_dim3A_499 : f32 to vector<16xf32>
        %add3A_501 = arith.constant 0 : i32
        %add3A_502 = vector.broadcast %add3A_501 : i32 to vector<16xi32>
        %add3A_503 = arith.addi %iota3A, %add3A_502 : vector<16xi32>
        %gather3A_504 = tpu.vector_load_idx %arg15[%add3A_503, %broadcast_in_dim3A_479] : memref<80x577xf32, #tpu.memory_space<vmem>>[vector<16xi32>, vector<16xi32>], vector<16xf32>,
        %gather3A_505 = tpu.vector_load_idx %arg15[%add3A_503, %broadcast_in_dim3A_484] : memref<80x577xf32, #tpu.memory_space<vmem>>[vector<16xi32>, vector<16xi32>], vector<16xf32>,
        %gather3A_506 = tpu.vector_load_idx %arg15[%add3A_503, %broadcast_in_dim3A_489] : memref<80x577xf32, #tpu.memory_space<vmem>>[vector<16xi32>, vector<16xi32>], vector<16xf32>,
        %sub3A_507 = arith.subf %gather3A_490, %gather3A_504 : vector<16xf32>
        %sub3A_508 = arith.subf %gather3A_491, %gather3A_505 : vector<16xf32>
        %sub3A_509 = arith.subf %gather3A_492, %gather3A_506 : vector<16xf32>
        %mul3A_510 = arith.mulf %sub3A_507, %sub3A_507 : vector<16xf32>
        %mul3A_511 = arith.mulf %sub3A_508, %sub3A_508 : vector<16xf32>
        %add3A_512 = arith.addf %mul3A_510, %mul3A_511 : vector<16xf32>
        %mul3A_513 = arith.mulf %sub3A_509, %sub3A_509 : vector<16xf32>
        %add3A_514 = arith.addf %add3A_512, %mul3A_513 : vector<16xf32>
        %neg3A_515 = arith.constant 0.000000e+00 : f32
        %neg3A_516 = vector.broadcast %neg3A_515 : f32 to vector<16xf32>
        %neg3A_517 = arith.subf %neg3A_516, %add3A_514 : vector<16xf32>
        %exp3A_518 = math.exp %neg3A_517 : vector<16xf32>
        %add3A_519 = arith.addf %broadcast_in_dim3A_494, %exp3A_518 : vector<16xf32>
        %mul3A_520 = arith.mulf %gather3A_504, %exp3A_518 : vector<16xf32>
        %add3A_521 = arith.addf %broadcast_in_dim3A_496, %mul3A_520 : vector<16xf32>
        %mul3A_522 = arith.mulf %gather3A_505, %exp3A_518 : vector<16xf32>
        %add3A_523 = arith.addf %broadcast_in_dim3A_498, %mul3A_522 : vector<16xf32>
        %mul3A_524 = arith.mulf %gather3A_506, %exp3A_518 : vector<16xf32>
        %add3A_525 = arith.addf %broadcast_in_dim3A_500, %mul3A_524 : vector<16xf32>
        %add3A_526 = arith.constant 16 : i32
        %add3A_527 = vector.broadcast %add3A_526 : i32 to vector<16xi32>
        %add3A_528 = arith.addi %iota3A, %add3A_527 : vector<16xi32>
        %gather3A_529 = tpu.vector_load_idx %arg15[%add3A_528, %broadcast_in_dim3A_479] : memref<80x577xf32, #tpu.memory_space<vmem>>[vector<16xi32>, vector<16xi32>], vector<16xf32>,
        %gather3A_530 = tpu.vector_load_idx %arg15[%add3A_528, %broadcast_in_dim3A_484] : memref<80x577xf32, #tpu.memory_space<vmem>>[vector<16xi32>, vector<16xi32>], vector<16xf32>,
        %gather3A_531 = tpu.vector_load_idx %arg15[%add3A_528, %broadcast_in_dim3A_489] : memref<80x577xf32, #tpu.memory_space<vmem>>[vector<16xi32>, vector<16xi32>], vector<16xf32>,
        %sub3A_532 = arith.subf %gather3A_490, %gather3A_529 : vector<16xf32>
        %sub3A_533 = arith.subf %gather3A_491, %gather3A_530 : vector<16xf32>
        %sub3A_534 = arith.subf %gather3A_492, %gather3A_531 : vector<16xf32>
        %mul3A_535 = arith.mulf %sub3A_532, %sub3A_532 : vector<16xf32>
        %mul3A_536 = arith.mulf %sub3A_533, %sub3A_533 : vector<16xf32>
        %add3A_537 = arith.addf %mul3A_535, %mul3A_536 : vector<16xf32>
        %mul3A_538 = arith.mulf %sub3A_534, %sub3A_534 : vector<16xf32>
        %add3A_539 = arith.addf %add3A_537, %mul3A_538 : vector<16xf32>
        %neg3A_540 = arith.constant 0.000000e+00 : f32
        %neg3A_541 = vector.broadcast %neg3A_540 : f32 to vector<16xf32>
        %neg3A_542 = arith.subf %neg3A_541, %add3A_539 : vector<16xf32>
        %exp3A_543 = math.exp %neg3A_542 : vector<16xf32>
        %add3A_544 = arith.addf %add3A_519, %exp3A_543 : vector<16xf32>
        %mul3A_545 = arith.mulf %gather3A_529, %exp3A_543 : vector<16xf32>
        %add3A_546 = arith.addf %add3A_521, %mul3A_545 : vector<16xf32>
        %mul3A_547 = arith.mulf %gather3A_530, %exp3A_543 : vector<16xf32>
        %add3A_548 = arith.addf %add3A_523, %mul3A_547 : vector<16xf32>
        %mul3A_549 = arith.mulf %gather3A_531, %exp3A_543 : vector<16xf32>
        %add3A_550 = arith.addf %add3A_525, %mul3A_549 : vector<16xf32>
        %add3A_551 = arith.constant 32 : i32
        %add3A_552 = vector.broadcast %add3A_551 : i32 to vector<16xi32>
        %add3A_553 = arith.addi %iota3A, %add3A_552 : vector<16xi32>
        %gather3A_554 = tpu.vector_load_idx %arg15[%add3A_553, %broadcast_in_dim3A_479] : memref<80x577xf32, #tpu.memory_space<vmem>>[vector<16xi32>, vector<16xi32>], vector<16xf32>,
        %gather3A_555 = tpu.vector_load_idx %arg15[%add3A_553, %broadcast_in_dim3A_484] : memref<80x577xf32, #tpu.memory_space<vmem>>[vector<16xi32>, vector<16xi32>], vector<16xf32>,
        %gather3A_556 = tpu.vector_load_idx %arg15[%add3A_553, %broadcast_in_dim3A_489] : memref<80x577xf32, #tpu.memory_space<vmem>>[vector<16xi32>, vector<16xi32>], vector<16xf32>,
        %sub3A_557 = arith.subf %gather3A_490, %gather3A_554 : vector<16xf32>
        %sub3A_558 = arith.subf %gather3A_491, %gather3A_555 : vector<16xf32>
        %sub3A_559 = arith.subf %gather3A_492, %gather3A_556 : vector<16xf32>
        %mul3A_560 = arith.mulf %sub3A_557, %sub3A_557 : vector<16xf32>
        %mul3A_561 = arith.mulf %sub3A_558, %sub3A_558 : vector<16xf32>
        %add3A_562 = arith.addf %mul3A_560, %mul3A_561 : vector<16xf32>
        %mul3A_563 = arith.mulf %sub3A_559, %sub3A_559 : vector<16xf32>
        %add3A_564 = arith.addf %add3A_562, %mul3A_563 : vector<16xf32>
        %neg3A_565 = arith.constant 0.000000e+00 : f32
        %neg3A_566 = vector.broadcast %neg3A_565 : f32 to vector<16xf32>
        %neg3A_567 = arith.subf %neg3A_566, %add3A_564 : vector<16xf32>
        %exp3A_568 = math.exp %neg3A_567 : vector<16xf32>
        %add3A_569 = arith.addf %add3A_544, %exp3A_568 : vector<16xf32>
        %mul3A_570 = arith.mulf %gather3A_554, %exp3A_568 : vector<16xf32>
        %add3A_571 = arith.addf %add3A_546, %mul3A_570 : vector<16xf32>
        %mul3A_572 = arith.mulf %gather3A_555, %exp3A_568 : vector<16xf32>
        %add3A_573 = arith.addf %add3A_548, %mul3A_572 : vector<16xf32>
        %mul3A_574 = arith.mulf %gather3A_556, %exp3A_568 : vector<16xf32>
        %add3A_575 = arith.addf %add3A_550, %mul3A_574 : vector<16xf32>
        %add3A_576 = arith.constant 48 : i32
        %add3A_577 = vector.broadcast %add3A_576 : i32 to vector<16xi32>
        %add3A_578 = arith.addi %iota3A, %add3A_577 : vector<16xi32>
        %gather3A_579 = tpu.vector_load_idx %arg15[%add3A_578, %broadcast_in_dim3A_479] : memref<80x577xf32, #tpu.memory_space<vmem>>[vector<16xi32>, vector<16xi32>], vector<16xf32>,
        %gather3A_580 = tpu.vector_load_idx %arg15[%add3A_578, %broadcast_in_dim3A_484] : memref<80x577xf32, #tpu.memory_space<vmem>>[vector<16xi32>, vector<16xi32>], vector<16xf32>,
        %gather3A_581 = tpu.vector_load_idx %arg15[%add3A_578, %broadcast_in_dim3A_489] : memref<80x577xf32, #tpu.memory_space<vmem>>[vector<16xi32>, vector<16xi32>], vector<16xf32>,
        %sub3A_582 = arith.subf %gather3A_490, %gather3A_579 : vector<16xf32>
        %sub3A_583 = arith.subf %gather3A_491, %gather3A_580 : vector<16xf32>
        %sub3A_584 = arith.subf %gather3A_492, %gather3A_581 : vector<16xf32>
        %mul3A_585 = arith.mulf %sub3A_582, %sub3A_582 : vector<16xf32>
        %mul3A_586 = arith.mulf %sub3A_583, %sub3A_583 : vector<16xf32>
        %add3A_587 = arith.addf %mul3A_585, %mul3A_586 : vector<16xf32>
        %mul3A_588 = arith.mulf %sub3A_584, %sub3A_584 : vector<16xf32>
        %add3A_589 = arith.addf %add3A_587, %mul3A_588 : vector<16xf32>
        %neg3A_590 = arith.constant 0.000000e+00 : f32
        %neg3A_591 = vector.broadcast %neg3A_590 : f32 to vector<16xf32>
        %neg3A_592 = arith.subf %neg3A_591, %add3A_589 : vector<16xf32>
        %exp3A_593 = math.exp %neg3A_592 : vector<16xf32>
        %add3A_594 = arith.addf %add3A_569, %exp3A_593 : vector<16xf32>
        %mul3A_595 = arith.mulf %gather3A_579, %exp3A_593 : vector<16xf32>
        %add3A_596 = arith.addf %add3A_571, %mul3A_595 : vector<16xf32>
        %mul3A_597 = arith.mulf %gather3A_580, %exp3A_593 : vector<16xf32>
        %add3A_598 = arith.addf %add3A_573, %mul3A_597 : vector<16xf32>
        %mul3A_599 = arith.mulf %gather3A_581, %exp3A_593 : vector<16xf32>
        %add3A_600 = arith.addf %add3A_575, %mul3A_599 : vector<16xf32>
        %add3A_601 = arith.constant 64 : i32
        %add3A_602 = vector.broadcast %add3A_601 : i32 to vector<16xi32>
        %add3A_603 = arith.addi %iota3A, %add3A_602 : vector<16xi32>
        %gather3A_604 = tpu.vector_load_idx %arg15[%add3A_603, %broadcast_in_dim3A_479] : memref<80x577xf32, #tpu.memory_space<vmem>>[vector<16xi32>, vector<16xi32>], vector<16xf32>,
        %gather3A_605 = tpu.vector_load_idx %arg15[%add3A_603, %broadcast_in_dim3A_484] : memref<80x577xf32, #tpu.memory_space<vmem>>[vector<16xi32>, vector<16xi32>], vector<16xf32>,
        %gather3A_606 = tpu.vector_load_idx %arg15[%add3A_603, %broadcast_in_dim3A_489] : memref<80x577xf32, #tpu.memory_space<vmem>>[vector<16xi32>, vector<16xi32>], vector<16xf32>,
        %sub3A_607 = arith.subf %gather3A_490, %gather3A_604 : vector<16xf32>
        %sub3A_608 = arith.subf %gather3A_491, %gather3A_605 : vector<16xf32>
        %sub3A_609 = arith.subf %gather3A_492, %gather3A_606 : vector<16xf32>
        %mul3A_610 = arith.mulf %sub3A_607, %sub3A_607 : vector<16xf32>
        %mul3A_611 = arith.mulf %sub3A_608, %sub3A_608 : vector<16xf32>
        %add3A_612 = arith.addf %mul3A_610, %mul3A_611 : vector<16xf32>
        %mul3A_613 = arith.mulf %sub3A_609, %sub3A_609 : vector<16xf32>
        %add3A_614 = arith.addf %add3A_612, %mul3A_613 : vector<16xf32>
        %neg3A_615 = arith.constant 0.000000e+00 : f32
        %neg3A_616 = vector.broadcast %neg3A_615 : f32 to vector<16xf32>
        %neg3A_617 = arith.subf %neg3A_616, %add3A_614 : vector<16xf32>
        %exp3A_618 = math.exp %neg3A_617 : vector<16xf32>
        %add3A_619 = arith.addf %add3A_594, %exp3A_618 : vector<16xf32>
        %mul3A_620 = arith.mulf %gather3A_604, %exp3A_618 : vector<16xf32>
        %add3A_621 = arith.addf %add3A_596, %mul3A_620 : vector<16xf32>
        %mul3A_622 = arith.mulf %gather3A_605, %exp3A_618 : vector<16xf32>
        %add3A_623 = arith.addf %add3A_598, %mul3A_622 : vector<16xf32>
        %mul3A_624 = arith.mulf %gather3A_606, %exp3A_618 : vector<16xf32>
        %add3A_625 = arith.addf %add3A_600, %mul3A_624 : vector<16xf32>
        %div3A = arith.constant 1.000000e+00 : f32
        %div3A_626 = vector.broadcast %div3A : f32 to vector<16xf32>
        %div3A_627 = arith.divf %div3A_626, %add3A_619 : vector<16xf32>
        %add3A_628 = arith.addf %gather3A_490, %add3A_621 : vector<16xf32>
        %mul3A_629 = arith.mulf %add3A_628, %div3A_627 : vector<16xf32>
        %select_n3A_630 = arith.select %ge3A_476, %mul3A_629, %gather3A_490 : vector<16xi1>, vector<16xf32>
        %add3A_631 = arith.addf %gather3A_491, %add3A_623 : vector<16xf32>
        %mul3A_632 = arith.mulf %add3A_631, %div3A_627 : vector<16xf32>
        %select_n3A_633 = arith.select %ge3A_476, %mul3A_632, %gather3A_491 : vector<16xi1>, vector<16xf32>
        %add3A_634 = arith.addf %gather3A_492, %add3A_625 : vector<16xf32>
        %mul3A_635 = arith.mulf %add3A_634, %div3A_627 : vector<16xf32>
        %select_n3A_636 = arith.select %ge3A_476, %mul3A_635, %gather3A_492 : vector<16xi1>, vector<16xf32>
        %mul3A_637 = arith.mulf %sub3A_474, %select_n3A_630 : vector<16xf32>
        %add3A_638 = arith.addf %scan3A_453, %mul3A_637 : vector<16xf32>
        %mul3A_639 = arith.mulf %sub3A_474, %select_n3A_633 : vector<16xf32>
        %add3A_640 = arith.addf %scan3A_454, %mul3A_639 : vector<16xf32>
        %mul3A_641 = arith.mulf %sub3A_474, %select_n3A_636 : vector<16xf32>
        %add3A_642 = arith.addf %scan3A_455, %mul3A_641 : vector<16xf32>
        %mul3A_643 = arith.mulf %sub3A_474, %scan3A_452 : vector<16xf32>
        %add3A_644 = arith.addf %scan3A_456, %mul3A_643 : vector<16xf32>
        %add3A_645 = arith.addf %scan3A_457, %sub3A_474 : vector<16xf32>
        scf.yield %mul3A_473, %gather3A_464, %add3A_638, %add3A_640, %add3A_642, %add3A_644, %add3A_645 : vector<16xf32>, vector<16xf32>, vector<16xf32>, vector<16xf32>, vector<16xf32>, vector<16xf32>, vector<16xf32>
      }
      %scan3A_438 = arith.constant 192 : i32
      %broadcast_in_dim3A_439 = arith.constant 0 : i32
      %broadcast_in_dim3A_440 = vector.broadcast %broadcast_in_dim3A_439 : i32 to vector<16xi32>
      tpu.vector_store_idx %arg19[%iota3A, %broadcast_in_dim3A_440], %scan3A_437#2 : memref<16x3xf32, #tpu.memory_space<vmem>>[vector<16xi32>, vector<16xi32>], vector<16xf32>,
      %broadcast_in_dim3A_441 = arith.constant 1 : i32
      %broadcast_in_dim3A_442 = vector.broadcast %broadcast_in_dim3A_441 : i32 to vector<16xi32>
      tpu.vector_store_idx %arg19[%iota3A, %broadcast_in_dim3A_442], %scan3A_437#3 : memref<16x3xf32, #tpu.memory_space<vmem>>[vector<16xi32>, vector<16xi32>], vector<16xf32>,
      %broadcast_in_dim3A_443 = arith.constant 2 : i32
      %broadcast_in_dim3A_444 = vector.broadcast %broadcast_in_dim3A_443 : i32 to vector<16xi32>
      tpu.vector_store_idx %arg19[%iota3A, %broadcast_in_dim3A_444], %scan3A_437#4 : memref<16x3xf32, #tpu.memory_space<vmem>>[vector<16xi32>, vector<16xi32>], vector<16xf32>,
      %swap3A_445 = arith.constant 0 : index
      %swap3A_446 = tpu.vector_load %arg20[%swap3A_445] {strides = array<i32>} : memref<16xf32, #tpu.memory_space<vmem>>, vector<16xf32>,
      tpu.vector_store %arg20[%swap3A_445], %scan3A_437#5 {strides = array<i32>} : memref<16xf32, #tpu.memory_space<vmem>>, vector<16xf32>,
      %swap3A_447 = arith.constant 0 : index
      %swap3A_448 = tpu.vector_load %arg21[%swap3A_447] {strides = array<i32>} : memref<16xf32, #tpu.memory_space<vmem>>, vector<16xf32>,
      tpu.vector_store %arg21[%swap3A_447], %scan3A_437#6 {strides = array<i32>} : memref<16xf32, #tpu.memory_space<vmem>>, vector<16xf32>,
      "tpu.region"() ({
        %run_scoped3A = tpu.sem_alloc : memref<!tpu.dma_semaphore, #tpu.memory_space<semaphore_mem>>
        %dma_start3A_450 = arith.constant 0 : i32
        %dma_start3A_451 = arith.constant 0 : i32
        %dma_start3A_452 = tpu.memref_slice %arg18[%dma_start3A_450, %dma_start3A_451] : memref<16x193xf32, #tpu.memory_space<vmem>> -> memref<16x192xf32, #tpu.memory_space<vmem>>
        %dma_start3A_453 = arith.constant 0 : i32
        %dma_start3A_454 = tpu.memref_slice %arg7[%add3A_425, %dma_start3A_453] : memref<8192x192xf32, #tpu.memory_space<hbm>> -> memref<16x192xf32, #tpu.memory_space<hbm>>
        %dma_start3A_455 = arith.constant 0 : i32
        %dma_start3A_456 = tpu.memref_slice %arg7[%add3A_425, %dma_start3A_455] : memref<8192x192xf32, #tpu.memory_space<hbm>> -> memref<16x192xf32, #tpu.memory_space<hbm>>
        %dma_start3A_457 = arith.constant 0 : i32
        %dma_start3A_458 = arith.constant 0 : i32
        %dma_start3A_459 = tpu.memref_slice %arg18[%dma_start3A_457, %dma_start3A_458] : memref<16x193xf32, #tpu.memory_space<vmem>> -> memref<16x192xf32, #tpu.memory_space<vmem>>
        tpu.enqueue_dma source(%dma_start3A_459 : memref<16x192xf32, #tpu.memory_space<vmem>>) target(%dma_start3A_456 : memref<16x192xf32, #tpu.memory_space<hbm>>) target_semaphore(%run_scoped3A : memref<!tpu.dma_semaphore, #tpu.memory_space<semaphore_mem>>)
        %dma_wait3A_460 = arith.constant 0 : i32
        %dma_wait3A_461 = arith.constant 0 : i32
        %dma_wait3A_462 = tpu.memref_slice %arg18[%dma_wait3A_460, %dma_wait3A_461] : memref<16x193xf32, #tpu.memory_space<vmem>> -> memref<16x192xf32, #tpu.memory_space<vmem>>
        %dma_wait3A_463 = arith.constant 0 : i32
        %dma_wait3A_464 = tpu.memref_slice %arg7[%add3A_425, %dma_wait3A_463] : memref<8192x192xf32, #tpu.memory_space<hbm>> -> memref<16x192xf32, #tpu.memory_space<hbm>>
        %dma_wait3A_465 = arith.constant 0 : i32
        %dma_wait3A_466 = tpu.memref_slice %arg7[%add3A_425, %dma_wait3A_465] : memref<8192x192xf32, #tpu.memory_space<hbm>> -> memref<16x192xf32, #tpu.memory_space<hbm>>
        %dma_wait3A_467 = arith.constant 0 : i32
        %dma_wait3A_468 = arith.constant 0 : i32
        %dma_wait3A_469 = tpu.memref_slice %arg18[%dma_wait3A_467, %dma_wait3A_468] : memref<16x193xf32, #tpu.memory_space<vmem>> -> memref<16x192xf32, #tpu.memory_space<vmem>>
        tpu.wait_dma2 semaphore(%run_scoped3A : memref<!tpu.dma_semaphore, #tpu.memory_space<semaphore_mem>>) src(%dma_wait3A_469 : memref<16x192xf32, #tpu.memory_space<vmem>>) dst(%dma_wait3A_466 : memref<16x192xf32, #tpu.memory_space<hbm>>)
        tpu.yield
      }) : () -> ()
      "tpu.region"() ({
        %run_scoped3A = tpu.sem_alloc : memref<!tpu.dma_semaphore, #tpu.memory_space<semaphore_mem>>
        %dma_start3A_450 = arith.constant 0 : i32
        %dma_start3A_451 = tpu.memref_slice %arg6[%add3A_425, %dma_start3A_450] : memref<8192x3xf32, #tpu.memory_space<hbm>> -> memref<16x3xf32, #tpu.memory_space<hbm>>
        %dma_start3A_452 = arith.constant 0 : i32
        %dma_start3A_453 = tpu.memref_slice %arg6[%add3A_425, %dma_start3A_452] : memref<8192x3xf32, #tpu.memory_space<hbm>> -> memref<16x3xf32, #tpu.memory_space<hbm>>
        tpu.enqueue_dma source(%arg19 : memref<16x3xf32, #tpu.memory_space<vmem>>) target(%dma_start3A_453 : memref<16x3xf32, #tpu.memory_space<hbm>>) target_semaphore(%run_scoped3A : memref<!tpu.dma_semaphore, #tpu.memory_space<semaphore_mem>>)
        %dma_wait3A_454 = arith.constant 0 : i32
        %dma_wait3A_455 = tpu.memref_slice %arg6[%add3A_425, %dma_wait3A_454] : memref<8192x3xf32, #tpu.memory_space<hbm>> -> memref<16x3xf32, #tpu.memory_space<hbm>>
        %dma_wait3A_456 = arith.constant 0 : i32
        %dma_wait3A_457 = tpu.memref_slice %arg6[%add3A_425, %dma_wait3A_456] : memref<8192x3xf32, #tpu.memory_space<hbm>> -> memref<16x3xf32, #tpu.memory_space<hbm>>
        tpu.wait_dma2 semaphore(%run_scoped3A : memref<!tpu.dma_semaphore, #tpu.memory_space<semaphore_mem>>) src(%arg19 : memref<16x3xf32, #tpu.memory_space<vmem>>) dst(%dma_wait3A_457 : memref<16x3xf32, #tpu.memory_space<hbm>>)
        tpu.yield
      }) : () -> ()
      "tpu.region"() ({
        %run_scoped3A = tpu.sem_alloc : memref<!tpu.dma_semaphore, #tpu.memory_space<semaphore_mem>>
        %dma_start3A_450 = tpu.memref_slice %arg8[%add3A_425] : memref<8192xf32, #tpu.memory_space<hbm>> -> memref<16xf32, #tpu.memory_space<hbm>>
        %dma_start3A_451 = tpu.memref_slice %arg8[%add3A_425] : memref<8192xf32, #tpu.memory_space<hbm>> -> memref<16xf32, #tpu.memory_space<hbm>>
        tpu.enqueue_dma source(%arg20 : memref<16xf32, #tpu.memory_space<vmem>>) target(%dma_start3A_451 : memref<16xf32, #tpu.memory_space<hbm>>) target_semaphore(%run_scoped3A : memref<!tpu.dma_semaphore, #tpu.memory_space<semaphore_mem>>)
        %dma_wait3A_452 = tpu.memref_slice %arg8[%add3A_425] : memref<8192xf32, #tpu.memory_space<hbm>> -> memref<16xf32, #tpu.memory_space<hbm>>
        %dma_wait3A_453 = tpu.memref_slice %arg8[%add3A_425] : memref<8192xf32, #tpu.memory_space<hbm>> -> memref<16xf32, #tpu.memory_space<hbm>>
        tpu.wait_dma2 semaphore(%run_scoped3A : memref<!tpu.dma_semaphore, #tpu.memory_space<semaphore_mem>>) src(%arg20 : memref<16xf32, #tpu.memory_space<vmem>>) dst(%dma_wait3A_453 : memref<16xf32, #tpu.memory_space<hbm>>)
        tpu.yield
      }) : () -> ()
      "tpu.region"() ({
        %run_scoped3A = tpu.sem_alloc : memref<!tpu.dma_semaphore, #tpu.memory_space<semaphore_mem>>
        %dma_start3A_450 = tpu.memref_slice %arg9[%add3A_425] : memref<8192xf32, #tpu.memory_space<hbm>> -> memref<16xf32, #tpu.memory_space<hbm>>
        %dma_start3A_451 = tpu.memref_slice %arg9[%add3A_425] : memref<8192xf32, #tpu.memory_space<hbm>> -> memref<16xf32, #tpu.memory_space<hbm>>
        tpu.enqueue_dma source(%arg21 : memref<16xf32, #tpu.memory_space<vmem>>) target(%dma_start3A_451 : memref<16xf32, #tpu.memory_space<hbm>>) target_semaphore(%run_scoped3A : memref<!tpu.dma_semaphore, #tpu.memory_space<semaphore_mem>>)
        %dma_wait3A_452 = tpu.memref_slice %arg9[%add3A_425] : memref<8192xf32, #tpu.memory_space<hbm>> -> memref<16xf32, #tpu.memory_space<hbm>>
        %dma_wait3A_453 = tpu.memref_slice %arg9[%add3A_425] : memref<8192xf32, #tpu.memory_space<hbm>> -> memref<16xf32, #tpu.memory_space<hbm>>
        tpu.wait_dma2 semaphore(%run_scoped3A : memref<!tpu.dma_semaphore, #tpu.memory_space<semaphore_mem>>) src(%arg21 : memref<16xf32, #tpu.memory_space<vmem>>) dst(%dma_wait3A_453 : memref<16xf32, #tpu.memory_space<hbm>>)
        tpu.yield
      }) : () -> ()
      %scan3A_449 = arith.constant 0 : i32
      scf.yield %scan3A_449 : i32
    }
    %scan3A_99 = arith.constant 8 : i32
    return
  }
}

</mosaic_0001>

<sc_bundles>
// kernel: _run_sc.3.cloned.1.call-start
scs
__scs_entry_jumppad:
0x0: {  	(pc) =	sbr.rel $0x88, $3  }
0x1: {  	(tag) =	ssettag $0x0;
	lr =	simm.s32 $0x1  }
0x2: {  	[smem:$0x3F9D] =	sst lr;
	_ =	strace $0xD0000000  }
0x3: {  	_ = 	snop  }
0x4: {  	_ = 	snop  }
0x5: {  	_ = 	snop  }
0x6: {  	_ = 	snop  }
0x7: {  	_ = 	snop  }
__scs_overlays_trampoline_lowered:
0x8: {  	[smem:$0x3FAC] =	sst s0  }
0x9: {  	[smem:$0x3FAD] =	sst s1  }
0xa: {  	[smem:$0x3FAE] =	sst s2  }
0xb: {  	[smem:$0x3FAF] =	sst s3  }
0xc: {  	[smem:$0x3FB0] =	sst s4  }
0xd: {  	[smem:$0x3FB1] =	sst s5  }
0xe: {  	[smem:$0x3FB2] =	sst s6  }
0xf: {  	[smem:$0x3FB3] =	sst s7  }
0x10: {  	[smem:$0x3FB4] =	sst s8  }
0x11: {  	[smem:$0x3FB5] =	sst s9;
	s0 =	simm.s32 @!p0 $0x0  }
0x12: {  	s1 =	sld [smem:$0x3F9B];
	s0 =	simm.s32 @p0 $0x1  }
0x13: {  	[smem:$0x3FB6] =	sst s0;
	s0 =	simm.s32 @!p1 $0x0  }
0x14: {  	s2 =	sld [smem:$0x3F9A];
	s0 =	simm.s32 @p1 $0x1  }
0x15: {  	[smem:$0x3FB7] =	sst s0;
	s0 =	simm.s32 @!p2 $0x0  }
0x16: {  	s3 =	sld [smem:$0x3FDB];
	s0 =	simm.s32 @p2 $0x1  }
0x17: {  	s4 =	simm.s32 $0x1BF5;
	[smem:$0x3FB9] =	sst s0  }
0x18: {  	s0 =	sld [smem:$0x3F9C];
	_ =	swait.ge [sflag:s4], $0x0  }
0x19: {  	s7 =	sld [smem:$0x3F9D]  }
0x1a: {  	s8 =	sadd.s32 $0xFFFFE003, lr  }
0x1b: {  	s9 =	sadd.s32 $0xFFFFFEF7, lr;
	s5 =	simm.s32 $0xFFFFFFFF;
	p2 =	slt.u32 s8, $0xFFFFF086  }
0x1c: {  	p1 =	slt.u32 s9, $0xF7A;
	s5 =	simm.s32 @!p2 $0x0  }
0x1d: {  	s5 =	simm.s32 @p1 $0x1;
	p0 =	seq.s32 s7, s2  }
0x1e: {  	s7 =	smul.u32 @!p0 $0xF7A, s2;
	p2 =	seq.s32 @!p0 s5, $0x0  }
0x1f: {  	s9 =	smul.u32 $0xF7A, s1;
	s8 =	simm.s32 @!p0 $0x1BF5;
	p2 =	por !p2, p0  }
0x20: {  	[sflag:s8] =	ssyncset.s32 @!p0 $0xFFFFF086;
	s6 =	sadd.s32 @!p0 s3, s7;
	s7 =	simm.s32 @!p0 $0x108  }
0x21: {  	s3 =	sadd.s32 s3, s9;
	s6 =	sadd.s32 @!p0 $0x88, s6;
	s7 =	simm.s32 @p2 $0x1082  }
0x22: {  	[simem:s7], [sflag:s8] =	dma.local @!p0 [hbm:s6], $0xF7A  }
0x23: {  	s9 =	sor.u32 $0xD0000000, s2;
	s6 =	simm.s32 $0x108;
	_ =	swait.ge @!p0 [sflag:s8], $0x0  }
0x24: {  	s3 =	sadd.s32 $0x88, s3;
	s6 =	simm.s32 @!p1 $0x1082;
	[sflag:s4] =	ssyncset.s32 $0xFFFFF086  }
0x25: {  	[simem:s6], [sflag:s4] =	dma.local [hbm:s3], $0xF7A  }
0x26: {  	[smem:$0x3F9D] =	sst s1;
	(tag) =	ssettag s2;
	_ =	strace s9  }
0x27: {  	s1 =	sld [smem:$0x3FAD]  }
0x28: {  	s2 =	sld [smem:$0x3FAE]  }
0x29: {  	s4 =	sld [smem:$0x3FB0]  }
0x2a: {  	p0 =	seq.s32 s5, $0x0;
	s5 =	sld [smem:$0x3FB1]  }
0x2b: {  	s6 =	sld [smem:$0x3FB2]  }
0x2c: {  	s7 =	sld [smem:$0x3FB3]  }
0x2d: {  	s3 =	simm.s32 $0x108;
	s8 =	sld [smem:$0x3FB4]  }
0x2e: {  	s3 =	simm.s32 @!p0 $0x1082;
	s9 =	sld [smem:$0x3FB5]  }
0x2f: {  	lr =	sadd.s32 s0, s3;
	s0 =	sld [smem:$0x3FAC]  }
0x30: {  	s3 =	sld [smem:$0x3FAF]  }
0x31: {  	[smem:$0x3FB8] =	sst s10  }
0x32: {  	s10 =	sld [smem:$0x3FB6];
	_ =	sdelay $0x3  }
0x33: {  	p0 =	seq.s32 s10, $0x1;
	s10 =	sld [smem:$0x3FB8];
	_ =	sdelay $0x3  }
0x34: {  	[smem:$0x3FB8] =	sst s10  }
0x35: {  	s10 =	sld [smem:$0x3FB7];
	_ =	sdelay $0x3  }
0x36: {  	p1 =	seq.s32 s10, $0x1;
	s10 =	sld [smem:$0x3FB8];
	_ =	sdelay $0x3  }
0x37: {  	[smem:$0x3FB8] =	sst s10  }
0x38: {  	s10 =	sld [smem:$0x3FB9]  }
0x39: {  	_ = 	snop;
	(pc) =	sbr.ind lr, $3  }
0x3a: {  	_ = 	snop  }
0x3b: {  	_ = 	snop  }
0x3c: {  	p2 =	seq.s32 s10, $0x1;
	s10 =	sld [smem:$0x3FB8]  }
0x3d: {  	_ =	shalt  }
0x3e: {  	_ =	shalt  }
0x3f: {  	_ =	shalt  }
0x40: {  	_ =	shalt  }
0x41: {  	_ =	shalt  }
0x42: {  	_ =	shalt  }
0x43: {  	_ =	shalt  }
0x44: {  	_ =	shalt  }
0x45: {  	_ =	shalt  }
0x46: {  	_ =	shalt  }
0x47: {  	_ =	shalt  }
0x48: {  	_ =	shalt  }
0x49: {  	_ =	shalt  }
0x4a: {  	_ =	shalt  }
0x4b: {  	_ =	shalt  }
0x4c: {  	_ =	shalt  }
0x4d: {  	_ =	shalt  }
0x4e: {  	_ =	shalt  }
0x4f: {  	_ =	shalt  }
0x50: {  	_ =	shalt  }
0x51: {  	_ =	shalt  }
0x52: {  	_ =	shalt  }
0x53: {  	_ =	shalt  }
0x54: {  	_ =	shalt  }
0x55: {  	_ =	shalt  }
0x56: {  	_ =	shalt  }
0x57: {  	_ =	shalt  }
0x58: {  	_ =	shalt  }
0x59: {  	_ =	shalt  }
0x5a: {  	_ =	shalt  }
0x5b: {  	_ =	shalt  }
0x5c: {  	_ =	shalt  }
0x5d: {  	_ =	shalt  }
0x5e: {  	_ =	shalt  }
0x5f: {  	_ =	shalt  }
0x60: {  	_ =	shalt  }
0x61: {  	_ =	shalt  }
0x62: {  	_ =	shalt  }
0x63: {  	_ =	shalt  }
0x64: {  	_ =	shalt  }
0x65: {  	_ =	shalt  }
0x66: {  	_ =	shalt  }
0x67: {  	_ =	shalt  }
0x68: {  	_ =	shalt  }
0x69: {  	_ =	shalt  }
0x6a: {  	_ =	shalt  }
0x6b: {  	_ =	shalt  }
0x6c: {  	_ =	shalt  }
0x6d: {  	_ =	shalt  }
0x6e: {  	_ =	shalt  }
0x6f: {  	_ =	shalt  }
0x70: {  	_ =	shalt  }
0x71: {  	_ =	shalt  }
0x72: {  	_ =	shalt  }
0x73: {  	_ =	shalt  }
0x74: {  	_ =	shalt  }
0x75: {  	_ =	shalt  }
0x76: {  	_ =	shalt  }
0x77: {  	_ =	shalt  }
0x78: {  	_ =	shalt  }
0x79: {  	_ =	shalt  }
0x7a: {  	_ =	shalt  }
0x7b: {  	_ =	shalt  }
0x7c: {  	_ =	shalt  }
0x7d: {  	_ =	shalt  }
0x7e: {  	_ =	shalt  }
0x7f: {  	_ =	shalt  }
0x80: {  	_ =	shalt  }
0x81: {  	_ =	shalt  }
0x82: {  	_ =	shalt  }
0x83: {  	_ =	shalt  }
0x84: {  	_ =	shalt  }
0x85: {  	_ =	shalt  }
0x86: {  	_ =	shalt  }
0x87: {  	_ =	shalt  }
.Lfunc_end0:
.L_simem_size_0:
called_computation_lowered:
.L_overlay_start_0:
0x88: {  	s2 =	sld [smem:$0x3FD9]  }
0x89: {  	s3 =	sld [smem:$0x3FFE];
	_ =	sdelay $0x1  }
0x8a: {  	s1 =	srdreg.scid  }
0x8b: {  	s0 =	sand.u32 $0x1, s1  }
0x8c: {  	s14 =	sshll.u32 s0, $0xA;
	s2 =	sadd.s32 s3, s2  }
0x8d: {  	s2 =	sadd.s32 s2, s14  }
0x8e: {  	[smem:$0x3FC4] =	sst s2  }
0x8f: {  	_ = 	snop  }
0x90: {  	s2 =	sld [smem:$0x3FD0];
	_ =	sdelay $0x2  }
0x91: {  	s15 =	simm.s32 $0xA;
	s4 =	simm.s32 $0x10  }
0x92: {  	[smem:s4], [sflag:s15] =	dma.local [hbm:s2], $0x1  }
0x93: {  	_ =	swait.eq [sflag:s15], $0x1  }
0x94: {  	s16 =	sld [smem:$0x11];
	[sflag:s15] =	ssyncset.done $0x0  }
0x95: {  	s17 =	sld [smem:$0x12];
	[sflag:s15] =	ssyncadd.s32 $0xFFFFFFFF  }
0x96: {  	s18 =	sld [smem:$0x13];
	(tm) =	ssettm $0x1  }
0x97: {  	s5 =	sld [smem:$0x3FFB];
	_ =	sdelay $0x3  }
0x98: {  	_ =	strace s5  }
0x99: {  	s5 =	sld [smem:$0x3FFC];
	_ =	sdelay $0x3  }
0x9a: {  	_ =	strace s5  }
0x9b: {  	s5 =	sld [smem:$0x3FFD];
	_ =	sdelay $0x3  }
0x9c: {  	_ =	strace s5  }
0x9d: {  	_ =	strace $0x8FFFFFFF  }
0x9e: {  	s19 =	sld [smem:$0x3FDB];
	_ =	sdelay $0x1  }
0x9f: {  	s6 =	simm.s32 $_scs_section_size  }
0xa0: {  	s7 =	simm.s32 $_size__tile_overlayer_lowered;
	s8 =	simm.s32 $_tile_overlayer_lowered  }
0xa1: {  	s22 =	simm.s32 $0x1BFF;
	s21 =	sshll.u32 s8, $0x1;
	s5 =	sadd.s32 s6, s19  }
0xa2: {  	s9 =	simm.s32 $0x0;
	s20 =	sshll.u32 s7, $0x1;
	s7 =	sadd.s32 s21, s5  }
0xa3: {  	[timem:s9], [sflag:s22] =	dma.local [hbm:s7], s20  }
0xa4: {  	_ =	swait.ge [sflag:s22], s20  }
0xa5: {  	s6 =	ssub.s32 $0x0, s20;
	[sflag:s22] =	ssyncset.done $0x0  }
0xa6: {  	[sflag:s22] =	ssyncadd.s32 s6;
	_ =	sdelay $0x1  }
0xa7: {  	s23 =	simm.s32 $0x1B8B  }
0xa8: {  	_ =	swait.ge [sflag:s23], $0x1  }
0xa9: {  	[sflag:s23] =	ssyncset.done $0x0  }
0xaa: {  	s25 =	simm.s32 $0x1B8E;
	s24 =	sld [smem:$0x3FFE];
	[sflag:s23] =	ssyncadd.s32 $0xFFFFFFFF  }
0xab: {  	s26 =	simm.s32 $execute0_lowered;
	[smem:$0x3FD2] =	sst s25  }
0xac: {  	s7 =	sshll.u32 s26, $0x1;
	_ =	strace $0x80000046;
	[dreg:$0x1] =	wrdreg $0xFFFFFFFF  }
0xad: {  	s28 =	simm.s32 $_size_execute0_lowered;
	s5 =	sadd.s32 s5, s7;
	[dreg:$0x0] =	wrdreg $0x0  }
0xae: {  	s7 =	sshll.u32 s28, $0x1;
	[dreg:$0x2] =	wrdreg s5  }
0xaf: {  	[dreg:$0x3] =	wrdreg s7  }
0xb0: {  	[dreg:$0x4] =	wrdreg $0xC0  }
0xb1: {  	_ =	task [dreg:s9], $0x5FFFF  }
0xb2: {  	[dreg:$0x1] =	wrdreg $0xFFFFFFFF  }
0xb3: {  	[dreg:$0x0] =	wrdreg $0x60  }
0xb4: {  	[dreg:$0x2] =	wrdreg s24  }
0xb5: {  	[dreg:$0x3] =	wrdreg s16  }
0xb6: {  	[dreg:$0x4] =	wrdreg s17  }
0xb7: {  	[dreg:$0x5] =	wrdreg s18  }
0xb8: {  	[dreg:$0x6] =	wrdreg $0x9  }
0xb9: {  	_ =	task.clear_ibuf [dreg:s9], $0x7FFFF;
	_ =	strace $0x90000046  }
0xba: {  	s29 =	simm.s32 $0x9;
	_ =	strace $0x80000048  }
0xbb: {  	_ =	swait.ge [sflag:s29], $0x1  }
0xbc: {  	[sflag:s29] =	ssyncadd.s32 $0xFFFFFFFF  }
0xbd: {  	_ =	strace $0x90000048  }
0xbe: {  	_ =	sfence  }
0xbf: {  	s30 =	sld [smem:$0x0];
	_ =	sdelay $0x2  }
0xc0: {  	s31 =	sshll.u32 s1, $0xD;
	s1 =	sshrl.u32 s1, $0x2  }
0xc1: {  	s3 =	sand.u32 $0x4000, s31;
	s1 =	sadd.s32 s1, s30  }
0xc2: {  	s0 =	sor.u32 s3, s0;
	s1 =	sshll.u32 s1, $0x11  }
0xc3: {  	s0 =	sor.u32 s1, s0  }
0xc4: {  	s0 =	sadd.s32 $0x8F2B, s0  }
0xc5: {  	[sflag:s0] =	ssyncadd.remote.s32 $0x1  }
0xc6: {  	_ =	sfence.sel $0xFFFF  }
0xc7: {  	[dreg:$0x0] =	wrdreg $0xFFFFFFFF;
	(pc) =	sbr.abs _section_cstart, $3  }
0xc8: {  	[dreg:$0x1] =	wrdreg $0xFFFFFFFF  }
0xc9: {  	_ =	task.clear_ibuf [dreg:s9], $0x2FFFF;
	_ =	strace $0x9FFFFFFF  }
0xca: {  	(tm) =	ssettm $0x7FFFFFFF  }
0xcb: {  	_ =	shalt  }
tec
execute0_lowered:
.L_overlay_start_1:
0x0: {  	(tag) =	ssettag $0x1  }
0x1: {  	s0 =	srdreg.scid  }
0x2: {  	s3 =	stileid.u32;
	s2 =	sand.u32 $0x1, s0  }
0x3: {  	s1 =	rddreg [dreg:$0x0];
	s20 =	sshll.u32 s3, $0x9;
	s21 =	sshll.u32 s2, $0x8  }
0x4: {  	s4 =	rddreg [dreg:$0x1];
	s5 =	sor.u32 s21, s20  }
0x5: {  	s26 =	rddreg [dreg:$0x2];
	s0 =	smul.u32 $0x240, s5  }
0x6: {  	s14 =	rddreg [dreg:$0x3]  }
0x7: {  	s6 =	simm.s32 $0x0;
	s7 =	sadd.s32 $0x321A00, s1;
	s0 =	sshrl.u32 s0, $0x3  }
0x8: {  	[smem:$0x7FF] =	sst s6;
	s0 =	sadd.s32 s7, s0  }
0x9: {  	_ =	strace $0x80000047;
	[dreg:$0x5] =	wrdreg s5;
	s22 =	sadd.s32 $0x90000, s0  }
0xa: {  	s23 =	sadd.s32 $0x90048, s0;
	[dreg:$0x6] =	wrdreg s22  }
0xb: {  	s24 =	sadd.s32 $0x90090, s0;
	[dreg:$0x7] =	wrdreg s23  }
0xc: {  	s25 =	sadd.s32 $0x900D8, s0;
	[dreg:$0x8] =	wrdreg s24  }
0xd: {  	s28 =	sadd.s32 $0x90120, s0;
	[dreg:$0x9] =	wrdreg s25  }
0xe: {  	s3 =	sadd.s32 $0x90168, s0;
	[dreg:$0xa] =	wrdreg s28  }
0xf: {  	s12 =	sadd.s32 $0x901B0, s0;
	[dreg:$0xb] =	wrdreg s3  }
0x10: {  	s13 =	sadd.s32 $0x901F8, s0;
	[dreg:$0xc] =	wrdreg s12  }
0x11: {  	s15 =	sadd.s32 $0x90240, s0;
	[dreg:$0xd] =	wrdreg s13  }
0x12: {  	s16 =	sadd.s32 $0x90288, s0;
	[dreg:$0xe] =	wrdreg s15  }
0x13: {  	s17 =	sadd.s32 $0x902D0, s0;
	[dreg:$0xf] =	wrdreg s16  }
0x14: {  	s18 =	sadd.s32 $0x90318, s0;
	[dreg:$0x10] =	wrdreg s17  }
0x15: {  	s19 =	sadd.s32 $0x90360, s0;
	[dreg:$0x11] =	wrdreg s18  }
0x16: {  	s20 =	sadd.s32 $0x903A8, s0;
	[dreg:$0x12] =	wrdreg s19  }
0x17: {  	s21 =	sadd.s32 $0x903F0, s0;
	[dreg:$0x13] =	wrdreg s20  }
0x18: {  	[dreg:$0x14] =	wrdreg s21;
	s22 =	sadd.s32 $0x90438, s0  }
0x19: {  	s23 =	sadd.s32 $0x120048, s0;
	[dreg:$0x15] =	wrdreg s22  }
0x1a: {  	s24 =	sadd.s32 $0x120090, s0;
	[dreg:$0x16] =	wrdreg s23  }
0x1b: {  	s25 =	sadd.s32 $0x1200D8, s0;
	[dreg:$0x17] =	wrdreg s24  }
0x1c: {  	s28 =	sadd.s32 $0x120120, s0;
	[dreg:$0x18] =	wrdreg s25  }
0x1d: {  	s3 =	sadd.s32 $0x120168, s0;
	[dreg:$0x19] =	wrdreg s28  }
0x1e: {  	s12 =	sadd.s32 $0x1201B0, s0;
	[dreg:$0x1a] =	wrdreg s3  }
0x1f: {  	s13 =	sadd.s32 $0x1201F8, s0;
	[dreg:$0x1b] =	wrdreg s12  }
0x20: {  	s15 =	sadd.s32 $0x120240, s0;
	[dreg:$0x1c] =	wrdreg s13  }
0x21: {  	s16 =	sadd.s32 $0x120288, s0;
	[dreg:$0x1d] =	wrdreg s15  }
0x22: {  	s17 =	sadd.s32 $0x1202D0, s0;
	[dreg:$0x1e] =	wrdreg s16  }
0x23: {  	s18 =	sadd.s32 $0x120318, s0;
	[dreg:$0x1f] =	wrdreg s17  }
0x24: {  	s19 =	sadd.s32 $0x120360, s0;
	[smem:$0x796] =	sst s18  }
0x25: {  	s20 =	sadd.s32 $0x1203A8, s0;
	[smem:$0x797] =	sst s19  }
0x26: {  	s21 =	sadd.s32 $0x1203F0, s0;
	[smem:$0x798] =	sst s20  }
0x27: {  	[smem:$0x799] =	sst s21;
	s22 =	sadd.s32 $0x120438, s0  }
0x28: {  	s23 =	sadd.s32 $0x1B0048, s0;
	[smem:$0x79A] =	sst s22  }
0x29: {  	s24 =	sadd.s32 $0x1B0090, s0;
	[smem:$0x79B] =	sst s23  }
0x2a: {  	s25 =	sadd.s32 $0x1B00D8, s0;
	[smem:$0x79C] =	sst s24  }
0x2b: {  	s28 =	sadd.s32 $0x1B0120, s0;
	[smem:$0x79D] =	sst s25  }
0x2c: {  	s12 =	sadd.s32 $0x1B0168, s0;
	[smem:$0x79E] =	sst s28  }
0x2d: {  	s13 =	sadd.s32 $0x1B0000, s0;
	[smem:$0x79F] =	sst s12  }
0x2e: {  	s8 =	sadd.s32 $0x1A00, s1;
	s15 =	sadd.s32 $0x1B01B0, s0;
	[smem:$0x7A0] =	sst s13  }
0x2f: {  	s9 =	sadd.s32 $0x91A00, s1;
	s16 =	sadd.s32 $0x1B01F8, s0;
	[smem:$0x7A1] =	sst s15  }
0x30: {  	s10 =	sadd.s32 $0xF1A00, s1;
	s17 =	sadd.s32 $0x1B0240, s0;
	[smem:$0x7A2] =	sst s16  }
0x31: {  	s11 =	sadd.s32 $0xC1A00, s1;
	s18 =	sadd.s32 $0x1B0288, s0;
	[smem:$0x7A3] =	sst s17  }
0x32: {  	s1 =	smul.u32 $0x48, s5;
	s20 =	sadd.s32 $0x1B0318, s0;
	[smem:$0x7A4] =	sst s18  }
0x33: {  	s21 =	sadd.s32 $0x1B0360, s0;
	[smem:$0x7A6] =	sst s20  }
0x34: {  	s3 =	sadd.s32 s8, s1;
	[smem:$0x7A7] =	sst s21  }
0x35: {  	s12 =	sadd.s32 $0x1B02D0, s0;
	[smem:$0x7CC] =	sst s3  }
0x36: {  	s22 =	sadd.s32 $0x1B03A8, s0;
	[smem:$0x7A5] =	sst s12  }
0x37: {  	s23 =	sadd.s32 $0x1B03F0, s0;
	[smem:$0x7A8] =	sst s22  }
0x38: {  	s24 =	sadd.s32 $0x1B0438, s0;
	[smem:$0x7A9] =	sst s23  }
0x39: {  	s25 =	sadd.s32 $0x240048, s0;
	[smem:$0x7AA] =	sst s24  }
0x3a: {  	s28 =	sadd.s32 $0x240090, s0;
	[smem:$0x7AB] =	sst s25  }
0x3b: {  	s13 =	sadd.s32 $0x120000, s0;
	[smem:$0x7AC] =	sst s28  }
0x3c: {  	s15 =	sadd.s32 $0x2400D8, s0;
	[smem:$0x7AD] =	sst s13  }
0x3d: {  	s2 =	ssub.s32 $0x2, s2;
	s16 =	sadd.s32 $0x240120, s0;
	[smem:$0x7AE] =	sst s15  }
0x3e: {  	s19 =	sshrl.u32 s2, $0x1;
	s18 =	sadd.s32 $0x2401B0, s0;
	[smem:$0x7AF] =	sst s16  }
0x3f: {  	s2 =	ssub.s32 s2, s19;
	s19 =	sadd.s32 $0x240000, s0;
	[smem:$0x7B1] =	sst s18  }
0x40: {  	s20 =	sadd.s32 $0x2401F8, s0;
	[smem:$0x7B2] =	sst s19  }
0x41: {  	s21 =	sadd.s32 $0x240240, s0;
	[smem:$0x7B3] =	sst s20  }
0x42: {  	s13 =	sadd.s32 $0x240168, s0;
	[smem:$0x7B4] =	sst s21  }
0x43: {  	s22 =	sadd.s32 $0x240288, s0;
	[smem:$0x7B0] =	sst s13  }
0x44: {  	s23 =	sadd.s32 $0x2402D0, s0;
	[smem:$0x7B5] =	sst s22  }
0x45: {  	s24 =	sadd.s32 $0x240318, s0;
	[smem:$0x7B6] =	sst s23  }
0x46: {  	s25 =	sadd.s32 $0x240360, s0;
	[smem:$0x7B7] =	sst s24  }
0x47: {  	s2 =	smax.u32 s2, $0x1;
	[smem:$0x7B8] =	sst s25  }
0x48: {  	s28 =	sadd.s32 $0x2403A8, s0;
	[smem:$0x7B9] =	sst s2  }
0x49: {  	s15 =	sor.u32 $0x20, s5;
	[smem:$0x7BA] =	sst s28  }
0x4a: {  	s16 =	sadd.s32 $0x48, s3;
	[smem:$0x7BD] =	sst s15  }
0x4b: {  	s18 =	sadd.s32 $0xD8, s3;
	[smem:$0x7BE] =	sst s16  }
0x4c: {  	s19 =	sadd.s32 $0x120, s3;
	[smem:$0x7C0] =	sst s18  }
0x4d: {  	s20 =	sadd.s32 $0x168, s3;
	[smem:$0x7C1] =	sst s19  }
0x4e: {  	s21 =	sadd.s32 $0x1B0, s3;
	[smem:$0x7C2] =	sst s20  }
0x4f: {  	s17 =	smul.u32 $0x18, s5;
	s5 =	sadd.s32 $0x3A8, s3;
	[smem:$0x7C3] =	sst s21  }
0x50: {  	s12 =	sadd.s32 s7, s1;
	[smem:$0x7CA] =	sst s5  }
0x51: {  	s13 =	sadd.s32 $0x2403F0, s0;
	[smem:$0x7DC] =	sst s12  }
0x52: {  	s4 =	sadd.s32 s4, s17;
	s0 =	sadd.s32 $0x240438, s0;
	[smem:$0x7BB] =	sst s13  }
0x53: {  	s1 =	sadd.s32 s9, s17;
	s17 =	sadd.s32 $0x90, s3;
	[smem:$0x7BC] =	sst s0  }
0x54: {  	s22 =	sadd.s32 $0x1F8, s3;
	[smem:$0x7BF] =	sst s17  }
0x55: {  	s23 =	sadd.s32 $0x240, s3;
	[smem:$0x7C4] =	sst s22  }
0x56: {  	s24 =	sadd.s32 $0x288, s3;
	[smem:$0x7C5] =	sst s23  }
0x57: {  	s25 =	sadd.s32 $0x2D0, s3;
	[smem:$0x7C6] =	sst s24  }
0x58: {  	s28 =	sadd.s32 $0x318, s3;
	[smem:$0x7C7] =	sst s25  }
0x59: {  	s2 =	sadd.s32 $0x360, s3;
	[smem:$0x7C8] =	sst s28  }
0x5a: {  	s15 =	sadd.s32 $0x438, s3;
	[smem:$0x7C9] =	sst s2  }
0x5b: {  	s16 =	sadd.s32 $0x48, s12;
	[smem:$0x7CD] =	sst s15  }
0x5c: {  	s18 =	sadd.s32 $0xD8, s12;
	[smem:$0x7CE] =	sst s16  }
0x5d: {  	s19 =	sadd.s32 $0x120, s12;
	[smem:$0x7D0] =	sst s18  }
0x5e: {  	s20 =	sadd.s32 $0x168, s12;
	[smem:$0x7D1] =	sst s19  }
0x5f: {  	s21 =	sadd.s32 $0x1B0, s12;
	[smem:$0x7D2] =	sst s20  }
0x60: {  	s5 =	sadd.s32 $0x3F0, s12;
	[smem:$0x7D3] =	sst s21  }
0x61: {  	[smem:$0x7DB] =	sst s5  }
0x62: {  	[smem:$0x7EC] =	sst s4  }
0x63: {  	s13 =	sadd.s32 $0x3F0, s3;
	[smem:$0x7FC] =	sst s1  }
0x64: {  	s17 =	sadd.s32 $0x90, s12;
	[smem:$0x7CB] =	sst s13  }
0x65: {  	s22 =	sadd.s32 $0x1F8, s12;
	[smem:$0x7CF] =	sst s17  }
0x66: {  	s23 =	sadd.s32 $0x240, s12;
	[smem:$0x7D4] =	sst s22  }
0x67: {  	s24 =	sadd.s32 $0x288, s12;
	[smem:$0x7D5] =	sst s23  }
0x68: {  	s25 =	sadd.s32 $0x2D0, s12;
	[smem:$0x7D6] =	sst s24  }
0x69: {  	s28 =	sadd.s32 $0x318, s12;
	[smem:$0x7D7] =	sst s25  }
0x6a: {  	s2 =	sadd.s32 $0x360, s12;
	[smem:$0x7D8] =	sst s28  }
0x6b: {  	s3 =	sadd.s32 $0x3A8, s12;
	[smem:$0x7D9] =	sst s2  }
0x6c: {  	s15 =	sadd.s32 $0x18, s4;
	[smem:$0x7DA] =	sst s3  }
0x6d: {  	s16 =	sadd.s32 $0x30, s4;
	[smem:$0x7DE] =	sst s15  }
0x6e: {  	s18 =	sadd.s32 $0x60, s4;
	[smem:$0x7DF] =	sst s16  }
0x6f: {  	s19 =	sadd.s32 $0x78, s4;
	[smem:$0x7E1] =	sst s18  }
0x70: {  	s20 =	sadd.s32 $0x90, s4;
	[smem:$0x7E2] =	sst s19  }
0x71: {  	s21 =	sadd.s32 $0xA8, s4;
	[smem:$0x7E3] =	sst s20  }
0x72: {  	s5 =	sadd.s32 $0x18, s1;
	[smem:$0x7E4] =	sst s21  }
0x73: {  	s13 =	sadd.s32 $0x438, s12;
	[smem:$0x7EE] =	sst s5  }
0x74: {  	s17 =	sadd.s32 $0x48, s4;
	[smem:$0x7DD] =	sst s13  }
0x75: {  	s22 =	sadd.s32 $0xC0, s4;
	[smem:$0x7E0] =	sst s17  }
0x76: {  	s23 =	sadd.s32 $0xD8, s4;
	[smem:$0x7E5] =	sst s22  }
0x77: {  	s24 =	sadd.s32 $0xF0, s4;
	[smem:$0x7E6] =	sst s23  }
0x78: {  	s25 =	sadd.s32 $0x108, s4;
	[smem:$0x7E7] =	sst s24  }
0x79: {  	s28 =	sadd.s32 $0x120, s4;
	[smem:$0x7E8] =	sst s25  }
0x7a: {  	s2 =	sadd.s32 $0x138, s4;
	[smem:$0x7E9] =	sst s28  }
0x7b: {  	s3 =	sadd.s32 $0x150, s4;
	[smem:$0x7EA] =	sst s2  }
0x7c: {  	s4 =	sadd.s32 $0x168, s4;
	[smem:$0x7EB] =	sst s3  }
0x7d: {  	s12 =	sadd.s32 $0x30, s1;
	[smem:$0x7ED] =	sst s4  }
0x7e: {  	s15 =	sadd.s32 $0x60, s1;
	[smem:$0x7EF] =	sst s12  }
0x7f: {  	s16 =	sadd.s32 $0x78, s1;
	[smem:$0x7F1] =	sst s15  }
0x80: {  	s31 =	simm.s32 $0x11880;
	s18 =	sadd.s32 $0xA8, s1;
	[smem:$0x7F2] =	sst s16  }
0x81: {  	s29 =	simm.s32 $0x1CF00;
	s19 =	sadd.s32 $0xC0, s1;
	[smem:$0x7F4] =	sst s18  }
0x82: {  	s30 =	simm.s32 $0x1F480;
	s20 =	sadd.s32 $0xD8, s1;
	[smem:$0x7F5] =	sst s19  }
0x83: {  	s0 =	simm.s32 $0xDB00;
	s21 =	sadd.s32 $0xF0, s1;
	[smem:$0x7F6] =	sst s20  }
0x84: {  	s5 =	simm.s32 $0x3;
	s13 =	sadd.s32 $0x48, s1;
	[smem:$0x7F7] =	sst s21  }
0x85: {  	s17 =	sadd.s32 $0x90, s1;
	s22 =	sadd.s32 $0x108, s1;
	[smem:$0x7F0] =	sst s13  }
0x86: {  	s23 =	sadd.s32 $0x120, s1;
	s24 =	sadd.s32 $0x138, s1;
	[smem:$0x7F3] =	sst s17  }
0x87: {  	v0 =	vlaneseq.u32;
	s25 =	sadd.s32 $0x150, s1;
	s28 =	sadd.s32 $0x168, s1;
	[smem:$0x7F8] =	sst s22  }
0x88: {  	v1 =	vmul.u32 $0x248, v0;
	s15 =	simm.s32 $0xE780;
	s2 =	simm.s32 $0xF400;
	[smem:$0x7F9] =	sst s23  }
0x89: {  	s20 =	simm.s32 $0x1DB80;
	s18 =	simm.s32 $0x1E800;
	[smem:$0x7FA] =	sst s24  }
0x8a: {  	v2 =	vmul.u32 $0xC8, v0;
	v3 =	vadd.s32 $0x2480, v1;
	s16 =	simm.s32 $0x1F510;
	s3 =	simm.s32 $0x0;
	[smem:$0x7FB] =	sst s25  }
0x8b: {  	v4 =	vadd.s32 $0x4900, v1;
	v5 =	vadd.s32 $0x6D80, v1;
	v6 =	vadd.s32 $0x9200, v1;
	[smem:$0x7FD] =	sst s28;
	s13 =	simm.s32 $0x2480;
	s17 =	simm.s32 $0x2  }
.LBB2_1:
0x8c: {  	s1 =	sld [smem:$0x7CC]  }
0x8d: {  	[smem:$0x795] =	sst s3  }
0x8e: {  	s23 =	sld [smem:$0x7BE]  }
0x8f: {  	[tilespmem:s6], [sflag:$0x1] =	stream.linear.gather [hbm4b:s1+s6], $0x240, $0x38;
	[tilespmem:$0x1F520] =	vst v63  }
0x90: {  	s24 =	simm.s32 $0x248;
	s25 =	sld [smem:$0x7BF]  }
0x91: {  	[tilespmem:s24], [sflag:$0x1] =	stream.linear.gather [hbm4b:s23+s6], $0x240, $0x38;
	[tilespmem:$0x1F520] =	vst v63  }
0x92: {  	s28 =	simm.s32 $0x490;
	s3 =	sld [smem:$0x7C0]  }
0x93: {  	[tilespmem:s28], [sflag:$0x1] =	stream.linear.gather [hbm4b:s25+s6], $0x240, $0x38;
	[tilespmem:$0x1F520] =	vst v63  }
0x94: {  	s4 =	simm.s32 $0x6D8;
	s12 =	sld [smem:$0x7C1]  }
0x95: {  	[tilespmem:s4], [sflag:$0x1] =	stream.linear.gather [hbm4b:s3+s6], $0x240, $0x38;
	[tilespmem:$0x1F520] =	vst v63  }
0x96: {  	s19 =	simm.s32 $0x920;
	s21 =	sld [smem:$0x7C2]  }
0x97: {  	[tilespmem:s19], [sflag:$0x1] =	stream.linear.gather [hbm4b:s12+s6], $0x240, $0x38;
	[tilespmem:$0x1F520] =	vst v63  }
0x98: {  	s22 =	simm.s32 $0xB68;
	s23 =	sld [smem:$0x7C3]  }
0x99: {  	[tilespmem:s22], [sflag:$0x1] =	stream.linear.gather [hbm4b:s21+s6], $0x240, $0x38;
	[tilespmem:$0x1F520] =	vst v63  }
0x9a: {  	s24 =	simm.s32 $0xDB0;
	s25 =	sld [smem:$0x7C4]  }
0x9b: {  	[tilespmem:s24], [sflag:$0x1] =	stream.linear.gather [hbm4b:s23+s6], $0x240, $0x38;
	[tilespmem:$0x1F520] =	vst v63  }
0x9c: {  	s28 =	simm.s32 $0xFF8;
	s3 =	sld [smem:$0x7C5]  }
0x9d: {  	[tilespmem:s28], [sflag:$0x1] =	stream.linear.gather [hbm4b:s25+s6], $0x240, $0x38;
	[tilespmem:$0x1F520] =	vst v63  }
0x9e: {  	s4 =	simm.s32 $0x1240;
	s12 =	sld [smem:$0x7C6]  }
0x9f: {  	[tilespmem:s4], [sflag:$0x1] =	stream.linear.gather [hbm4b:s3+s6], $0x240, $0x38;
	[tilespmem:$0x1F520] =	vst v63  }
0xa0: {  	s19 =	simm.s32 $0x1488;
	s21 =	sld [smem:$0x7C7]  }
0xa1: {  	[tilespmem:s19], [sflag:$0x1] =	stream.linear.gather [hbm4b:s12+s6], $0x240, $0x38;
	[tilespmem:$0x1F520] =	vst v63  }
0xa2: {  	s22 =	simm.s32 $0x16D0;
	s23 =	sld [smem:$0x7C8]  }
0xa3: {  	[tilespmem:s22], [sflag:$0x1] =	stream.linear.gather [hbm4b:s21+s6], $0x240, $0x38;
	[tilespmem:$0x1F520] =	vst v63  }
0xa4: {  	s24 =	simm.s32 $0x1918;
	s25 =	sld [smem:$0x7C9]  }
0xa5: {  	[tilespmem:s24], [sflag:$0x1] =	stream.linear.gather [hbm4b:s23+s6], $0x240, $0x38;
	[tilespmem:$0x1F520] =	vst v63  }
0xa6: {  	s28 =	simm.s32 $0x1B60;
	s4 =	sld [smem:$0x7CA]  }
0xa7: {  	[tilespmem:s28], [sflag:$0x1] =	stream.linear.gather [hbm4b:s25+s6], $0x240, $0x38;
	[tilespmem:$0x1F520] =	vst v63  }
0xa8: {  	s12 =	simm.s32 $0x1DA8;
	s19 =	sld [smem:$0x7CB]  }
0xa9: {  	[tilespmem:s12], [sflag:$0x1] =	stream.linear.gather [hbm4b:s4+s6], $0x240, $0x38;
	[tilespmem:$0x1F520] =	vst v63  }
0xaa: {  	s21 =	simm.s32 $0x1FF0;
	s22 =	sld [smem:$0x7CD]  }
0xab: {  	[tilespmem:s21], [sflag:$0x1] =	stream.linear.gather [hbm4b:s19+s6], $0x240, $0x38;
	[tilespmem:$0x1F520] =	vst v63  }
0xac: {  	s23 =	simm.s32 $0x2238;
	s24 =	sld [smem:$0x7DC]  }
0xad: {  	[tilespmem:s23], [sflag:$0x1] =	stream.linear.gather [hbm4b:s22+s6], $0x240, $0x38;
	[tilespmem:$0x1F520] =	vst v63  }
0xae: {  	s25 =	sld [smem:$0x7CE]  }
0xaf: {  	[tilespmem:s13], [sflag:$0x1] =	stream.linear.gather [hbm4b:s24+s6], $0x240, $0x38;
	[tilespmem:$0x1F520] =	vst v63  }
0xb0: {  	s3 =	sld [smem:$0x7CF];
	s28 =	simm.s32 $0x26C8  }
0xb1: {  	[tilespmem:s28], [sflag:$0x1] =	stream.linear.gather [hbm4b:s25+s6], $0x240, $0x38;
	[tilespmem:$0x1F520] =	vst v63  }
0xb2: {  	s4 =	simm.s32 $0x2910;
	s12 =	sld [smem:$0x7D0]  }
0xb3: {  	[tilespmem:s4], [sflag:$0x1] =	stream.linear.gather [hbm4b:s3+s6], $0x240, $0x38;
	[tilespmem:$0x1F520] =	vst v63  }
0xb4: {  	s19 =	simm.s32 $0x2B58;
	s21 =	sld [smem:$0x7D1]  }
0xb5: {  	[tilespmem:s19], [sflag:$0x1] =	stream.linear.gather [hbm4b:s12+s6], $0x240, $0x38;
	[tilespmem:$0x1F520] =	vst v63  }
0xb6: {  	s22 =	simm.s32 $0x2DA0;
	s23 =	sld [smem:$0x7D2]  }
0xb7: {  	[tilespmem:s22], [sflag:$0x1] =	stream.linear.gather [hbm4b:s21+s6], $0x240, $0x38;
	[tilespmem:$0x1F520] =	vst v63  }
0xb8: {  	s24 =	simm.s32 $0x2FE8;
	s25 =	sld [smem:$0x7D3]  }
0xb9: {  	[tilespmem:s24], [sflag:$0x1] =	stream.linear.gather [hbm4b:s23+s6], $0x240, $0x38;
	[tilespmem:$0x1F520] =	vst v63  }
0xba: {  	s28 =	simm.s32 $0x3230;
	s3 =	sld [smem:$0x7D4]  }
0xbb: {  	[tilespmem:s28], [sflag:$0x1] =	stream.linear.gather [hbm4b:s25+s6], $0x240, $0x38;
	[tilespmem:$0x1F520] =	vst v63  }
0xbc: {  	s4 =	simm.s32 $0x3478;
	s12 =	sld [smem:$0x7D5]  }
0xbd: {  	[tilespmem:s4], [sflag:$0x1] =	stream.linear.gather [hbm4b:s3+s6], $0x240, $0x38;
	[tilespmem:$0x1F520] =	vst v63  }
0xbe: {  	s19 =	simm.s32 $0x36C0;
	s21 =	sld [smem:$0x7D6]  }
0xbf: {  	[tilespmem:s19], [sflag:$0x1] =	stream.linear.gather [hbm4b:s12+s6], $0x240, $0x38;
	[tilespmem:$0x1F520] =	vst v63  }
0xc0: {  	s22 =	simm.s32 $0x3908;
	s23 =	sld [smem:$0x7D7]  }
0xc1: {  	[tilespmem:s22], [sflag:$0x1] =	stream.linear.gather [hbm4b:s21+s6], $0x240, $0x38;
	[tilespmem:$0x1F520] =	vst v63  }
0xc2: {  	s24 =	simm.s32 $0x3B50;
	s25 =	sld [smem:$0x7D8]  }
0xc3: {  	[tilespmem:s24], [sflag:$0x1] =	stream.linear.gather [hbm4b:s23+s6], $0x240, $0x38;
	[tilespmem:$0x1F520] =	vst v63  }
0xc4: {  	s28 =	simm.s32 $0x3D98;
	s3 =	sld [smem:$0x7D9]  }
0xc5: {  	[tilespmem:s28], [sflag:$0x1] =	stream.linear.gather [hbm4b:s25+s6], $0x240, $0x38;
	[tilespmem:$0x1F520] =	vst v63  }
0xc6: {  	s4 =	simm.s32 $0x3FE0;
	s12 =	sld [smem:$0x7DA]  }
0xc7: {  	[tilespmem:s4], [sflag:$0x1] =	stream.linear.gather [hbm4b:s3+s6], $0x240, $0x38;
	[tilespmem:$0x1F520] =	vst v63  }
0xc8: {  	s19 =	simm.s32 $0x4228;
	s21 =	sld [smem:$0x7DB]  }
0xc9: {  	[tilespmem:s19], [sflag:$0x1] =	stream.linear.gather [hbm4b:s12+s6], $0x240, $0x38;
	[tilespmem:$0x1F520] =	vst v63  }
0xca: {  	s22 =	simm.s32 $0x4470;
	s23 =	sld [smem:$0x7DD]  }
0xcb: {  	[tilespmem:s22], [sflag:$0x1] =	stream.linear.gather [hbm4b:s21+s6], $0x240, $0x38;
	[tilespmem:$0x1F520] =	vst v63  }
0xcc: {  	s24 =	simm.s32 $0x46B8;
	s25 =	rddreg [dreg:$0x6]  }
0xcd: {  	[tilespmem:s24], [sflag:$0x1] =	stream.linear.gather [hbm4b:s23+s6], $0x240, $0x38;
	[tilespmem:$0x1F520] =	vst v63  }
0xce: {  	s28 =	simm.s32 $0x4900;
	s3 =	rddreg [dreg:$0x7]  }
0xcf: {  	[tilespmem:s28], [sflag:$0x1] =	stream.linear.gather [hbm4b:s25+s6], $0x240, $0x38;
	[tilespmem:$0x1F520] =	vst v63  }
0xd0: {  	s4 =	simm.s32 $0x4B48;
	s12 =	rddreg [dreg:$0x8]  }
0xd1: {  	[tilespmem:s4], [sflag:$0x1] =	stream.linear.gather [hbm4b:s3+s6], $0x240, $0x38;
	[tilespmem:$0x1F520] =	vst v63  }
0xd2: {  	s19 =	simm.s32 $0x4D90;
	s21 =	rddreg [dreg:$0x9]  }
0xd3: {  	[tilespmem:s19], [sflag:$0x1] =	stream.linear.gather [hbm4b:s12+s6], $0x240, $0x38;
	[tilespmem:$0x1F520] =	vst v63  }
0xd4: {  	s22 =	simm.s32 $0x4FD8;
	s23 =	rddreg [dreg:$0xa]  }
0xd5: {  	[tilespmem:s22], [sflag:$0x1] =	stream.linear.gather [hbm4b:s21+s6], $0x240, $0x38;
	[tilespmem:$0x1F520] =	vst v63  }
0xd6: {  	s24 =	simm.s32 $0x5220;
	s25 =	rddreg [dreg:$0xb]  }
0xd7: {  	[tilespmem:s24], [sflag:$0x1] =	stream.linear.gather [hbm4b:s23+s6], $0x240, $0x38;
	[tilespmem:$0x1F520] =	vst v63  }
0xd8: {  	s28 =	simm.s32 $0x5468;
	s3 =	rddreg [dreg:$0xc]  }
0xd9: {  	[tilespmem:s28], [sflag:$0x1] =	stream.linear.gather [hbm4b:s25+s6], $0x240, $0x38;
	[tilespmem:$0x1F520] =	vst v63  }
0xda: {  	s4 =	simm.s32 $0x56B0;
	s12 =	rddreg [dreg:$0xd]  }
0xdb: {  	[tilespmem:s4], [sflag:$0x1] =	stream.linear.gather [hbm4b:s3+s6], $0x240, $0x38;
	[tilespmem:$0x1F520] =	vst v63  }
0xdc: {  	s19 =	simm.s32 $0x58F8;
	s21 =	rddreg [dreg:$0xe]  }
0xdd: {  	[tilespmem:s19], [sflag:$0x1] =	stream.linear.gather [hbm4b:s12+s6], $0x240, $0x38;
	[tilespmem:$0x1F520] =	vst v63  }
0xde: {  	s22 =	simm.s32 $0x5B40;
	s23 =	rddreg [dreg:$0xf]  }
0xdf: {  	[tilespmem:s22], [sflag:$0x1] =	stream.linear.gather [hbm4b:s21+s6], $0x240, $0x38;
	[tilespmem:$0x1F520] =	vst v63  }
0xe0: {  	s24 =	simm.s32 $0x5D88;
	s25 =	rddreg [dreg:$0x10]  }
0xe1: {  	[tilespmem:s24], [sflag:$0x1] =	stream.linear.gather [hbm4b:s23+s6], $0x240, $0x38;
	[tilespmem:$0x1F520] =	vst v63  }
0xe2: {  	s28 =	simm.s32 $0x5FD0;
	s3 =	rddreg [dreg:$0x11]  }
0xe3: {  	[tilespmem:s28], [sflag:$0x1] =	stream.linear.gather [hbm4b:s25+s6], $0x240, $0x38;
	[tilespmem:$0x1F520] =	vst v63  }
0xe4: {  	s4 =	simm.s32 $0x6218;
	s12 =	rddreg [dreg:$0x12]  }
0xe5: {  	[tilespmem:s4], [sflag:$0x1] =	stream.linear.gather [hbm4b:s3+s6], $0x240, $0x38;
	[tilespmem:$0x1F520] =	vst v63  }
0xe6: {  	s19 =	simm.s32 $0x6460;
	s21 =	rddreg [dreg:$0x13]  }
0xe7: {  	[tilespmem:s19], [sflag:$0x1] =	stream.linear.gather [hbm4b:s12+s6], $0x240, $0x38;
	[tilespmem:$0x1F520] =	vst v63  }
0xe8: {  	s22 =	simm.s32 $0x66A8;
	s23 =	rddreg [dreg:$0x14]  }
0xe9: {  	[tilespmem:s22], [sflag:$0x1] =	stream.linear.gather [hbm4b:s21+s6], $0x240, $0x38;
	[tilespmem:$0x1F520] =	vst v63  }
0xea: {  	s24 =	simm.s32 $0x68F0;
	s25 =	rddreg [dreg:$0x15]  }
0xeb: {  	[tilespmem:s24], [sflag:$0x1] =	stream.linear.gather [hbm4b:s23+s6], $0x240, $0x38;
	[tilespmem:$0x1F520] =	vst v63  }
0xec: {  	s28 =	simm.s32 $0x6B38;
	s3 =	sld [smem:$0x7AD]  }
0xed: {  	[tilespmem:s28], [sflag:$0x1] =	stream.linear.gather [hbm4b:s25+s6], $0x240, $0x38;
	[tilespmem:$0x1F520] =	vst v63  }
0xee: {  	s4 =	simm.s32 $0x6D80;
	s12 =	rddreg [dreg:$0x16]  }
0xef: {  	[tilespmem:s4], [sflag:$0x1] =	stream.linear.gather [hbm4b:s3+s6], $0x240, $0x38;
	[tilespmem:$0x1F520] =	vst v63  }
0xf0: {  	s19 =	simm.s32 $0x6FC8;
	s21 =	rddreg [dreg:$0x17]  }
0xf1: {  	[tilespmem:s19], [sflag:$0x1] =	stream.linear.gather [hbm4b:s12+s6], $0x240, $0x38;
	[tilespmem:$0x1F520] =	vst v63  }
0xf2: {  	s22 =	simm.s32 $0x7210;
	s23 =	rddreg [dreg:$0x18]  }
0xf3: {  	[tilespmem:s22], [sflag:$0x1] =	stream.linear.gather [hbm4b:s21+s6], $0x240, $0x38;
	[tilespmem:$0x1F520] =	vst v63  }
0xf4: {  	s24 =	simm.s32 $0x7458;
	s25 =	rddreg [dreg:$0x19]  }
0xf5: {  	[tilespmem:s24], [sflag:$0x1] =	stream.linear.gather [hbm4b:s23+s6], $0x240, $0x38;
	[tilespmem:$0x1F520] =	vst v63  }
0xf6: {  	s28 =	simm.s32 $0x76A0;
	s3 =	rddreg [dreg:$0x1a]  }
0xf7: {  	[tilespmem:s28], [sflag:$0x1] =	stream.linear.gather [hbm4b:s25+s6], $0x240, $0x38;
	[tilespmem:$0x1F520] =	vst v63  }
0xf8: {  	s4 =	simm.s32 $0x78E8;
	s12 =	rddreg [dreg:$0x1b]  }
0xf9: {  	[tilespmem:s4], [sflag:$0x1] =	stream.linear.gather [hbm4b:s3+s6], $0x240, $0x38;
	[tilespmem:$0x1F520] =	vst v63  }
0xfa: {  	s19 =	simm.s32 $0x7B30;
	s21 =	rddreg [dreg:$0x1c]  }
0xfb: {  	[tilespmem:s19], [sflag:$0x1] =	stream.linear.gather [hbm4b:s12+s6], $0x240, $0x38;
	[tilespmem:$0x1F520] =	vst v63  }
0xfc: {  	s22 =	simm.s32 $0x7D78;
	s23 =	rddreg [dreg:$0x1d]  }
0xfd: {  	[tilespmem:s22], [sflag:$0x1] =	stream.linear.gather [hbm4b:s21+s6], $0x240, $0x38;
	[tilespmem:$0x1F520] =	vst v63  }
0xfe: {  	s24 =	simm.s32 $0x7FC0;
	s25 =	rddreg [dreg:$0x1e]  }
0xff: {  	[tilespmem:s24], [sflag:$0x1] =	stream.linear.gather [hbm4b:s23+s6], $0x240, $0x38;
	[tilespmem:$0x1F520] =	vst v63  }
0x100: {  	s28 =	simm.s32 $0x8208;
	s3 =	rddreg [dreg:$0x1f]  }
0x101: {  	[tilespmem:s28], [sflag:$0x1] =	stream.linear.gather [hbm4b:s25+s6], $0x240, $0x38;
	[tilespmem:$0x1F520] =	vst v63  }
0x102: {  	s4 =	simm.s32 $0x8450;
	s12 =	sld [smem:$0x796]  }
0x103: {  	[tilespmem:s4], [sflag:$0x1] =	stream.linear.gather [hbm4b:s3+s6], $0x240, $0x38;
	[tilespmem:$0x1F520] =	vst v63  }
0x104: {  	s19 =	simm.s32 $0x8698;
	s21 =	sld [smem:$0x797]  }
0x105: {  	[tilespmem:s19], [sflag:$0x1] =	stream.linear.gather [hbm4b:s12+s6], $0x240, $0x38;
	[tilespmem:$0x1F520] =	vst v63  }
0x106: {  	s22 =	simm.s32 $0x88E0;
	s23 =	sld [smem:$0x798]  }
0x107: {  	[tilespmem:s22], [sflag:$0x1] =	stream.linear.gather [hbm4b:s21+s6], $0x240, $0x38;
	[tilespmem:$0x1F520] =	vst v63  }
0x108: {  	s24 =	simm.s32 $0x8B28;
	s25 =	sld [smem:$0x799]  }
0x109: {  	[tilespmem:s24], [sflag:$0x1] =	stream.linear.gather [hbm4b:s23+s6], $0x240, $0x38;
	[tilespmem:$0x1F520] =	vst v63  }
0x10a: {  	s28 =	simm.s32 $0x8D70;
	s3 =	sld [smem:$0x79A]  }
0x10b: {  	[tilespmem:s28], [sflag:$0x1] =	stream.linear.gather [hbm4b:s25+s6], $0x240, $0x38;
	[tilespmem:$0x1F520] =	vst v63  }
0x10c: {  	s4 =	simm.s32 $0x8FB8;
	s12 =	sld [smem:$0x7A0]  }
0x10d: {  	[tilespmem:s4], [sflag:$0x1] =	stream.linear.gather [hbm4b:s3+s6], $0x240, $0x38;
	[tilespmem:$0x1F520] =	vst v63  }
0x10e: {  	s19 =	simm.s32 $0x9200;
	s21 =	sld [smem:$0x79B]  }
0x10f: {  	[tilespmem:s19], [sflag:$0x1] =	stream.linear.gather [hbm4b:s12+s6], $0x240, $0x38;
	[tilespmem:$0x1F520] =	vst v63  }
0x110: {  	s22 =	simm.s32 $0x9448;
	s23 =	sld [smem:$0x79C]  }
0x111: {  	[tilespmem:s22], [sflag:$0x1] =	stream.linear.gather [hbm4b:s21+s6], $0x240, $0x38;
	[tilespmem:$0x1F520] =	vst v63  }
0x112: {  	s24 =	simm.s32 $0x9690;
	s25 =	sld [smem:$0x79D]  }
0x113: {  	[tilespmem:s24], [sflag:$0x1] =	stream.linear.gather [hbm4b:s23+s6], $0x240, $0x38;
	[tilespmem:$0x1F520] =	vst v63  }
0x114: {  	s28 =	simm.s32 $0x98D8;
	s3 =	sld [smem:$0x79E]  }
0x115: {  	[tilespmem:s28], [sflag:$0x1] =	stream.linear.gather [hbm4b:s25+s6], $0x240, $0x38;
	[tilespmem:$0x1F520] =	vst v63  }
0x116: {  	s4 =	simm.s32 $0x9B20;
	s12 =	sld [smem:$0x79F]  }
0x117: {  	[tilespmem:s4], [sflag:$0x1] =	stream.linear.gather [hbm4b:s3+s6], $0x240, $0x38;
	[tilespmem:$0x1F520] =	vst v63  }
0x118: {  	s19 =	simm.s32 $0x9D68;
	s21 =	sld [smem:$0x7A1]  }
0x119: {  	[tilespmem:s19], [sflag:$0x1] =	stream.linear.gather [hbm4b:s12+s6], $0x240, $0x38;
	[tilespmem:$0x1F520] =	vst v63  }
0x11a: {  	s22 =	simm.s32 $0x9FB0;
	s23 =	sld [smem:$0x7A2]  }
0x11b: {  	[tilespmem:s22], [sflag:$0x1] =	stream.linear.gather [hbm4b:s21+s6], $0x240, $0x38;
	[tilespmem:$0x1F520] =	vst v63  }
0x11c: {  	s24 =	simm.s32 $0xA1F8;
	s25 =	sld [smem:$0x7A3]  }
0x11d: {  	[tilespmem:s24], [sflag:$0x1] =	stream.linear.gather [hbm4b:s23+s6], $0x240, $0x38;
	[tilespmem:$0x1F520] =	vst v63  }
0x11e: {  	s28 =	simm.s32 $0xA440;
	s3 =	sld [smem:$0x7A4]  }
0x11f: {  	[tilespmem:s28], [sflag:$0x1] =	stream.linear.gather [hbm4b:s25+s6], $0x240, $0x38;
	[tilespmem:$0x1F520] =	vst v63  }
0x120: {  	s4 =	simm.s32 $0xA688;
	s12 =	sld [smem:$0x7A5]  }
0x121: {  	[tilespmem:s4], [sflag:$0x1] =	stream.linear.gather [hbm4b:s3+s6], $0x240, $0x38;
	[tilespmem:$0x1F520] =	vst v63  }
0x122: {  	s19 =	simm.s32 $0xA8D0;
	s21 =	sld [smem:$0x7A6]  }
0x123: {  	[tilespmem:s19], [sflag:$0x1] =	stream.linear.gather [hbm4b:s12+s6], $0x240, $0x38;
	[tilespmem:$0x1F520] =	vst v63  }
0x124: {  	s22 =	simm.s32 $0xAB18;
	s23 =	sld [smem:$0x7A7]  }
0x125: {  	[tilespmem:s22], [sflag:$0x1] =	stream.linear.gather [hbm4b:s21+s6], $0x240, $0x38;
	[tilespmem:$0x1F520] =	vst v63  }
0x126: {  	s24 =	simm.s32 $0xAD60;
	s25 =	sld [smem:$0x7A8]  }
0x127: {  	[tilespmem:s24], [sflag:$0x1] =	stream.linear.gather [hbm4b:s23+s6], $0x240, $0x38;
	[tilespmem:$0x1F520] =	vst v63  }
0x128: {  	s28 =	simm.s32 $0xAFA8;
	s3 =	sld [smem:$0x7A9]  }
0x129: {  	[tilespmem:s28], [sflag:$0x1] =	stream.linear.gather [hbm4b:s25+s6], $0x240, $0x38;
	[tilespmem:$0x1F520] =	vst v63  }
0x12a: {  	s4 =	simm.s32 $0xB1F0;
	s12 =	sld [smem:$0x7AA]  }
0x12b: {  	[tilespmem:s4], [sflag:$0x1] =	stream.linear.gather [hbm4b:s3+s6], $0x240, $0x38;
	[tilespmem:$0x1F520] =	vst v63  }
0x12c: {  	s19 =	simm.s32 $0xB438;
	s21 =	sld [smem:$0x7B2]  }
0x12d: {  	[tilespmem:s19], [sflag:$0x1] =	stream.linear.gather [hbm4b:s12+s6], $0x240, $0x38;
	[tilespmem:$0x1F520] =	vst v63  }
0x12e: {  	s22 =	simm.s32 $0xB680;
	s23 =	sld [smem:$0x7AB]  }
0x12f: {  	[tilespmem:s22], [sflag:$0x1] =	stream.linear.gather [hbm4b:s21+s6], $0x240, $0x38;
	[tilespmem:$0x1F520] =	vst v63  }
0x130: {  	s24 =	simm.s32 $0xB8C8;
	s25 =	sld [smem:$0x7AC]  }
0x131: {  	[tilespmem:s24], [sflag:$0x1] =	stream.linear.gather [hbm4b:s23+s6], $0x240, $0x38;
	[tilespmem:$0x1F520] =	vst v63  }
0x132: {  	s28 =	simm.s32 $0xBB10;
	s3 =	sld [smem:$0x7AE]  }
0x133: {  	[tilespmem:s28], [sflag:$0x1] =	stream.linear.gather [hbm4b:s25+s6], $0x240, $0x38;
	[tilespmem:$0x1F520] =	vst v63  }
0x134: {  	s4 =	simm.s32 $0xBD58;
	s12 =	sld [smem:$0x7AF]  }
0x135: {  	[tilespmem:s4], [sflag:$0x1] =	stream.linear.gather [hbm4b:s3+s6], $0x240, $0x38;
	[tilespmem:$0x1F520] =	vst v63  }
0x136: {  	s19 =	simm.s32 $0xBFA0;
	s21 =	sld [smem:$0x7B0]  }
0x137: {  	[tilespmem:s19], [sflag:$0x1] =	stream.linear.gather [hbm4b:s12+s6], $0x240, $0x38;
	[tilespmem:$0x1F520] =	vst v63  }
0x138: {  	s22 =	simm.s32 $0xC1E8;
	s23 =	sld [smem:$0x7B1]  }
0x139: {  	[tilespmem:s22], [sflag:$0x1] =	stream.linear.gather [hbm4b:s21+s6], $0x240, $0x38;
	[tilespmem:$0x1F520] =	vst v63  }
0x13a: {  	s24 =	simm.s32 $0xC430;
	s25 =	sld [smem:$0x7B3]  }
0x13b: {  	[tilespmem:s24], [sflag:$0x1] =	stream.linear.gather [hbm4b:s23+s6], $0x240, $0x38;
	[tilespmem:$0x1F520] =	vst v63  }
0x13c: {  	s28 =	simm.s32 $0xC678;
	s3 =	sld [smem:$0x7B4]  }
0x13d: {  	[tilespmem:s28], [sflag:$0x1] =	stream.linear.gather [hbm4b:s25+s6], $0x240, $0x38;
	[tilespmem:$0x1F520] =	vst v63  }
0x13e: {  	s4 =	simm.s32 $0xC8C0;
	s12 =	sld [smem:$0x7B5]  }
0x13f: {  	[tilespmem:s4], [sflag:$0x1] =	stream.linear.gather [hbm4b:s3+s6], $0x240, $0x38;
	[tilespmem:$0x1F520] =	vst v63  }
0x140: {  	s19 =	simm.s32 $0xCB08;
	s21 =	sld [smem:$0x7B6]  }
0x141: {  	[tilespmem:s19], [sflag:$0x1] =	stream.linear.gather [hbm4b:s12+s6], $0x240, $0x38;
	[tilespmem:$0x1F520] =	vst v63  }
0x142: {  	s22 =	simm.s32 $0xCD50;
	s23 =	sld [smem:$0x7B7]  }
0x143: {  	[tilespmem:s22], [sflag:$0x1] =	stream.linear.gather [hbm4b:s21+s6], $0x240, $0x38;
	[tilespmem:$0x1F520] =	vst v63  }
0x144: {  	s24 =	simm.s32 $0xCF98;
	s25 =	sld [smem:$0x7B8]  }
0x145: {  	[tilespmem:s24], [sflag:$0x1] =	stream.linear.gather [hbm4b:s23+s6], $0x240, $0x38;
	[tilespmem:$0x1F520] =	vst v63  }
0x146: {  	s28 =	simm.s32 $0xD1E0;
	s4 =	sld [smem:$0x7BA]  }
0x147: {  	[tilespmem:s28], [sflag:$0x1] =	stream.linear.gather [hbm4b:s25+s6], $0x240, $0x38;
	[tilespmem:$0x1F520] =	vst v63  }
0x148: {  	s12 =	simm.s32 $0xD428;
	s19 =	sld [smem:$0x7BB]  }
0x149: {  	[tilespmem:s12], [sflag:$0x1] =	stream.linear.gather [hbm4b:s4+s6], $0x240, $0x38;
	[tilespmem:$0x1F520] =	vst v63  }
0x14a: {  	s21 =	simm.s32 $0xD670;
	s22 =	sld [smem:$0x7BC]  }
0x14b: {  	[tilespmem:s21], [sflag:$0x1] =	stream.linear.gather [hbm4b:s19+s6], $0x240, $0x38;
	[tilespmem:$0x1F520] =	vst v63  }
0x14c: {  	s23 =	simm.s32 $0xD8B8;
	s24 =	sld [smem:$0x7EC]  }
0x14d: {  	[tilespmem:s23], [sflag:$0x1] =	stream.linear.gather [hbm4b:s22+s6], $0x240, $0x38;
	[tilespmem:$0x1F520] =	vst v63  }
0x14e: {  	s25 =	sld [smem:$0x7DE]  }
0x14f: {  	[tilespmem:s0], [sflag:$0x1] =	stream.linear.gather [hbm4b:s24+s6], $0xC0, $0x38;
	[tilespmem:$0x1F520] =	vst v63  }
0x150: {  	s3 =	sld [smem:$0x7DF];
	s28 =	simm.s32 $0xDBC8  }
0x151: {  	[tilespmem:s28], [sflag:$0x1] =	stream.linear.gather [hbm4b:s25+s6], $0xC0, $0x38;
	[tilespmem:$0x1F520] =	vst v63  }
0x152: {  	s4 =	simm.s32 $0xDC90;
	s12 =	sld [smem:$0x7E0]  }
0x153: {  	[tilespmem:s4], [sflag:$0x1] =	stream.linear.gather [hbm4b:s3+s6], $0xC0, $0x38;
	[tilespmem:$0x1F520] =	vst v63  }
0x154: {  	s19 =	simm.s32 $0xDD58;
	s21 =	sld [smem:$0x7E1]  }
0x155: {  	[tilespmem:s19], [sflag:$0x1] =	stream.linear.gather [hbm4b:s12+s6], $0xC0, $0x38;
	[tilespmem:$0x1F520] =	vst v63  }
0x156: {  	s22 =	simm.s32 $0xDE20;
	s23 =	sld [smem:$0x7E2]  }
0x157: {  	[tilespmem:s22], [sflag:$0x1] =	stream.linear.gather [hbm4b:s21+s6], $0xC0, $0x38;
	[tilespmem:$0x1F520] =	vst v63  }
0x158: {  	s24 =	simm.s32 $0xDEE8;
	s25 =	sld [smem:$0x7E3]  }
0x159: {  	[tilespmem:s24], [sflag:$0x1] =	stream.linear.gather [hbm4b:s23+s6], $0xC0, $0x38;
	[tilespmem:$0x1F520] =	vst v63  }
0x15a: {  	s28 =	simm.s32 $0xDFB0;
	s3 =	sld [smem:$0x7E4]  }
0x15b: {  	[tilespmem:s28], [sflag:$0x1] =	stream.linear.gather [hbm4b:s25+s6], $0xC0, $0x38;
	[tilespmem:$0x1F520] =	vst v63  }
0x15c: {  	s4 =	simm.s32 $0xE078;
	s12 =	sld [smem:$0x7E5]  }
0x15d: {  	[tilespmem:s4], [sflag:$0x1] =	stream.linear.gather [hbm4b:s3+s6], $0xC0, $0x38;
	[tilespmem:$0x1F520] =	vst v63  }
0x15e: {  	s19 =	simm.s32 $0xE140;
	s21 =	sld [smem:$0x7E6]  }
0x15f: {  	[tilespmem:s19], [sflag:$0x1] =	stream.linear.gather [hbm4b:s12+s6], $0xC0, $0x38;
	[tilespmem:$0x1F520] =	vst v63  }
0x160: {  	s22 =	simm.s32 $0xE208;
	s23 =	sld [smem:$0x7E7]  }
0x161: {  	[tilespmem:s22], [sflag:$0x1] =	stream.linear.gather [hbm4b:s21+s6], $0xC0, $0x38;
	[tilespmem:$0x1F520] =	vst v63  }
0x162: {  	s24 =	simm.s32 $0xE2D0;
	s25 =	sld [smem:$0x7E8]  }
0x163: {  	[tilespmem:s24], [sflag:$0x1] =	stream.linear.gather [hbm4b:s23+s6], $0xC0, $0x38;
	[tilespmem:$0x1F520] =	vst v63  }
0x164: {  	s28 =	simm.s32 $0xE398;
	s4 =	sld [smem:$0x7E9]  }
0x165: {  	[tilespmem:s28], [sflag:$0x1] =	stream.linear.gather [hbm4b:s25+s6], $0xC0, $0x38;
	[tilespmem:$0x1F520] =	vst v63  }
0x166: {  	s12 =	simm.s32 $0xE460;
	s19 =	sld [smem:$0x7EA]  }
0x167: {  	[tilespmem:s12], [sflag:$0x1] =	stream.linear.gather [hbm4b:s4+s6], $0xC0, $0x38;
	[tilespmem:$0x1F520] =	vst v63  }
0x168: {  	s21 =	simm.s32 $0xE528;
	s22 =	sld [smem:$0x7EB]  }
0x169: {  	[tilespmem:s21], [sflag:$0x1] =	stream.linear.gather [hbm4b:s19+s6], $0xC0, $0x38;
	[tilespmem:$0x1F520] =	vst v63  }
0x16a: {  	s23 =	simm.s32 $0xE5F0;
	s24 =	sld [smem:$0x7ED]  }
0x16b: {  	[tilespmem:s23], [sflag:$0x1] =	stream.linear.gather [hbm4b:s22+s6], $0xC0, $0x38;
	[tilespmem:$0x1F520] =	vst v63  }
0x16c: {  	s25 =	simm.s32 $0xE6B8;
	s28 =	sld [smem:$0x7FC]  }
0x16d: {  	[tilespmem:s25], [sflag:$0x1] =	stream.linear.gather [hbm4b:s24+s6], $0xC0, $0x38;
	[tilespmem:$0x1F520] =	vst v63  }
0x16e: {  	s3 =	sld [smem:$0x7EE]  }
0x16f: {  	[tilespmem:s15], [sflag:$0x1] =	stream.linear.gather [hbm4b:s28+s6], $0xC0, $0x38;
	[tilespmem:$0x1F520] =	vst v63  }
0x170: {  	s4 =	simm.s32 $0xE848;
	s12 =	sld [smem:$0x7EF]  }
0x171: {  	[tilespmem:s4], [sflag:$0x1] =	stream.linear.gather [hbm4b:s3+s6], $0xC0, $0x38;
	[tilespmem:$0x1F520] =	vst v63  }
0x172: {  	s19 =	simm.s32 $0xE910;
	s21 =	sld [smem:$0x7F0]  }
0x173: {  	[tilespmem:s19], [sflag:$0x1] =	stream.linear.gather [hbm4b:s12+s6], $0xC0, $0x38;
	[tilespmem:$0x1F520] =	vst v63  }
0x174: {  	s22 =	simm.s32 $0xE9D8;
	s23 =	sld [smem:$0x7F1]  }
0x175: {  	[tilespmem:s22], [sflag:$0x1] =	stream.linear.gather [hbm4b:s21+s6], $0xC0, $0x38;
	[tilespmem:$0x1F520] =	vst v63  }
0x176: {  	s24 =	simm.s32 $0xEAA0;
	s25 =	sld [smem:$0x7F2]  }
0x177: {  	[tilespmem:s24], [sflag:$0x1] =	stream.linear.gather [hbm4b:s23+s6], $0xC0, $0x38;
	[tilespmem:$0x1F520] =	vst v63  }
0x178: {  	s28 =	simm.s32 $0xEB68;
	s3 =	sld [smem:$0x7F3]  }
0x179: {  	[tilespmem:s28], [sflag:$0x1] =	stream.linear.gather [hbm4b:s25+s6], $0xC0, $0x38;
	[tilespmem:$0x1F520] =	vst v63  }
0x17a: {  	s4 =	simm.s32 $0xEC30;
	s12 =	sld [smem:$0x7F4]  }
0x17b: {  	[tilespmem:s4], [sflag:$0x1] =	stream.linear.gather [hbm4b:s3+s6], $0xC0, $0x38;
	[tilespmem:$0x1F520] =	vst v63  }
0x17c: {  	s19 =	simm.s32 $0xECF8;
	s21 =	sld [smem:$0x7F5]  }
0x17d: {  	[tilespmem:s19], [sflag:$0x1] =	stream.linear.gather [hbm4b:s12+s6], $0xC0, $0x38;
	[tilespmem:$0x1F520] =	vst v63  }
0x17e: {  	s22 =	simm.s32 $0xEDC0;
	s23 =	sld [smem:$0x7F6]  }
0x17f: {  	[tilespmem:s22], [sflag:$0x1] =	stream.linear.gather [hbm4b:s21+s6], $0xC0, $0x38;
	[tilespmem:$0x1F520] =	vst v63  }
0x180: {  	s24 =	simm.s32 $0xEE88;
	s25 =	sld [smem:$0x7F7]  }
0x181: {  	[tilespmem:s24], [sflag:$0x1] =	stream.linear.gather [hbm4b:s23+s6], $0xC0, $0x38;
	[tilespmem:$0x1F520] =	vst v63  }
0x182: {  	s28 =	simm.s32 $0xEF50;
	s3 =	sld [smem:$0x7F8]  }
0x183: {  	[tilespmem:s28], [sflag:$0x1] =	stream.linear.gather [hbm4b:s25+s6], $0xC0, $0x38;
	[tilespmem:$0x1F520] =	vst v63  }
0x184: {  	s4 =	simm.s32 $0xF018;
	s12 =	sld [smem:$0x7F9]  }
0x185: {  	[tilespmem:s4], [sflag:$0x1] =	stream.linear.gather [hbm4b:s3+s6], $0xC0, $0x38;
	[tilespmem:$0x1F520] =	vst v63  }
0x186: {  	s19 =	simm.s32 $0xF0E0;
	s21 =	sld [smem:$0x7FA]  }
0x187: {  	[tilespmem:s19], [sflag:$0x1] =	stream.linear.gather [hbm4b:s12+s6], $0xC0, $0x38;
	[tilespmem:$0x1F520] =	vst v63  }
0x188: {  	s22 =	simm.s32 $0xF1A8;
	s23 =	sld [smem:$0x7FB]  }
0x189: {  	[tilespmem:s22], [sflag:$0x1] =	stream.linear.gather [hbm4b:s21+s6], $0xC0, $0x38;
	[tilespmem:$0x1F520] =	vst v63  }
0x18a: {  	s24 =	simm.s32 $0xF270;
	s25 =	sld [smem:$0x7FD]  }
0x18b: {  	[tilespmem:s24], [sflag:$0x1] =	stream.linear.gather [hbm4b:s23+s6], $0xC0, $0x38;
	[tilespmem:$0x1F520] =	vst v63  }
0x18c: {  	s28 =	simm.s32 $0xF338;
	s19 =	simm.s32 $0x0  }
0x18d: {  	[tilespmem:s28], [sflag:$0x1] =	stream.linear.gather [hbm4b:s25+s6], $0xC0, $0x38;
	[tilespmem:$0x1F520] =	vst v63  }
.LBB2_2:
0x18e: {  	s25 =	simm.s32 $0x1  }
0x18f: {  	_ =	swait.ge [sflag:s25], $0x2400  }
0x190: {  	[sflag:s25] =	ssyncset.done $0x0  }
0x191: {  	[sflag:s25] =	ssyncadd.s32 $0xFFFFDC00  }
0x192: {  	_ =	swait.ge [sflag:s25], $0x2400  }
0x193: {  	[sflag:s25] =	ssyncset.done $0x0  }
0x194: {  	[sflag:s25] =	ssyncadd.s32 $0xFFFFDC00  }
0x195: {  	_ =	swait.ge [sflag:s25], $0x2400  }
0x196: {  	[sflag:s25] =	ssyncset.done $0x0  }
0x197: {  	[sflag:s25] =	ssyncadd.s32 $0xFFFFDC00  }
0x198: {  	_ =	swait.ge [sflag:s25], $0x2400  }
0x199: {  	[sflag:s25] =	ssyncset.done $0x0  }
0x19a: {  	[sflag:s25] =	ssyncadd.s32 $0xFFFFDC00  }
0x19b: {  	_ =	swait.ge [sflag:s25], $0x2400  }
0x19c: {  	[sflag:s25] =	ssyncset.done $0x0  }
0x19d: {  	[sflag:s25] =	ssyncadd.s32 $0xFFFFDC00  }
0x19e: {  	_ =	swait.ge [sflag:s25], $0x2400  }
0x19f: {  	[sflag:s25] =	ssyncset.done $0x0  }
0x1a0: {  	[sflag:s25] =	ssyncadd.s32 $0xFFFFDC00  }
0x1a1: {  	_ =	swait.ge [sflag:s25], $0xC00  }
0x1a2: {  	s23 =	sshll.u32 s19, $0x5;
	s1 =	rddreg [dreg:$0x5]  }
0x1a3: {  	[sflag:s25] =	ssyncset.done $0x0;
	s24 =	sor.u32 s23, s1  }
0x1a4: {  	[sflag:s25] =	ssyncadd.s32 $0xFFFFF400;
	s21 =	sor.u32 $0x10, s24  }
0x1a5: {  	_ =	swait.ge [sflag:s25], $0xC00;
	s12 =	smul.u32 $0x48, s21  }
0x1a6: {  	[sflag:s25] =	ssyncset.done $0x0  }
0x1a7: {  	[sflag:s25] =	ssyncadd.s32 $0xFFFFF400;
	s22 =	sadd.s32 s8, s12  }
0x1a8: {  	[tilespmem:s2], [sflag:$0x2] =	stream.linear.gather [hbm4b:s22+s6], $0x240, $0x38;
	[tilespmem:$0x1F520] =	vst v63  }
0x1a9: {  	s28 =	simm.s32 $0xF648;
	s3 =	sadd.s32 $0x48, s22  }
0x1aa: {  	[tilespmem:s28], [sflag:$0x2] =	stream.linear.gather [hbm4b:s3+s6], $0x240, $0x38;
	[tilespmem:$0x1F520] =	vst v63  }
0x1ab: {  	s3 =	sadd.s32 $0x90, s22;
	s28 =	simm.s32 $0xF890  }
0x1ac: {  	[tilespmem:s28], [sflag:$0x2] =	stream.linear.gather [hbm4b:s3+s6], $0x240, $0x38;
	[tilespmem:$0x1F520] =	vst v63  }
0x1ad: {  	s3 =	sadd.s32 $0xD8, s22;
	s28 =	simm.s32 $0xFAD8  }
0x1ae: {  	[tilespmem:s28], [sflag:$0x2] =	stream.linear.gather [hbm4b:s3+s6], $0x240, $0x38;
	[tilespmem:$0x1F520] =	vst v63  }
0x1af: {  	s3 =	sadd.s32 $0x120, s22;
	s28 =	simm.s32 $0xFD20  }
0x1b0: {  	[tilespmem:s28], [sflag:$0x2] =	stream.linear.gather [hbm4b:s3+s6], $0x240, $0x38;
	[tilespmem:$0x1F520] =	vst v63  }
0x1b1: {  	s3 =	sadd.s32 $0x168, s22;
	s28 =	simm.s32 $0xFF68  }
0x1b2: {  	[tilespmem:s28], [sflag:$0x2] =	stream.linear.gather [hbm4b:s3+s6], $0x240, $0x38;
	[tilespmem:$0x1F520] =	vst v63  }
0x1b3: {  	s3 =	sadd.s32 $0x1B0, s22;
	s28 =	simm.s32 $0x101B0  }
0x1b4: {  	[tilespmem:s28], [sflag:$0x2] =	stream.linear.gather [hbm4b:s3+s6], $0x240, $0x38;
	[tilespmem:$0x1F520] =	vst v63  }
0x1b5: {  	s3 =	sadd.s32 $0x1F8, s22;
	s28 =	simm.s32 $0x103F8  }
0x1b6: {  	[tilespmem:s28], [sflag:$0x2] =	stream.linear.gather [hbm4b:s3+s6], $0x240, $0x38;
	[tilespmem:$0x1F520] =	vst v63  }
0x1b7: {  	s3 =	sadd.s32 $0x240, s22;
	s28 =	simm.s32 $0x10640  }
0x1b8: {  	[tilespmem:s28], [sflag:$0x2] =	stream.linear.gather [hbm4b:s3+s6], $0x240, $0x38;
	[tilespmem:$0x1F520] =	vst v63  }
0x1b9: {  	s3 =	sadd.s32 $0x288, s22;
	s28 =	simm.s32 $0x10888  }
0x1ba: {  	[tilespmem:s28], [sflag:$0x2] =	stream.linear.gather [hbm4b:s3+s6], $0x240, $0x38;
	[tilespmem:$0x1F520] =	vst v63  }
0x1bb: {  	s3 =	sadd.s32 $0x2D0, s22;
	s28 =	simm.s32 $0x10AD0  }
0x1bc: {  	[tilespmem:s28], [sflag:$0x2] =	stream.linear.gather [hbm4b:s3+s6], $0x240, $0x38;
	[tilespmem:$0x1F520] =	vst v63  }
0x1bd: {  	s3 =	sadd.s32 $0x318, s22;
	s28 =	simm.s32 $0x10D18  }
0x1be: {  	[tilespmem:s28], [sflag:$0x2] =	stream.linear.gather [hbm4b:s3+s6], $0x240, $0x38;
	[tilespmem:$0x1F520] =	vst v63  }
0x1bf: {  	s3 =	sadd.s32 $0x360, s22;
	s28 =	simm.s32 $0x10F60  }
0x1c0: {  	[tilespmem:s28], [sflag:$0x2] =	stream.linear.gather [hbm4b:s3+s6], $0x240, $0x38;
	[tilespmem:$0x1F520] =	vst v63  }
0x1c1: {  	s3 =	sadd.s32 $0x3A8, s22;
	s28 =	simm.s32 $0x111A8  }
0x1c2: {  	[tilespmem:s28], [sflag:$0x2] =	stream.linear.gather [hbm4b:s3+s6], $0x240, $0x38;
	[tilespmem:$0x1F520] =	vst v63  }
0x1c3: {  	s3 =	sadd.s32 $0x3F0, s22;
	s28 =	simm.s32 $0x113F0  }
0x1c4: {  	[tilespmem:s28], [sflag:$0x2] =	stream.linear.gather [hbm4b:s3+s6], $0x240, $0x38;
	[tilespmem:$0x1F520] =	vst v63  }
0x1c5: {  	s22 =	sadd.s32 $0x438, s22;
	s3 =	simm.s32 $0x11638  }
0x1c6: {  	[tilespmem:s3], [sflag:$0x2] =	stream.linear.gather [hbm4b:s22+s6], $0x240, $0x38;
	[tilespmem:$0x1F520] =	vst v63  }
0x1c7: {  	s12 =	sadd.s32 s7, s12  }
0x1c8: {  	[tilespmem:s31], [sflag:$0x2] =	stream.linear.gather [hbm4b:s12+s6], $0x240, $0x38;
	[tilespmem:$0x1F520] =	vst v63  }
0x1c9: {  	s4 =	smov.u32 s26;
	s26 =	sadd.s32 $0x48, s12;
	s28 =	simm.s32 $0x11AC8  }
0x1ca: {  	[tilespmem:s28], [sflag:$0x2] =	stream.linear.gather [hbm4b:s26+s6], $0x240, $0x38;
	[tilespmem:$0x1F520] =	vst v63  }
0x1cb: {  	s1 =	sadd.s32 $0x90, s12;
	s3 =	simm.s32 $0x11D10  }
0x1cc: {  	[tilespmem:s3], [sflag:$0x2] =	stream.linear.gather [hbm4b:s1+s6], $0x240, $0x38;
	[tilespmem:$0x1F520] =	vst v63  }
0x1cd: {  	s26 =	sadd.s32 $0xD8, s12;
	s28 =	simm.s32 $0x11F58  }
0x1ce: {  	[tilespmem:s28], [sflag:$0x2] =	stream.linear.gather [hbm4b:s26+s6], $0x240, $0x38;
	[tilespmem:$0x1F520] =	vst v63  }
0x1cf: {  	s1 =	sadd.s32 $0x120, s12;
	s3 =	simm.s32 $0x121A0  }
0x1d0: {  	[tilespmem:s3], [sflag:$0x2] =	stream.linear.gather [hbm4b:s1+s6], $0x240, $0x38;
	[tilespmem:$0x1F520] =	vst v63  }
0x1d1: {  	s26 =	sadd.s32 $0x168, s12;
	s28 =	simm.s32 $0x123E8  }
0x1d2: {  	[tilespmem:s28], [sflag:$0x2] =	stream.linear.gather [hbm4b:s26+s6], $0x240, $0x38;
	[tilespmem:$0x1F520] =	vst v63  }
0x1d3: {  	s1 =	sadd.s32 $0x1B0, s12;
	s3 =	simm.s32 $0x12630  }
0x1d4: {  	[tilespmem:s3], [sflag:$0x2] =	stream.linear.gather [hbm4b:s1+s6], $0x240, $0x38;
	[tilespmem:$0x1F520] =	vst v63  }
0x1d5: {  	s26 =	sadd.s32 $0x1F8, s12;
	s28 =	simm.s32 $0x12878  }
0x1d6: {  	[tilespmem:s28], [sflag:$0x2] =	stream.linear.gather [hbm4b:s26+s6], $0x240, $0x38;
	[tilespmem:$0x1F520] =	vst v63  }
0x1d7: {  	s1 =	sadd.s32 $0x240, s12;
	s3 =	simm.s32 $0x12AC0  }
0x1d8: {  	[tilespmem:s3], [sflag:$0x2] =	stream.linear.gather [hbm4b:s1+s6], $0x240, $0x38;
	[tilespmem:$0x1F520] =	vst v63  }
0x1d9: {  	s26 =	sadd.s32 $0x288, s12;
	s28 =	simm.s32 $0x12D08  }
0x1da: {  	[tilespmem:s28], [sflag:$0x2] =	stream.linear.gather [hbm4b:s26+s6], $0x240, $0x38;
	[tilespmem:$0x1F520] =	vst v63  }
0x1db: {  	s1 =	sadd.s32 $0x2D0, s12;
	s3 =	simm.s32 $0x12F50  }
0x1dc: {  	[tilespmem:s3], [sflag:$0x2] =	stream.linear.gather [hbm4b:s1+s6], $0x240, $0x38;
	[tilespmem:$0x1F520] =	vst v63  }
0x1dd: {  	s26 =	sadd.s32 $0x318, s12;
	s28 =	simm.s32 $0x13198  }
0x1de: {  	[tilespmem:s28], [sflag:$0x2] =	stream.linear.gather [hbm4b:s26+s6], $0x240, $0x38;
	[tilespmem:$0x1F520] =	vst v63  }
0x1df: {  	s1 =	sadd.s32 $0x360, s12;
	s3 =	simm.s32 $0x133E0  }
0x1e0: {  	[tilespmem:s3], [sflag:$0x2] =	stream.linear.gather [hbm4b:s1+s6], $0x240, $0x38;
	[tilespmem:$0x1F520] =	vst v63  }
0x1e1: {  	s26 =	sadd.s32 $0x3A8, s12;
	s28 =	simm.s32 $0x13628  }
0x1e2: {  	[tilespmem:s28], [sflag:$0x2] =	stream.linear.gather [hbm4b:s26+s6], $0x240, $0x38;
	[tilespmem:$0x1F520] =	vst v63  }
0x1e3: {  	s3 =	sadd.s32 $0x3F0, s12;
	s26 =	simm.s32 $0x13870;
	s28 =	smul.u32 $0x240, s21  }
0x1e4: {  	[tilespmem:s26], [sflag:$0x2] =	stream.linear.gather [hbm4b:s3+s6], $0x240, $0x38;
	[tilespmem:$0x1F520] =	vst v63  }
0x1e5: {  	s26 =	sshrl.u32 s28, $0x3  }
0x1e6: {  	s12 =	sadd.s32 $0x438, s12;
	s3 =	simm.s32 $0x13AB8;
	s22 =	sadd.s32 s7, s26  }
0x1e7: {  	[tilespmem:s3], [sflag:$0x2] =	stream.linear.gather [hbm4b:s12+s6], $0x240, $0x38;
	[tilespmem:$0x1F520] =	vst v63  }
0x1e8: {  	s28 =	simm.s32 $0x13D00;
	s12 =	sadd.s32 $0x90000, s22  }
0x1e9: {  	[tilespmem:s28], [sflag:$0x2] =	stream.linear.gather [hbm4b:s12+s6], $0x240, $0x38;
	[tilespmem:$0x1F520] =	vst v63  }
0x1ea: {  	s3 =	sadd.s32 $0x48, s12;
	s28 =	simm.s32 $0x13F48  }
0x1eb: {  	[tilespmem:s28], [sflag:$0x2] =	stream.linear.gather [hbm4b:s3+s6], $0x240, $0x38;
	[tilespmem:$0x1F520] =	vst v63  }
0x1ec: {  	s3 =	sadd.s32 $0x90, s12;
	s28 =	simm.s32 $0x14190  }
0x1ed: {  	[tilespmem:s28], [sflag:$0x2] =	stream.linear.gather [hbm4b:s3+s6], $0x240, $0x38;
	[tilespmem:$0x1F520] =	vst v63  }
0x1ee: {  	s3 =	sadd.s32 $0xD8, s12;
	s28 =	simm.s32 $0x143D8  }
0x1ef: {  	[tilespmem:s28], [sflag:$0x2] =	stream.linear.gather [hbm4b:s3+s6], $0x240, $0x38;
	[tilespmem:$0x1F520] =	vst v63  }
0x1f0: {  	s3 =	sadd.s32 $0x120, s12;
	s28 =	simm.s32 $0x14620  }
0x1f1: {  	[tilespmem:s28], [sflag:$0x2] =	stream.linear.gather [hbm4b:s3+s6], $0x240, $0x38;
	[tilespmem:$0x1F520] =	vst v63  }
0x1f2: {  	s3 =	sadd.s32 $0x168, s12;
	s28 =	simm.s32 $0x14868  }
0x1f3: {  	[tilespmem:s28], [sflag:$0x2] =	stream.linear.gather [hbm4b:s3+s6], $0x240, $0x38;
	[tilespmem:$0x1F520] =	vst v63  }
0x1f4: {  	s3 =	sadd.s32 $0x1B0, s12;
	s28 =	simm.s32 $0x14AB0  }
0x1f5: {  	[tilespmem:s28], [sflag:$0x2] =	stream.linear.gather [hbm4b:s3+s6], $0x240, $0x38;
	[tilespmem:$0x1F520] =	vst v63  }
0x1f6: {  	s3 =	sadd.s32 $0x1F8, s12;
	s28 =	simm.s32 $0x14CF8  }
0x1f7: {  	[tilespmem:s28], [sflag:$0x2] =	stream.linear.gather [hbm4b:s3+s6], $0x240, $0x38;
	[tilespmem:$0x1F520] =	vst v63  }
0x1f8: {  	s3 =	sadd.s32 $0x240, s12;
	s28 =	simm.s32 $0x14F40  }
0x1f9: {  	[tilespmem:s28], [sflag:$0x2] =	stream.linear.gather [hbm4b:s3+s6], $0x240, $0x38;
	[tilespmem:$0x1F520] =	vst v63  }
0x1fa: {  	s3 =	sadd.s32 $0x288, s12;
	s28 =	simm.s32 $0x15188  }
0x1fb: {  	[tilespmem:s28], [sflag:$0x2] =	stream.linear.gather [hbm4b:s3+s6], $0x240, $0x38;
	[tilespmem:$0x1F520] =	vst v63  }
0x1fc: {  	s3 =	sadd.s32 $0x2D0, s12;
	s28 =	simm.s32 $0x153D0  }
0x1fd: {  	[tilespmem:s28], [sflag:$0x2] =	stream.linear.gather [hbm4b:s3+s6], $0x240, $0x38;
	[tilespmem:$0x1F520] =	vst v63  }
0x1fe: {  	s3 =	sadd.s32 $0x318, s12;
	s28 =	simm.s32 $0x15618  }
0x1ff: {  	[tilespmem:s28], [sflag:$0x2] =	stream.linear.gather [hbm4b:s3+s6], $0x240, $0x38;
	[tilespmem:$0x1F520] =	vst v63  }
0x200: {  	s3 =	sadd.s32 $0x360, s12;
	s28 =	simm.s32 $0x15860  }
0x201: {  	[tilespmem:s28], [sflag:$0x2] =	stream.linear.gather [hbm4b:s3+s6], $0x240, $0x38;
	[tilespmem:$0x1F520] =	vst v63  }
0x202: {  	s3 =	sadd.s32 $0x3A8, s12;
	s28 =	simm.s32 $0x15AA8  }
0x203: {  	[tilespmem:s28], [sflag:$0x2] =	stream.linear.gather [hbm4b:s3+s6], $0x240, $0x38;
	[tilespmem:$0x1F520] =	vst v63  }
0x204: {  	s1 =	sadd.s32 $0x3F0, s12;
	s3 =	simm.s32 $0x15CF0  }
0x205: {  	[tilespmem:s3], [sflag:$0x2] =	stream.linear.gather [hbm4b:s1+s6], $0x240, $0x38;
	[tilespmem:$0x1F520] =	vst v63  }
0x206: {  	s26 =	simm.s32 $0x15F38;
	s12 =	sadd.s32 $0x438, s12  }
0x207: {  	[tilespmem:s26], [sflag:$0x2] =	stream.linear.gather [hbm4b:s12+s6], $0x240, $0x38;
	[tilespmem:$0x1F520] =	vst v63  }
0x208: {  	s28 =	simm.s32 $0x16180;
	s12 =	sadd.s32 $0x120000, s22  }
0x209: {  	[tilespmem:s28], [sflag:$0x2] =	stream.linear.gather [hbm4b:s12+s6], $0x240, $0x38;
	[tilespmem:$0x1F520] =	vst v63  }
0x20a: {  	s3 =	sadd.s32 $0x48, s12;
	s28 =	simm.s32 $0x163C8  }
0x20b: {  	[tilespmem:s28], [sflag:$0x2] =	stream.linear.gather [hbm4b:s3+s6], $0x240, $0x38;
	[tilespmem:$0x1F520] =	vst v63  }
0x20c: {  	s3 =	sadd.s32 $0x90, s12;
	s28 =	simm.s32 $0x16610  }
0x20d: {  	[tilespmem:s28], [sflag:$0x2] =	stream.linear.gather [hbm4b:s3+s6], $0x240, $0x38;
	[tilespmem:$0x1F520] =	vst v63  }
0x20e: {  	s3 =	sadd.s32 $0xD8, s12;
	s28 =	simm.s32 $0x16858  }
0x20f: {  	[tilespmem:s28], [sflag:$0x2] =	stream.linear.gather [hbm4b:s3+s6], $0x240, $0x38;
	[tilespmem:$0x1F520] =	vst v63  }
0x210: {  	s3 =	sadd.s32 $0x120, s12;
	s28 =	simm.s32 $0x16AA0  }
0x211: {  	[tilespmem:s28], [sflag:$0x2] =	stream.linear.gather [hbm4b:s3+s6], $0x240, $0x38;
	[tilespmem:$0x1F520] =	vst v63  }
0x212: {  	s3 =	sadd.s32 $0x168, s12;
	s28 =	simm.s32 $0x16CE8  }
0x213: {  	[tilespmem:s28], [sflag:$0x2] =	stream.linear.gather [hbm4b:s3+s6], $0x240, $0x38;
	[tilespmem:$0x1F520] =	vst v63  }
0x214: {  	s3 =	sadd.s32 $0x1B0, s12;
	s28 =	simm.s32 $0x16F30  }
0x215: {  	[tilespmem:s28], [sflag:$0x2] =	stream.linear.gather [hbm4b:s3+s6], $0x240, $0x38;
	[tilespmem:$0x1F520] =	vst v63  }
0x216: {  	s3 =	sadd.s32 $0x1F8, s12;
	s28 =	simm.s32 $0x17178  }
0x217: {  	[tilespmem:s28], [sflag:$0x2] =	stream.linear.gather [hbm4b:s3+s6], $0x240, $0x38;
	[tilespmem:$0x1F520] =	vst v63  }
0x218: {  	s3 =	sadd.s32 $0x240, s12;
	s28 =	simm.s32 $0x173C0  }
0x219: {  	[tilespmem:s28], [sflag:$0x2] =	stream.linear.gather [hbm4b:s3+s6], $0x240, $0x38;
	[tilespmem:$0x1F520] =	vst v63  }
0x21a: {  	s3 =	sadd.s32 $0x288, s12;
	s28 =	simm.s32 $0x17608  }
0x21b: {  	[tilespmem:s28], [sflag:$0x2] =	stream.linear.gather [hbm4b:s3+s6], $0x240, $0x38;
	[tilespmem:$0x1F520] =	vst v63  }
0x21c: {  	s3 =	sadd.s32 $0x2D0, s12;
	s28 =	simm.s32 $0x17850  }
0x21d: {  	[tilespmem:s28], [sflag:$0x2] =	stream.linear.gather [hbm4b:s3+s6], $0x240, $0x38;
	[tilespmem:$0x1F520] =	vst v63  }
0x21e: {  	s3 =	sadd.s32 $0x318, s12;
	s28 =	simm.s32 $0x17A98  }
0x21f: {  	[tilespmem:s28], [sflag:$0x2] =	stream.linear.gather [hbm4b:s3+s6], $0x240, $0x38;
	[tilespmem:$0x1F520] =	vst v63  }
0x220: {  	s3 =	sadd.s32 $0x360, s12;
	s28 =	simm.s32 $0x17CE0  }
0x221: {  	[tilespmem:s28], [sflag:$0x2] =	stream.linear.gather [hbm4b:s3+s6], $0x240, $0x38;
	[tilespmem:$0x1F520] =	vst v63  }
0x222: {  	s3 =	sadd.s32 $0x3A8, s12;
	s28 =	simm.s32 $0x17F28  }
0x223: {  	[tilespmem:s28], [sflag:$0x2] =	stream.linear.gather [hbm4b:s3+s6], $0x240, $0x38;
	[tilespmem:$0x1F520] =	vst v63  }
0x224: {  	s1 =	sadd.s32 $0x3F0, s12;
	s3 =	simm.s32 $0x18170  }
0x225: {  	[tilespmem:s3], [sflag:$0x2] =	stream.linear.gather [hbm4b:s1+s6], $0x240, $0x38;
	[tilespmem:$0x1F520] =	vst v63  }
0x226: {  	s26 =	simm.s32 $0x183B8;
	s12 =	sadd.s32 $0x438, s12  }
0x227: {  	[tilespmem:s26], [sflag:$0x2] =	stream.linear.gather [hbm4b:s12+s6], $0x240, $0x38;
	[tilespmem:$0x1F520] =	vst v63  }
0x228: {  	s28 =	simm.s32 $0x18600;
	s12 =	sadd.s32 $0x1B0000, s22  }
0x229: {  	[tilespmem:s28], [sflag:$0x2] =	stream.linear.gather [hbm4b:s12+s6], $0x240, $0x38;
	[tilespmem:$0x1F520] =	vst v63  }
0x22a: {  	s3 =	sadd.s32 $0x48, s12;
	s28 =	simm.s32 $0x18848  }
0x22b: {  	[tilespmem:s28], [sflag:$0x2] =	stream.linear.gather [hbm4b:s3+s6], $0x240, $0x38;
	[tilespmem:$0x1F520] =	vst v63  }
0x22c: {  	s3 =	sadd.s32 $0x90, s12;
	s28 =	simm.s32 $0x18A90  }
0x22d: {  	[tilespmem:s28], [sflag:$0x2] =	stream.linear.gather [hbm4b:s3+s6], $0x240, $0x38;
	[tilespmem:$0x1F520] =	vst v63  }
0x22e: {  	s3 =	sadd.s32 $0xD8, s12;
	s28 =	simm.s32 $0x18CD8  }
0x22f: {  	[tilespmem:s28], [sflag:$0x2] =	stream.linear.gather [hbm4b:s3+s6], $0x240, $0x38;
	[tilespmem:$0x1F520] =	vst v63  }
0x230: {  	s3 =	sadd.s32 $0x120, s12;
	s28 =	simm.s32 $0x18F20  }
0x231: {  	[tilespmem:s28], [sflag:$0x2] =	stream.linear.gather [hbm4b:s3+s6], $0x240, $0x38;
	[tilespmem:$0x1F520] =	vst v63  }
0x232: {  	s3 =	sadd.s32 $0x168, s12;
	s28 =	simm.s32 $0x19168  }
0x233: {  	[tilespmem:s28], [sflag:$0x2] =	stream.linear.gather [hbm4b:s3+s6], $0x240, $0x38;
	[tilespmem:$0x1F520] =	vst v63  }
0x234: {  	s3 =	sadd.s32 $0x1B0, s12;
	s28 =	simm.s32 $0x193B0  }
0x235: {  	[tilespmem:s28], [sflag:$0x2] =	stream.linear.gather [hbm4b:s3+s6], $0x240, $0x38;
	[tilespmem:$0x1F520] =	vst v63  }
0x236: {  	s3 =	sadd.s32 $0x1F8, s12;
	s28 =	simm.s32 $0x195F8  }
0x237: {  	[tilespmem:s28], [sflag:$0x2] =	stream.linear.gather [hbm4b:s3+s6], $0x240, $0x38;
	[tilespmem:$0x1F520] =	vst v63  }
0x238: {  	s3 =	sadd.s32 $0x240, s12;
	s28 =	simm.s32 $0x19840  }
0x239: {  	[tilespmem:s28], [sflag:$0x2] =	stream.linear.gather [hbm4b:s3+s6], $0x240, $0x38;
	[tilespmem:$0x1F520] =	vst v63  }
0x23a: {  	s3 =	sadd.s32 $0x288, s12;
	s28 =	simm.s32 $0x19A88  }
0x23b: {  	[tilespmem:s28], [sflag:$0x2] =	stream.linear.gather [hbm4b:s3+s6], $0x240, $0x38;
	[tilespmem:$0x1F520] =	vst v63  }
0x23c: {  	s3 =	sadd.s32 $0x2D0, s12;
	s28 =	simm.s32 $0x19CD0  }
0x23d: {  	[tilespmem:s28], [sflag:$0x2] =	stream.linear.gather [hbm4b:s3+s6], $0x240, $0x38;
	[tilespmem:$0x1F520] =	vst v63  }
0x23e: {  	s3 =	sadd.s32 $0x318, s12;
	s28 =	simm.s32 $0x19F18  }
0x23f: {  	[tilespmem:s28], [sflag:$0x2] =	stream.linear.gather [hbm4b:s3+s6], $0x240, $0x38;
	[tilespmem:$0x1F520] =	vst v63  }
0x240: {  	s3 =	sadd.s32 $0x360, s12;
	s28 =	simm.s32 $0x1A160  }
0x241: {  	[tilespmem:s28], [sflag:$0x2] =	stream.linear.gather [hbm4b:s3+s6], $0x240, $0x38;
	[tilespmem:$0x1F520] =	vst v63  }
0x242: {  	s3 =	sadd.s32 $0x3A8, s12;
	s28 =	simm.s32 $0x1A3A8  }
0x243: {  	[tilespmem:s28], [sflag:$0x2] =	stream.linear.gather [hbm4b:s3+s6], $0x240, $0x38;
	[tilespmem:$0x1F520] =	vst v63  }
0x244: {  	s3 =	sadd.s32 $0x3F0, s12;
	s28 =	simm.s32 $0x1A5F0  }
0x245: {  	[tilespmem:s28], [sflag:$0x2] =	stream.linear.gather [hbm4b:s3+s6], $0x240, $0x38;
	[tilespmem:$0x1F520] =	vst v63  }
0x246: {  	s12 =	sadd.s32 $0x438, s12;
	s3 =	simm.s32 $0x1A838  }
0x247: {  	[tilespmem:s3], [sflag:$0x2] =	stream.linear.gather [hbm4b:s12+s6], $0x240, $0x38;
	[tilespmem:$0x1F520] =	vst v63  }
0x248: {  	s26 =	simm.s32 $0x1AA80;
	s12 =	sadd.s32 $0x240000, s22  }
0x249: {  	[tilespmem:s26], [sflag:$0x2] =	stream.linear.gather [hbm4b:s12+s6], $0x240, $0x38;
	[tilespmem:$0x1F520] =	vst v63  }
0x24a: {  	s28 =	simm.s32 $0x1ACC8;
	s22 =	sadd.s32 $0x48, s12  }
0x24b: {  	[tilespmem:s28], [sflag:$0x2] =	stream.linear.gather [hbm4b:s22+s6], $0x240, $0x38;
	[tilespmem:$0x1F520] =	vst v63  }
0x24c: {  	s3 =	simm.s32 $0x1AF10;
	s1 =	sadd.s32 $0x90, s12  }
0x24d: {  	[tilespmem:s3], [sflag:$0x2] =	stream.linear.gather [hbm4b:s1+s6], $0x240, $0x38;
	[tilespmem:$0x1F520] =	vst v63  }
0x24e: {  	s26 =	sadd.s32 $0xD8, s12;
	s28 =	simm.s32 $0x1B158  }
0x24f: {  	[tilespmem:s28], [sflag:$0x2] =	stream.linear.gather [hbm4b:s26+s6], $0x240, $0x38;
	[tilespmem:$0x1F520] =	vst v63  }
0x250: {  	s1 =	sadd.s32 $0x120, s12;
	s3 =	simm.s32 $0x1B3A0  }
0x251: {  	[tilespmem:s3], [sflag:$0x2] =	stream.linear.gather [hbm4b:s1+s6], $0x240, $0x38;
	[tilespmem:$0x1F520] =	vst v63  }
0x252: {  	s26 =	sadd.s32 $0x168, s12;
	s28 =	simm.s32 $0x1B5E8  }
0x253: {  	[tilespmem:s28], [sflag:$0x2] =	stream.linear.gather [hbm4b:s26+s6], $0x240, $0x38;
	[tilespmem:$0x1F520] =	vst v63  }
0x254: {  	s1 =	sadd.s32 $0x1B0, s12;
	s3 =	simm.s32 $0x1B830  }
0x255: {  	[tilespmem:s3], [sflag:$0x2] =	stream.linear.gather [hbm4b:s1+s6], $0x240, $0x38;
	[tilespmem:$0x1F520] =	vst v63  }
0x256: {  	s26 =	sadd.s32 $0x1F8, s12;
	s28 =	simm.s32 $0x1BA78  }
0x257: {  	[tilespmem:s28], [sflag:$0x2] =	stream.linear.gather [hbm4b:s26+s6], $0x240, $0x38;
	[tilespmem:$0x1F520] =	vst v63  }
0x258: {  	s1 =	sadd.s32 $0x240, s12;
	s3 =	simm.s32 $0x1BCC0  }
0x259: {  	[tilespmem:s3], [sflag:$0x2] =	stream.linear.gather [hbm4b:s1+s6], $0x240, $0x38;
	[tilespmem:$0x1F520] =	vst v63  }
0x25a: {  	s26 =	sadd.s32 $0x288, s12;
	s28 =	simm.s32 $0x1BF08  }
0x25b: {  	[tilespmem:s28], [sflag:$0x2] =	stream.linear.gather [hbm4b:s26+s6], $0x240, $0x38;
	[tilespmem:$0x1F520] =	vst v63  }
0x25c: {  	s1 =	sadd.s32 $0x2D0, s12;
	s3 =	simm.s32 $0x1C150  }
0x25d: {  	[tilespmem:s3], [sflag:$0x2] =	stream.linear.gather [hbm4b:s1+s6], $0x240, $0x38;
	[tilespmem:$0x1F520] =	vst v63  }
0x25e: {  	s26 =	sadd.s32 $0x318, s12;
	s28 =	simm.s32 $0x1C398  }
0x25f: {  	[tilespmem:s28], [sflag:$0x2] =	stream.linear.gather [hbm4b:s26+s6], $0x240, $0x38;
	[tilespmem:$0x1F520] =	vst v63  }
0x260: {  	s1 =	sadd.s32 $0x360, s12;
	s3 =	simm.s32 $0x1C5E0  }
0x261: {  	[tilespmem:s3], [sflag:$0x2] =	stream.linear.gather [hbm4b:s1+s6], $0x240, $0x38;
	[tilespmem:$0x1F520] =	vst v63  }
0x262: {  	s26 =	sadd.s32 $0x3A8, s12;
	s28 =	simm.s32 $0x1C828  }
0x263: {  	[tilespmem:s28], [sflag:$0x2] =	stream.linear.gather [hbm4b:s26+s6], $0x240, $0x38;
	[tilespmem:$0x1F520] =	vst v63  }
0x264: {  	s22 =	smul.u32 $0x18, s21;
	s1 =	sadd.s32 $0x3F0, s12;
	s3 =	simm.s32 $0x1CA70  }
0x265: {  	[tilespmem:s3], [sflag:$0x2] =	stream.linear.gather [hbm4b:s1+s6], $0x240, $0x38;
	[tilespmem:$0x1F520] =	vst v63  }
0x266: {  	s12 =	sadd.s32 $0x438, s12;
	s26 =	simm.s32 $0x1CCB8;
	s28 =	rddreg [dreg:$0x1]  }
0x267: {  	[tilespmem:s26], [sflag:$0x2] =	stream.linear.gather [hbm4b:s12+s6], $0x240, $0x38;
	[tilespmem:$0x1F520] =	vst v63  }
0x268: {  	s12 =	sadd.s32 s28, s22  }
0x269: {  	[tilespmem:s29], [sflag:$0x2] =	stream.linear.gather [hbm4b:s12+s6], $0xC0, $0x38;
	[tilespmem:$0x1F520] =	vst v63  }
0x26a: {  	s28 =	simm.s32 $0x1CFC8;
	s3 =	sadd.s32 $0x18, s12  }
0x26b: {  	[tilespmem:s28], [sflag:$0x2] =	stream.linear.gather [hbm4b:s3+s6], $0xC0, $0x38;
	[tilespmem:$0x1F520] =	vst v63  }
0x26c: {  	s3 =	sadd.s32 $0x30, s12;
	s28 =	simm.s32 $0x1D090  }
0x26d: {  	[tilespmem:s28], [sflag:$0x2] =	stream.linear.gather [hbm4b:s3+s6], $0xC0, $0x38;
	[tilespmem:$0x1F520] =	vst v63  }
0x26e: {  	s3 =	sadd.s32 $0x48, s12;
	s28 =	simm.s32 $0x1D158  }
0x26f: {  	[tilespmem:s28], [sflag:$0x2] =	stream.linear.gather [hbm4b:s3+s6], $0xC0, $0x38;
	[tilespmem:$0x1F520] =	vst v63  }
0x270: {  	s3 =	sadd.s32 $0x60, s12;
	s28 =	simm.s32 $0x1D220  }
0x271: {  	[tilespmem:s28], [sflag:$0x2] =	stream.linear.gather [hbm4b:s3+s6], $0xC0, $0x38;
	[tilespmem:$0x1F520] =	vst v63  }
0x272: {  	s3 =	sadd.s32 $0x78, s12;
	s28 =	simm.s32 $0x1D2E8  }
0x273: {  	[tilespmem:s28], [sflag:$0x2] =	stream.linear.gather [hbm4b:s3+s6], $0xC0, $0x38;
	[tilespmem:$0x1F520] =	vst v63  }
0x274: {  	s3 =	sadd.s32 $0x90, s12;
	s28 =	simm.s32 $0x1D3B0  }
0x275: {  	[tilespmem:s28], [sflag:$0x2] =	stream.linear.gather [hbm4b:s3+s6], $0xC0, $0x38;
	[tilespmem:$0x1F520] =	vst v63  }
0x276: {  	s3 =	sadd.s32 $0xA8, s12;
	s28 =	simm.s32 $0x1D478  }
0x277: {  	[tilespmem:s28], [sflag:$0x2] =	stream.linear.gather [hbm4b:s3+s6], $0xC0, $0x38;
	[tilespmem:$0x1F520] =	vst v63  }
0x278: {  	s3 =	sadd.s32 $0xC0, s12;
	s28 =	simm.s32 $0x1D540  }
0x279: {  	[tilespmem:s28], [sflag:$0x2] =	stream.linear.gather [hbm4b:s3+s6], $0xC0, $0x38;
	[tilespmem:$0x1F520] =	vst v63  }
0x27a: {  	s3 =	sadd.s32 $0xD8, s12;
	s28 =	simm.s32 $0x1D608  }
0x27b: {  	[tilespmem:s28], [sflag:$0x2] =	stream.linear.gather [hbm4b:s3+s6], $0xC0, $0x38;
	[tilespmem:$0x1F520] =	vst v63  }
0x27c: {  	s3 =	sadd.s32 $0xF0, s12;
	s28 =	simm.s32 $0x1D6D0  }
0x27d: {  	[tilespmem:s28], [sflag:$0x2] =	stream.linear.gather [hbm4b:s3+s6], $0xC0, $0x38;
	[tilespmem:$0x1F520] =	vst v63  }
0x27e: {  	s3 =	sadd.s32 $0x108, s12;
	s28 =	simm.s32 $0x1D798  }
0x27f: {  	[tilespmem:s28], [sflag:$0x2] =	stream.linear.gather [hbm4b:s3+s6], $0xC0, $0x38;
	[tilespmem:$0x1F520] =	vst v63  }
0x280: {  	s3 =	sadd.s32 $0x120, s12;
	s28 =	simm.s32 $0x1D860  }
0x281: {  	[tilespmem:s28], [sflag:$0x2] =	stream.linear.gather [hbm4b:s3+s6], $0xC0, $0x38;
	[tilespmem:$0x1F520] =	vst v63  }
0x282: {  	s3 =	sadd.s32 $0x138, s12;
	s28 =	simm.s32 $0x1D928  }
0x283: {  	[tilespmem:s28], [sflag:$0x2] =	stream.linear.gather [hbm4b:s3+s6], $0xC0, $0x38;
	[tilespmem:$0x1F520] =	vst v63  }
0x284: {  	s1 =	sadd.s32 $0x150, s12;
	s3 =	simm.s32 $0x1D9F0  }
0x285: {  	[tilespmem:s3], [sflag:$0x2] =	stream.linear.gather [hbm4b:s1+s6], $0xC0, $0x38;
	[tilespmem:$0x1F520] =	vst v63  }
0x286: {  	s12 =	sadd.s32 $0x168, s12;
	s28 =	simm.s32 $0x1DAB8  }
0x287: {  	[tilespmem:s28], [sflag:$0x2] =	stream.linear.gather [hbm4b:s12+s6], $0xC0, $0x38;
	[tilespmem:$0x1F520] =	vst v63  }
0x288: {  	s12 =	sadd.s32 s9, s22  }
0x289: {  	[tilespmem:s20], [sflag:$0x2] =	stream.linear.gather [hbm4b:s12+s6], $0xC0, $0x38;
	[tilespmem:$0x1F520] =	vst v63  }
0x28a: {  	s28 =	simm.s32 $0x1DC48;
	s3 =	sadd.s32 $0x18, s12  }
0x28b: {  	[tilespmem:s28], [sflag:$0x2] =	stream.linear.gather [hbm4b:s3+s6], $0xC0, $0x38;
	[tilespmem:$0x1F520] =	vst v63  }
0x28c: {  	s3 =	sadd.s32 $0x30, s12;
	s28 =	simm.s32 $0x1DD10  }
0x28d: {  	[tilespmem:s28], [sflag:$0x2] =	stream.linear.gather [hbm4b:s3+s6], $0xC0, $0x38;
	[tilespmem:$0x1F520] =	vst v63  }
0x28e: {  	s3 =	sadd.s32 $0x48, s12;
	s28 =	simm.s32 $0x1DDD8  }
0x28f: {  	[tilespmem:s28], [sflag:$0x2] =	stream.linear.gather [hbm4b:s3+s6], $0xC0, $0x38;
	[tilespmem:$0x1F520] =	vst v63  }
0x290: {  	s3 =	sadd.s32 $0x60, s12;
	s28 =	simm.s32 $0x1DEA0  }
0x291: {  	[tilespmem:s28], [sflag:$0x2] =	stream.linear.gather [hbm4b:s3+s6], $0xC0, $0x38;
	[tilespmem:$0x1F520] =	vst v63  }
0x292: {  	s3 =	sadd.s32 $0x78, s12;
	s28 =	simm.s32 $0x1DF68  }
0x293: {  	[tilespmem:s28], [sflag:$0x2] =	stream.linear.gather [hbm4b:s3+s6], $0xC0, $0x38;
	[tilespmem:$0x1F520] =	vst v63  }
0x294: {  	s3 =	sadd.s32 $0x90, s12;
	s28 =	simm.s32 $0x1E030  }
0x295: {  	[tilespmem:s28], [sflag:$0x2] =	stream.linear.gather [hbm4b:s3+s6], $0xC0, $0x38;
	[tilespmem:$0x1F520] =	vst v63  }
0x296: {  	s3 =	sadd.s32 $0xA8, s12;
	s28 =	simm.s32 $0x1E0F8  }
0x297: {  	[tilespmem:s28], [sflag:$0x2] =	stream.linear.gather [hbm4b:s3+s6], $0xC0, $0x38;
	[tilespmem:$0x1F520] =	vst v63  }
0x298: {  	s3 =	sadd.s32 $0xC0, s12;
	s28 =	simm.s32 $0x1E1C0  }
0x299: {  	[tilespmem:s28], [sflag:$0x2] =	stream.linear.gather [hbm4b:s3+s6], $0xC0, $0x38;
	[tilespmem:$0x1F520] =	vst v63  }
0x29a: {  	s3 =	sadd.s32 $0xD8, s12;
	s28 =	simm.s32 $0x1E288  }
0x29b: {  	[tilespmem:s28], [sflag:$0x2] =	stream.linear.gather [hbm4b:s3+s6], $0xC0, $0x38;
	[tilespmem:$0x1F520] =	vst v63  }
0x29c: {  	s3 =	sadd.s32 $0xF0, s12;
	s28 =	simm.s32 $0x1E350  }
0x29d: {  	[tilespmem:s28], [sflag:$0x2] =	stream.linear.gather [hbm4b:s3+s6], $0xC0, $0x38;
	[tilespmem:$0x1F520] =	vst v63  }
0x29e: {  	s3 =	sadd.s32 $0x108, s12;
	s28 =	simm.s32 $0x1E418  }
0x29f: {  	[tilespmem:s28], [sflag:$0x2] =	stream.linear.gather [hbm4b:s3+s6], $0xC0, $0x38;
	[tilespmem:$0x1F520] =	vst v63  }
0x2a0: {  	s3 =	sadd.s32 $0x120, s12;
	s28 =	simm.s32 $0x1E4E0  }
0x2a1: {  	[tilespmem:s28], [sflag:$0x2] =	stream.linear.gather [hbm4b:s3+s6], $0xC0, $0x38;
	[tilespmem:$0x1F520] =	vst v63  }
0x2a2: {  	s3 =	sadd.s32 $0x138, s12;
	s28 =	simm.s32 $0x1E5A8  }
0x2a3: {  	[tilespmem:s28], [sflag:$0x2] =	stream.linear.gather [hbm4b:s3+s6], $0xC0, $0x38;
	[tilespmem:$0x1F520] =	vst v63  }
0x2a4: {  	s25 =	smin.u32 s25, $0xBF;
	s3 =	simm.s32 $0x0  }
0x2a5: {  	v8 =	vadd.s32 s25, v2;
	s26 =	sadd.s32 $0x150, s12;
	s28 =	simm.s32 $0x1E670;
	v7 =	vmov s3  }
0x2a6: {  	[tilespmem:s28], [sflag:$0x2] =	stream.linear.gather [hbm4b:s26+s6], $0xC0, $0x38;
	v7 =	vand.u32 $0xFF, v7;
	[tilespmem:$0x1F520] =	vst v63  }
0x2a7: {  	s12 =	sadd.s32 $0x168, s12;
	s3 =	simm.s32 $0x1E738;
	v9 =	vadd.s32 v2, v7  }
0x2a8: {  	[tilespmem:s3], [sflag:$0x2] =	stream.linear.gather [hbm4b:s12+s6], $0xC0, $0x38;
	[tilespmem:$0x1F520] =	vst v63  }
0x2a9: {  	v14 =	vld.idx.msk [tilespmem:v2+s15+$0x0], $0xffff  }
0x2aa: {  	v12 =	vld.idx.msk [tilespmem:v8+s15+$0x0], $0xffff;
	_ =	sdelay $0x1  }
0x2ab: {  	v7 =	vld.idx.msk [tilespmem:v9+s0+$0x0], $0xffff;
	_ =	sdelay $0x2  }
0x2ac: {  	v8 =	vsub.f32 v12, v14  }
0x2ad: {  	p0 =	por $0x0, $0x0  }
0x2ae: {  	v8 =	vpsel p0, $0x501502F9, v8;
	v7 =	vmax.f32 v7, $0.0e+00  }
0x2af: {  	v7 =	vmul.f32 v8, v7;
	_ =	sdelay $0x1  }
0x2b0: {  	v7 =	vsub.f32 $0.0e+00, v7;
	_ =	sdelay $0x1  }
0x2b1: {  	v7 =	vmul.f32 $1.442695020e+00, v7;
	_ =	sdelay $0x1  }
0x2b2: {  	(erf) = vpow2.f32 v7;
	_ =	sdelay $0x6  }
0x2b3: {  	s25 =	simm.s32 $0x1;
	s26 =	simm.s32 $0x2  }
0x2b4: {  	v10 =	vmov s26;
	v8 =	vmov s25  }
0x2b5: {  	s28 =	simm.s32 $0x0;
	v16 =	vand.u32 $0x7FF, v10;
	v15 =	vand.u32 $0x7FF, v8;
	v7 =	vimm.f32 $1.000000000e+00;
	v11 =	vpop (erf)  }
0x2b6: {  	v8 =	vmov s28;
	v10 =	vadd.s32 v4, v15;
	v19 =	vmul.f32 v11, v7  }
0x2b7: {  	v21 =	vand.u32 $0x3FF, v8;
	v8 =	vadd.s32 v4, v16  }
0x2b8: {  	v11 =	vadd.s32 v1, v21;
	v7 =	vsub.f32 v7, v19  }
0x2b9: {  	v24 =	vadd.s32 v1, v16  }
0x2ba: {  	s1 =	simm.s32 $0x2;
	[tilespmem:v9+s18+$0x0] =	vst.idx.msk $0xffff, v7  }
0x2bb: {  	s12 =	smin.u32 s1, $0xBF;
	v20 =	vadd.s32 v4, v21;
	v18 =	vld.idx.msk [tilespmem:v10+s13+$0x0], $0xffff  }
0x2bc: {  	v26 =	vadd.s32 s12, v2;
	v17 =	vld.idx.msk [tilespmem:v8+s13+$0x0], $0xffff  }
0x2bd: {  	v13 =	vld.idx.msk [tilespmem:v11+s13+$0x0], $0xffff  }
0x2be: {  	s3 =	simm.s32 $0x1;
	v28 =	vadd.s32 v3, v16;
	v8 =	vld.idx.msk [tilespmem:v24+s6+$0x0], $0xffff  }
0x2bf: {  	v25 =	vadd.s32 v1, v15;
	v10 =	vmov s3;
	v11 =	vld.idx.msk [tilespmem:v11+s6+$0x0], $0xffff  }
0x2c0: {  	v9 =	vadd.s32 v3, v21;
	v23 =	vld.idx.msk [tilespmem:v20+s13+$0x0], $0xffff;
	v22 =	vand.u32 $0xFF, v10  }
0x2c1: {  	v20 =	vld.idx.msk [tilespmem:v26+s15+$0x0], $0xffff;
	v27 =	vadd.s32 v2, v22  }
0x2c2: {  	v29 =	vadd.s32 v5, v21;
	v35 =	vld.idx.msk [tilespmem:v24+s13+$0x0], $0xffff  }
0x2c3: {  	v31 =	vadd.s32 v3, v15;
	v28 =	vld.idx.msk [tilespmem:v28+s13+$0x0], $0xffff  }
0x2c4: {  	v10 =	vld.idx.msk [tilespmem:v25+s6+$0x0], $0xffff  }
0x2c5: {  	s26 =	simm.s32 $0x3;
	v14 =	vmul.f32 v7, v14;
	v26 =	vadd.s32 v5, v16;
	v22 =	vld.idx.msk [tilespmem:v9+s13+$0x0], $0xffff  }
0x2c6: {  	v57 =	vmov s26;
	v16 =	vadd.s32 v6, v16;
	v9 =	vimm.f32 $0.0e+00;
	v30 =	vld.idx.msk [tilespmem:v27+s0+$0x0], $0xffff  }
0x2c7: {  	v34 =	vadd.s32 v6, v15;
	v33 =	vld.idx.msk [tilespmem:v29+s13+$0x0], $0xffff;
	v24 =	vadd.f32 v7, v9;
	v36 =	vadd.f32 v14, v9  }
0x2c8: {  	v21 =	vadd.s32 v6, v21;
	v45 =	vld.idx.msk [tilespmem:v31+s13+$0x0], $0xffff;
	v32 =	vsub.f32 v8, v17;
	v29 =	vsub.f32 v11, v23  }
0x2c9: {  	v15 =	vadd.s32 v5, v15;
	v42 =	vld.idx.msk [tilespmem:v25+s13+$0x0], $0xffff;
	v38 =	vsub.f32 v20, v12;
	v14 =	vsub.f32 v10, v18  }
0x2ca: {  	p6 =	por $0x0, $0x0;
	v37 =	vsub.f32 v11, v13;
	v40 =	vsub.f32 v8, v35;
	v48 =	vld.idx.msk [tilespmem:v26+s13+$0x0], $0xffff;
	v25 =	vmul.f32 v29, v29  }
0x2cb: {  	v16 =	vld.idx.msk [tilespmem:v16+s13+$0x0], $0xffff;
	v41 =	vmul.f32 v14, v14;
	v14 =	vpsel p6, $0x501502F9, v38;
	v26 =	vmax.f32 v30, $0.0e+00  }
0x2cc: {  	v31 =	vsub.f32 v8, v28;
	v56 =	vsub.f32 v11, v33;
	v26 =	vmul.f32 v14, v26  }
0x2cd: {  	v59 =	vsub.f32 v10, v45;
	v14 =	vld.idx.msk [tilespmem:v21+s13+$0x0], $0xffff;
	v21 =	vadd.f32 v41, v25;
	v25 =	vmul.f32 v32, v32  }
0x2ce: {  	v37 =	vmul.f32 v37, v37;
	v39 =	vsub.f32 v11, v22;
	v26 =	vsub.f32 $0.0e+00, v26  }
0x2cf: {  	v60 =	vmul.f32 v59, v59;
	v21 =	vadd.f32 v25, v21;
	v25 =	vld.idx.msk [tilespmem:v15+s13+$0x0], $0xffff;
	v15 =	vsub.f32 v10, v42  }
0x2d0: {  	s25 =	simm.s32 $0x4;
	v58 =	vsub.f32 v8, v48;
	v61 =	vsub.f32 v8, v16;
	v29 =	vmul.f32 v39, v39  }
0x2d1: {  	v30 =	vmov s25;
	v26 =	vmul.f32 $1.442695020e+00, v26;
	v15 =	vmul.f32 v15, v15  }
0x2d2: {  	v38 =	vmul.f32 v61, v61;
	v30 =	vand.u32 $0x7FF, v30;
	v43 =	vsub.f32 $0.0e+00, v21  }
0x2d3: {  	s28 =	simm.s32 $0x5;
	v21 =	vld.idx.msk [tilespmem:v34+s13+$0x0], $0xffff;
	(erf) = vpow2.f32 v26;
	v26 =	vmul.f32 v40, v40;
	v15 =	vadd.f32 v15, v37  }
0x2d4: {  	v32 =	vmul.f32 v56, v56;
	v56 =	vmul.f32 v58, v58;
	v58 =	vmov s28  }
0x2d5: {  	v15 =	vadd.f32 v26, v15;
	v26 =	vadd.f32 v60, v29;
	v29 =	vmul.f32 v31, v31  }
0x2d6: {  	v47 =	vadd.s32 v4, v30;
	v44 =	vsub.f32 v11, v14;
	v62 =	vsub.f32 v10, v25  }
0x2d7: {  	v37 =	vand.u32 $0x3FF, v57;
	v15 =	vsub.f32 $0.0e+00, v15;
	v26 =	vadd.f32 v29, v26  }
0x2d8: {  	v40 =	vand.u32 $0x7FF, v58;
	v63 =	vadd.s32 v1, v37;
	v29 =	vsub.f32 v10, v21  }
0x2d9: {  	v55 =	vmul.f32 v62, v62;
	v15 =	vmul.f32 $1.442695020e+00, v15;
	v26 =	vsub.f32 $0.0e+00, v26  }
0x2da: {  	v57 =	vmul.f32 v44, v44;
	v49 =	vadd.s32 v4, v40;
	v59 =	vmul.f32 v29, v29  }
0x2db: {  	v32 =	vadd.f32 v55, v32;
	v26 =	vmul.f32 $1.442695020e+00, v26;
	(erf) = vpow2.f32 v15  }
0x2dc: {  	v39 =	vadd.s32 v5, v40;
	v50 =	vadd.s32 v3, v40;
	v34 =	vadd.f32 v59, v57  }
0x2dd: {  	v51 =	vadd.s32 v1, v40;
	v32 =	vadd.f32 v56, v32;
	v29 =	vpop (erf);
	(erf) = vpow2.f32 v26  }
0x2de: {  	v31 =	vmul.f32 $1.442695020e+00, v43;
	v29 =	vmul.f32 v29, v19;
	v26 =	vadd.f32 v38, v34  }
0x2df: {  	v46 =	vadd.s32 v5, v37;
	v44 =	vadd.s32 v1, v30;
	v32 =	vsub.f32 $0.0e+00, v32  }
0x2e0: {  	(erf) = vpow2.f32 v31;
	v15 =	vsub.f32 v19, v29;
	v26 =	vsub.f32 $0.0e+00, v26  }
0x2e1: {  	v43 =	vadd.s32 v6, v37;
	v34 =	vadd.s32 v5, v30;
	v19 =	vmul.f32 $1.442695020e+00, v32  }
0x2e2: {  	vm0 =	vge.f32 v7, $9.999999770e-03;
	v31 =	vadd.s32 v6, v40;
	v40 =	vadd.s32 v3, v30;
	[tilespmem:v27+s18+$0x0] =	vst.idx.msk $0xffff, v15  }
0x2e3: {  	v32 =	vadd.s32 v6, v30;
	(erf) = vpow2.f32 v19;
	v19 =	vmul.f32 $1.442695020e+00, v26;
	v30 =	vld.idx.msk [tilespmem:v49+s13+$0x0], $0xffff  }
0x2e4: {  	v60 =	vadd.s32 v3, v37;
	v27 =	vmul.f32 v15, v12;
	v12 =	vadd.f32 v15, v24;
	v24 =	vld.idx.msk [tilespmem:v51+s6+$0x0], $0xffff;
	v26 =	vpop (erf)  }
0x2e5: {  	(erf) = vpow2.f32 v19;
	v19 =	vadd.f32 $1.000000000e+00, v26;
	v52 =	vmul.f32 v26, v13  }
0x2e6: {  	v37 =	vadd.s32 v4, v37;
	v38 =	vld.idx.msk [tilespmem:v63+s13+$0x0], $0xffff;
	v35 =	vmul.f32 v26, v35;
	v42 =	vmul.f32 v26, v42;
	v53 =	vpop (erf)  }
0x2e7: {  	v26 =	vld.idx.msk [tilespmem:v63+s6+$0x0], $0xffff;
	v13 =	vadd.f32 v27, v36;
	v27 =	vadd.f32 v53, v19;
	v61 =	vmul.f32 v53, v45  }
0x2e8: {  	v19 =	vld.idx.msk [tilespmem:v47+s13+$0x0], $0xffff;
	v62 =	vadd.f32 $0.0e+00, v42;
	v63 =	vadd.f32 $0.0e+00, v35;
	v54 =	vmul.f32 v53, v28  }
0x2e9: {  	v56 =	vpop (erf);
	v41 =	vadd.f32 $0.0e+00, v52;
	v35 =	vmul.f32 v53, v22;
	v28 =	vld.idx.msk [tilespmem:v44+s6+$0x0], $0xffff;
	v55 =	vsub.f32 v24, v30  }
0x2ea: {  	v42 =	vld.idx.msk [tilespmem:v50+s13+$0x0], $0xffff;
	v50 =	vmul.f32 v56, v18;
	v49 =	vmul.f32 v56, v23;
	v57 =	vadd.f32 v56, v27  }
0x2eb: {  	v22 =	vld.idx.msk [tilespmem:v60+s13+$0x0], $0xffff;
	v18 =	vimm.f32 $0.0e+00;
	v52 =	vadd.f32 v61, v62;
	v53 =	vadd.f32 v54, v63  }
0x2ec: {  	v54 =	vmul.f32 v56, v17;
	v27 =	vld.idx.msk [tilespmem:v51+s13+$0x0], $0xffff;
	v17 =	vimm.f32 $0.0e+00;
	v45 =	vpop (erf);
	v51 =	vsub.f32 v26, v38  }
0x2ed: {  	s26 =	simm.s32 $0x8;
	s25 =	simm.s32 $0x3;
	v23 =	vld.idx.msk [tilespmem:v37+s13+$0x0], $0xffff;
	v47 =	vmul.f32 v45, v33;
	v56 =	vadd.f32 v45, v57;
	v37 =	vmul.f32 v45, v48  }
.LBB2_3:
0x2ee: {  	s1 =	sadd.s32 $0xFFFFFFFF, s25;
	v36 =	vsub.f32 v28, v19;
	v57 =	vadd.f32 v35, v41;
	v25 =	vmul.f32 v45, v25;
	v58 =	vpop (erf)  }
0x2ef: {  	s3 =	smin.u32 s25, $0xBF;
	v45 =	vmovc v20;
	v48 =	vmovc v29;
	v33 =	vmov v30;
	v41 =	vmov v38;
	v35 =	vmov v42;
	s28 =	smov.u32 s26;
	s12 =	sadd.s32 $0x3, s26  }
0x2f0: {  	p0 =	sne.s32 s26, $0x23F;
	v42 =	vadd.f32 v54, v53;
	v20 =	vmov s1;
	v38 =	vadd.s32 s3, v2  }
0x2f1: {  	v50 =	vadd.f32 v50, v52;
	v21 =	vmul.f32 v58, v21;
	v20 =	vand.u32 $0xFF, v20  }
0x2f2: {  	v16 =	vmul.f32 v58, v16;
	v30 =	vadd.s32 v2, v20;
	v20 =	vsub.f32 v26, v22  }
0x2f3: {  	v53 =	vmul.f32 v36, v36;
	v42 =	vadd.f32 v37, v42;
	v52 =	vsub.f32 v24, v27;
	v36 =	vld.idx.msk [tilespmem:v46+s13+$0x0], $0xffff  }
0x2f4: {  	s1 =	sadd.s32 $0xFFFFFFFF, s28;
	v25 =	vadd.f32 v25, v50;
	v54 =	vsub.f32 v26, v23;
	v46 =	vmul.f32 v20, v20;
	v37 =	vld.idx.msk [tilespmem:v39+s13+$0x0], $0xffff  }
0x2f5: {  	v16 =	vadd.f32 v16, v42;
	v39 =	vadd.f32 v58, v56;
	v20 =	vld.idx.msk [tilespmem:v38+s15+$0x0], $0xffff;
	v38 =	vmov s1  }
0x2f6: {  	v49 =	vadd.f32 v49, v57;
	v21 =	vadd.f32 v21, v25;
	v50 =	vmul.f32 v54, v54;
	v43 =	vld.idx.msk [tilespmem:v43+s13+$0x0], $0xffff  }
0x2f7: {  	v42 =	vand.u32 $0x7FF, v38;
	v38 =	vadd.f32 v16, v8;
	v25 =	vld.idx.msk [tilespmem:v30+s0+$0x0], $0xffff;
	(erf) = vrcp.f32 v39  }
0x2f8: {  	s1 =	sadd.s32 $0xFFFFFFFE, s28;
	v39 =	vadd.f32 v53, v50;
	v50 =	vmul.f32 v55, v55;
	v16 =	vld.idx.msk [tilespmem:v31+s13+$0x0], $0xffff;
	v31 =	vadd.f32 v21, v10  }
0x2f9: {  	v53 =	vsub.f32 v24, v35;
	v21 =	vmov s1;
	v54 =	vsub.f32 v26, v36  }
0x2fa: {  	v56 =	vmul.f32 v58, v14;
	v39 =	vadd.f32 v50, v39;
	v50 =	vadd.f32 v47, v49  }
0x2fb: {  	v55 =	vsub.f32 v20, v45;
	v54 =	vmul.f32 v54, v54;
	v47 =	vld.idx.msk [tilespmem:v44+s13+$0x0], $0xffff;
	v44 =	vsub.f32 v24, v37  }
0x2fc: {  	p1 =	seq.s32 s28, $0x23F;
	v49 =	vand.u32 $0x3FF, v21;
	v39 =	vsub.f32 $0.0e+00, v39;
	v14 =	vmovc v43;
	v21 =	vld.idx.msk [tilespmem:v32+s13+$0x0], $0xffff;
	v32 =	vadd.f32 v56, v50  }
0x2fd: {  	v43 =	vpsel p1, $0x501502F9, v55;
	v25 =	vmax.f32 v25, $0.0e+00;
	v50 =	vld.idx.msk [tilespmem:v40+s13+$0x0], $0xffff;
	v40 =	vsub.f32 v26, v14  }
0x2fe: {  	v25 =	vmul.f32 v43, v25;
	v43 =	vsub.f32 v24, v16;
	v32 =	vadd.f32 v32, v11  }
0x2ff: {  	v51 =	vmul.f32 v51, v51;
	v52 =	vmul.f32 v52, v52;
	v55 =	vadd.s32 v1, v49  }
0x300: {  	v57 =	vmul.f32 $1.442695020e+00, v39;
	v56 =	vsub.f32 $0.0e+00, v25;
	v25 =	vld.idx.msk [tilespmem:v34+s13+$0x0], $0xffff;
	v34 =	vmul.f32 v43, v43;
	v39 =	vpop (erf)  }
0x301: {  	v43 =	vsub.f32 v28, v47;
	v32 =	vmul.f32 v32, v39;
	v31 =	vmul.f32 v31, v39  }
0x302: {  	v56 =	vmul.f32 $1.442695020e+00, v56;
	v58 =	vsub.f32 v28, v21;
	v38 =	vmul.f32 v38, v39  }
0x303: {  	v39 =	vmul.f32 v43, v43;
	v43 =	vsub.f32 v28, v50;
	v32 =	vsel vm0, v32, v11;
	v11 =	vmovc v26  }
0x304: {  	v26 =	vsel vm0, v31, v10;
	v31 =	vsel vm0, v38, v8;
	v8 =	vmovc v24;
	v10 =	vmovc v28;
	(erf) = vpow2.f32 v56  }
0x305: {  	v24 =	vadd.f32 v39, v51;
	v28 =	vmul.f32 v43, v43;
	v32 =	vmul.f32 v32, v7  }
0x306: {  	v26 =	vmul.f32 v26, v7;
	v31 =	vmul.f32 v31, v7;
	v7 =	vmovc v15;
	v38 =	vsub.f32 v10, v25  }
0x307: {  	v15 =	vadd.f32 v52, v24;
	v24 =	vadd.f32 v28, v46;
	v28 =	vmul.f32 v53, v53  }
0x308: {  	v9 =	vadd.f32 v32, v9;
	v18 =	vadd.f32 v26, v18;
	v38 =	vmul.f32 v38, v38  }
0x309: {  	v26 =	vmul.f32 v40, v40;
	v15 =	vsub.f32 $0.0e+00, v15;
	v24 =	vadd.f32 v28, v24  }
0x30a: {  	v32 =	vmul.f32 v44, v44;
	v17 =	vadd.f32 v31, v17;
	v28 =	vadd.f32 v38, v54  }
0x30b: {  	v31 =	vmov s28;
	v15 =	vmul.f32 $1.442695020e+00, v15;
	v24 =	vsub.f32 $0.0e+00, v24  }
0x30c: {  	v38 =	vand.u32 $0x7FF, v31;
	v31 =	vmul.f32 v58, v58;
	v28 =	vadd.f32 v32, v28  }
0x30d: {  	v32 =	vadd.s32 v4, v42;
	v24 =	vmul.f32 $1.442695020e+00, v24;
	v39 =	vpop (erf);
	(erf) = vpow2.f32 v15  }
0x30e: {  	v26 =	vadd.f32 v31, v26;
	v28 =	vsub.f32 $0.0e+00, v28;
	v29 =	vmul.f32 v39, v29  }
0x30f: {  	v51 =	vadd.s32 v4, v38;
	v39 =	vadd.s32 v5, v38;
	(erf) = vpow2.f32 v24  }
0x310: {  	v26 =	vadd.f32 v34, v26;
	v24 =	vmul.f32 $1.442695020e+00, v28;
	v15 =	vsub.f32 v48, v29  }
0x311: {  	v31 =	vadd.s32 v6, v38;
	v28 =	vadd.s32 v3, v38;
	(erf) = vpow2.f32 v57  }
0x312: {  	v46 =	vadd.s32 v5, v49;
	v26 =	vsub.f32 $0.0e+00, v26;
	v48 =	vadd.s32 v1, v38;
	[tilespmem:v30+s18+$0x0] =	vst.idx.msk $0xffff, v15  }
0x313: {  	v43 =	vadd.s32 v6, v49;
	v52 =	vld.idx.msk [tilespmem:v32+s13+$0x0], $0xffff;
	v32 =	vadd.s32 v6, v42;
	(erf) = vpow2.f32 v24  }
0x314: {  	v44 =	vadd.s32 v1, v42;
	v40 =	vadd.s32 v3, v42;
	v24 =	vmul.f32 $1.442695020e+00, v26;
	v30 =	vld.idx.msk [tilespmem:v51+s13+$0x0], $0xffff  }
0x315: {  	v34 =	vadd.s32 v5, v42;
	v45 =	vmul.f32 v15, v45;
	v12 =	vadd.f32 v15, v12;
	v38 =	vld.idx.msk [tilespmem:v55+s13+$0x0], $0xffff  }
0x316: {  	vm0 =	vge.f32 v7, $9.999999770e-03;
	v51 =	vadd.s32 v3, v49;
	v42 =	vld.idx.msk [tilespmem:v28+s13+$0x0], $0xffff;
	v28 =	vpop (erf);
	(erf) = vpow2.f32 v24  }
0x317: {  	v24 =	vld.idx.msk [tilespmem:v48+s6+$0x0], $0xffff;
	v53 =	vadd.f32 $1.000000000e+00, v28;
	v41 =	vmul.f32 v28, v41;
	v27 =	vmul.f32 v28, v27  }
0x318: {  	v56 =	vadd.s32 v4, v49;
	v13 =	vadd.f32 v45, v13;
	v45 =	vmul.f32 v28, v47;
	v26 =	vld.idx.msk [tilespmem:v55+s6+$0x0], $0xffff;
	v47 =	vpop (erf)  }
0x319: {  	v28 =	vld.idx.msk [tilespmem:v44+s6+$0x0], $0xffff;
	v41 =	vadd.f32 $0.0e+00, v41;
	v49 =	vadd.f32 v47, v53;
	v53 =	vmul.f32 v47, v50  }
.Ltmp0:
0x31a: {  	v55 =	vadd.f32 $0.0e+00, v45;
	v27 =	vadd.f32 $0.0e+00, v27;
	v54 =	vmul.f32 v47, v35;
	v57 =	vpop (erf);
	(pc) =	sbr.rel @p0 .LBB2_3-.Ltmp0, $4  }
0x31b: {  	v35 =	vmul.f32 v47, v22;
	v58 =	vadd.f32 v57, v49;
	v50 =	vmul.f32 v57, v19;
	v19 =	vmovc v52  }
0x31c: {  	v52 =	vadd.f32 v53, v55;
	v53 =	vadd.f32 v54, v27;
	v54 =	vmul.f32 v57, v33;
	v22 =	vld.idx.msk [tilespmem:v51+s13+$0x0], $0xffff;
	v45 =	vpop (erf)  }
0x31d: {  	v49 =	vmul.f32 v57, v23;
	v55 =	vsub.f32 v24, v30;
	v27 =	vld.idx.msk [tilespmem:v48+s13+$0x0], $0xffff;
	v47 =	vmul.f32 v45, v36  }
0x31e: {  	s25 =	sadd.s32 $0x1, s25;
	s26 =	smov.u32 s12;
	v51 =	vsub.f32 v26, v38;
	v37 =	vmul.f32 v45, v37;
	v23 =	vld.idx.msk [tilespmem:v56+s13+$0x0], $0xffff;
	v56 =	vadd.f32 v45, v58  }
0x31f: {  	_ =	sdelay $0x3  }
0x320: {  	v20 =	vld.idx.msk [tilespmem:v44+s13+$0x0], $0xffff  }
0x321: {  	v29 =	vld.idx.msk [tilespmem:v40+s13+$0x0], $0xffff  }
0x322: {  	v44 =	vld.idx.msk [tilespmem:v46+s13+$0x0], $0xffff  }
0x323: {  	v33 =	vsub.f32 v28, v19;
	v34 =	vld.idx.msk [tilespmem:v34+s13+$0x0], $0xffff;
	v57 =	vpop (erf)  }
0x324: {  	v62 =	vmul.f32 v55, v55;
	v43 =	vld.idx.msk [tilespmem:v43+s13+$0x0], $0xffff;
	v59 =	vsub.f32 v24, v42;
	v56 =	vadd.f32 v57, v56  }
0x325: {  	v51 =	vmul.f32 v51, v51;
	v60 =	vsub.f32 v26, v22;
	v61 =	vsub.f32 v24, v27  }
0x326: {  	v32 =	vld.idx.msk [tilespmem:v32+s13+$0x0], $0xffff;
	v33 =	vmul.f32 v33, v33;
	v36 =	vsub.f32 v26, v23;
	v48 =	vsub.f32 v28, v20  }
0x327: {  	v31 =	vld.idx.msk [tilespmem:v31+s13+$0x0], $0xffff;
	v40 =	vmul.f32 v60, v60;
	v63 =	vsub.f32 v28, v29;
	v46 =	vmul.f32 v61, v61  }
0x328: {  	v39 =	vld.idx.msk [tilespmem:v39+s13+$0x0], $0xffff;
	v60 =	vsub.f32 v26, v44;
	v36 =	vmul.f32 v36, v36;
	v48 =	vmul.f32 v48, v48  }
0x329: {  	v61 =	vsub.f32 v28, v34;
	v55 =	vmul.f32 v63, v63;
	v63 =	vsub.f32 v26, v43  }
0x32a: {  	v33 =	vadd.f32 v33, v36;
	v36 =	vmul.f32 v59, v59;
	v48 =	vadd.f32 v48, v51  }
0x32b: {  	v40 =	vadd.f32 v55, v40;
	v51 =	vmul.f32 v60, v60;
	v60 =	vsub.f32 v28, v32  }
0x32c: {  	v55 =	vmul.f32 v61, v61;
	v61 =	vsub.f32 v24, v31;
	v46 =	vadd.f32 v46, v48  }
0x32d: {  	v33 =	vadd.f32 v62, v33;
	v62 =	vsub.f32 v24, v39  }
0x32e: {  	(erf) = vrcp.f32 v56;
	v36 =	vadd.f32 v36, v40;
	v46 =	vsub.f32 $0.0e+00, v46  }
0x32f: {  	v51 =	vadd.f32 v55, v51;
	v40 =	vmul.f32 v63, v63;
	v56 =	vmul.f32 v60, v60  }
0x330: {  	v48 =	vmul.f32 v62, v62;
	v36 =	vsub.f32 $0.0e+00, v36;
	v46 =	vmul.f32 $1.442695020e+00, v46  }
0x331: {  	v33 =	vsub.f32 $0.0e+00, v33;
	v62 =	vmul.f32 v61, v61;
	v40 =	vadd.f32 v56, v40  }
0x332: {  	v48 =	vadd.f32 v48, v51;
	v36 =	vmul.f32 $1.442695020e+00, v36;
	(erf) = vpow2.f32 v46  }
0x333: {  	v33 =	vmul.f32 $1.442695020e+00, v33  }
0x334: {  	v63 =	vadd.f32 v62, v40;
	v46 =	vsub.f32 $0.0e+00, v48;
	(erf) = vpow2.f32 v36  }
0x335: {  	v35 =	vadd.f32 v35, v41  }
0x336: {  	v48 =	vsub.f32 $0.0e+00, v63;
	v40 =	vmul.f32 $1.442695020e+00, v46;
	(erf) = vpow2.f32 v33  }
0x337: {  	v25 =	vmul.f32 v45, v25  }
0x338: {  	v35 =	vadd.f32 v49, v35;
	v33 =	vmul.f32 $1.442695020e+00, v48;
	(erf) = vpow2.f32 v40  }
0x339: {  	v52 =	vadd.f32 v50, v52;
	v16 =	vmul.f32 v57, v16;
	v51 =	vadd.f32 v54, v53  }
0x33a: {  	v14 =	vmul.f32 v57, v14;
	v35 =	vadd.f32 v47, v35;
	v53 =	vpop (erf);
	(erf) = vpow2.f32 v33  }
0x33b: {  	v21 =	vmul.f32 v57, v21;
	v25 =	vadd.f32 v25, v52;
	v36 =	vadd.f32 v37, v51;
	v54 =	vpop (erf)  }
0x33c: {  	v14 =	vadd.f32 v14, v35;
	v55 =	vadd.f32 $1.000000000e+00, v54  }
0x33d: {  	v21 =	vadd.f32 v21, v25;
	v16 =	vadd.f32 v16, v36;
	v56 =	vpop (erf)  }
0x33e: {  	v14 =	vadd.f32 v14, v11;
	v57 =	vadd.f32 v56, v55  }
0x33f: {  	v21 =	vadd.f32 v21, v10;
	v16 =	vadd.f32 v16, v8;
	v58 =	vpop (erf)  }
0x340: {  	v14 =	vmul.f32 v14, v53;
	v25 =	vadd.f32 v58, v57  }
0x341: {  	v21 =	vmul.f32 v21, v53;
	v16 =	vmul.f32 v16, v53;
	v60 =	vpop (erf)  }
0x342: {  	v59 =	vmul.f32 v54, v38;
	v61 =	vmul.f32 v54, v27;
	v25 =	vadd.f32 v60, v25  }
0x343: {  	v20 =	vmul.f32 v54, v20;
	v29 =	vmul.f32 v56, v29;
	v63 =	vpop (erf)  }
0x344: {  	v40 =	vmul.f32 v56, v22;
	v62 =	vadd.f32 $0.0e+00, v59;
	v25 =	vadd.f32 v63, v25  }
0x345: {  	v35 =	vmul.f32 v56, v42;
	v20 =	vadd.f32 $0.0e+00, v20;
	v27 =	vadd.f32 $0.0e+00, v61  }
0x346: {  	v41 =	vmul.f32 v58, v23;
	v22 =	vadd.f32 v40, v62;
	(erf) = vrcp.f32 v25  }
0x347: {  	v42 =	vmul.f32 v58, v19;
	v46 =	vmul.f32 v58, v30;
	v20 =	vadd.f32 v29, v20  }
0x348: {  	v45 =	vadd.f32 v35, v27;
	v47 =	vmul.f32 v60, v44;
	v22 =	vadd.f32 v41, v22  }
0x349: {  	v48 =	vmul.f32 v60, v39;
	v49 =	vmul.f32 v60, v34;
	v19 =	vadd.f32 v42, v20  }
0x34a: {  	v51 =	vmul.f32 v63, v43;
	v50 =	vadd.f32 v46, v45;
	v22 =	vadd.f32 v47, v22  }
0x34b: {  	v8 =	vsel vm0, v16, v8;
	v52 =	vmul.f32 v63, v32;
	v19 =	vadd.f32 v49, v19  }
0x34c: {  	v53 =	vmul.f32 v63, v31;
	v20 =	vadd.f32 v48, v50;
	v22 =	vadd.f32 v51, v22  }
0x34d: {  	v11 =	vsel vm0, v14, v11;
	v10 =	vsel vm0, v21, v10;
	v14 =	vadd.f32 v52, v19  }
0x34e: {  	v11 =	vmul.f32 v11, v7;
	v54 =	vadd.f32 v53, v20;
	v55 =	vadd.f32 v22, v26  }
0x34f: {  	v10 =	vmul.f32 v10, v7;
	v56 =	vmul.f32 v8, v7;
	v7 =	vadd.f32 v14, v28;
	v8 =	vpop (erf)  }
0x350: {  	v11 =	vadd.f32 v11, v9;
	v9 =	vadd.f32 v54, v24;
	v57 =	vmul.f32 v55, v8  }
0x351: {  	vm15 =	vge.f32 v15, $9.999999770e-03;
	v58 =	vmul.f32 v7, v8;
	v7 =	vmul.u32 $0x8, v0  }
0x352: {  	v10 =	vadd.f32 v10, v18;
	v9 =	vmul.f32 v9, v8;
	v8 =	vsel vm15, v57, v26  }
0x353: {  	v59 =	vsel vm15, v58, v28;
	v60 =	vmul.f32 v8, v15;
	v8 =	vor.u32 $0x1, v7  }
0x354: {  	v61 =	vsel vm15, v9, v24;
	v9 =	vor.u32 $0x2, v7;
	v14 =	vmul.f32 v59, v15  }
0x355: {  	v17 =	vadd.f32 v56, v17;
	v62 =	vmul.f32 v61, v15;
	v11 =	vadd.f32 v60, v11  }
0x356: {  	v10 =	vadd.f32 v14, v10  }
0x357: {  	v63 =	vadd.f32 v62, v17;
	[tilespmem:v7+s30+$0x0] =	vst.idx.msk $0xffff, v11  }
0x358: {  	[tilespmem:v8+s30+$0x0] =	vst.idx.msk $0xffff, v10  }
0x359: {  	s1 =	smul.u32 $0x18, s24;
	[tilespmem:v9+s30+$0x0] =	vst.idx.msk $0xffff, v63  }
0x35a: {  	[tilespmem:$0x1F500] =	vst v13  }
0x35b: {  	s1 =	sadd.s32 s11, s1;
	[tilespmem:$0x1F510] =	vst v12  }
0x35c: {  	[hbm4b:s1+s6] =	stream.linear.scatter [tilespmem:s18], [sflag:$0x3], $0xC0, $0x38;
	[tilespmem:$0x1F520] =	vst v63  }
0x35d: {  	s12 =	simm.s32 $0x1E8C8;
	s3 =	sadd.s32 $0x18, s1  }
0x35e: {  	[hbm4b:s3+s6] =	stream.linear.scatter [tilespmem:s12], [sflag:$0x3], $0xC0, $0x38;
	[tilespmem:$0x1F520] =	vst v63  }
0x35f: {  	s25 =	simm.s32 $0x1E990;
	s12 =	sadd.s32 $0x30, s1  }
0x360: {  	[hbm4b:s12+s6] =	stream.linear.scatter [tilespmem:s25], [sflag:$0x3], $0xC0, $0x38;
	[tilespmem:$0x1F520] =	vst v63  }
0x361: {  	s28 =	simm.s32 $0x1EA58;
	s26 =	sadd.s32 $0x48, s1  }
0x362: {  	[hbm4b:s26+s6] =	stream.linear.scatter [tilespmem:s28], [sflag:$0x3], $0xC0, $0x38;
	[tilespmem:$0x1F520] =	vst v63  }
0x363: {  	s12 =	sadd.s32 $0x60, s1;
	s25 =	simm.s32 $0x1EB20  }
0x364: {  	[hbm4b:s12+s6] =	stream.linear.scatter [tilespmem:s25], [sflag:$0x3], $0xC0, $0x38;
	[tilespmem:$0x1F520] =	vst v63  }
0x365: {  	s26 =	sadd.s32 $0x78, s1;
	s28 =	simm.s32 $0x1EBE8  }
0x366: {  	[hbm4b:s26+s6] =	stream.linear.scatter [tilespmem:s28], [sflag:$0x3], $0xC0, $0x38;
	[tilespmem:$0x1F520] =	vst v63  }
0x367: {  	s12 =	sadd.s32 $0x90, s1;
	s25 =	simm.s32 $0x1ECB0  }
0x368: {  	[hbm4b:s12+s6] =	stream.linear.scatter [tilespmem:s25], [sflag:$0x3], $0xC0, $0x38;
	[tilespmem:$0x1F520] =	vst v63  }
0x369: {  	s26 =	sadd.s32 $0xA8, s1;
	s28 =	simm.s32 $0x1ED78  }
0x36a: {  	[hbm4b:s26+s6] =	stream.linear.scatter [tilespmem:s28], [sflag:$0x3], $0xC0, $0x38;
	[tilespmem:$0x1F520] =	vst v63  }
0x36b: {  	s12 =	sadd.s32 $0xC0, s1;
	s25 =	simm.s32 $0x1EE40  }
0x36c: {  	[hbm4b:s12+s6] =	stream.linear.scatter [tilespmem:s25], [sflag:$0x3], $0xC0, $0x38;
	[tilespmem:$0x1F520] =	vst v63  }
0x36d: {  	s26 =	sadd.s32 $0xD8, s1;
	s28 =	simm.s32 $0x1EF08  }
0x36e: {  	[hbm4b:s26+s6] =	stream.linear.scatter [tilespmem:s28], [sflag:$0x3], $0xC0, $0x38;
	[tilespmem:$0x1F520] =	vst v63  }
0x36f: {  	s12 =	sadd.s32 $0xF0, s1;
	s25 =	simm.s32 $0x1EFD0  }
0x370: {  	[hbm4b:s12+s6] =	stream.linear.scatter [tilespmem:s25], [sflag:$0x3], $0xC0, $0x38;
	[tilespmem:$0x1F520] =	vst v63  }
0x371: {  	s26 =	sadd.s32 $0x108, s1;
	s28 =	simm.s32 $0x1F098  }
0x372: {  	[hbm4b:s26+s6] =	stream.linear.scatter [tilespmem:s28], [sflag:$0x3], $0xC0, $0x38;
	[tilespmem:$0x1F520] =	vst v63  }
0x373: {  	s12 =	sadd.s32 $0x120, s1;
	s25 =	simm.s32 $0x1F160  }
0x374: {  	[hbm4b:s12+s6] =	stream.linear.scatter [tilespmem:s25], [sflag:$0x3], $0xC0, $0x38;
	[tilespmem:$0x1F520] =	vst v63  }
0x375: {  	s26 =	sadd.s32 $0x138, s1;
	s28 =	simm.s32 $0x1F228  }
0x376: {  	[hbm4b:s26+s6] =	stream.linear.scatter [tilespmem:s28], [sflag:$0x3], $0xC0, $0x38;
	[tilespmem:$0x1F520] =	vst v63  }
0x377: {  	s25 =	sadd.s32 $0x150, s1;
	s26 =	simm.s32 $0x1F2F0  }
0x378: {  	[hbm4b:s25+s6] =	stream.linear.scatter [tilespmem:s26], [sflag:$0x3], $0xC0, $0x38;
	[tilespmem:$0x1F520] =	vst v63  }
0x379: {  	s1 =	sadd.s32 $0x168, s1;
	s28 =	simm.s32 $0x1F3B8  }
0x37a: {  	[hbm4b:s1+s6] =	stream.linear.scatter [tilespmem:s28], [sflag:$0x3], $0xC0, $0x38;
	[tilespmem:$0x1F520] =	vst v63  }
0x37b: {  	_ =	swait.ge [sflag:s5], $0xC00  }
0x37c: {  	[sflag:s5] =	ssyncset.done $0x0  }
0x37d: {  	s12 =	sadd.s32 s10, s24;
	[sflag:s5] =	ssyncadd.s32 $0xFFFFF400  }
0x37e: {  	[hbm4b:s12+s6] =	stream.linear.scatter [tilespmem:s30], [sflag:$0x3], $0x80, $0x38;
	[tilespmem:$0x1F520] =	vst v63  }
0x37f: {  	_ =	swait.ge [sflag:s5], $0x80  }
0x380: {  	s24 =	sshrl.u32 s24, $0x3;
	[sflag:s5] =	ssyncset.done $0x0  }
0x381: {  	s25 =	sadd.s32 s4, s24;
	s28 =	simm.s32 $0x1F500;
	[sflag:s5] =	ssyncadd.s32 $0xFFFFFF80  }
0x382: {  	[hbm4b:s25+s6] =	stream.linear.scatter [tilespmem:s28], [sflag:$0x3], $0x10, $0x38;
	[tilespmem:$0x1F520] =	vst v63  }
0x383: {  	_ =	swait.ge [sflag:s5], $0x10  }
0x384: {  	[sflag:s5] =	ssyncset.done $0x0  }
0x385: {  	s1 =	sadd.s32 s14, s24;
	[sflag:s5] =	ssyncadd.s32 $0xFFFFFFF0  }
0x386: {  	[hbm4b:s1+s6] =	stream.linear.scatter [tilespmem:s16], [sflag:$0x3], $0x10, $0x38;
	[tilespmem:$0x1F520] =	vst v63  }
0x387: {  	_ =	swait.ge [sflag:s5], $0x10  }
0x388: {  	[sflag:s5] =	ssyncset.done $0x0  }
0x389: {  	[sflag:s5] =	ssyncadd.s32 $0xFFFFFFF0  }
0x38a: {  	_ =	swait.ge [sflag:s17], $0x2400  }
0x38b: {  	[sflag:s17] =	ssyncset.done $0x0  }
0x38c: {  	[sflag:s17] =	ssyncadd.s32 $0xFFFFDC00  }
0x38d: {  	_ =	swait.ge [sflag:s17], $0x2400  }
0x38e: {  	[sflag:s17] =	ssyncset.done $0x0  }
0x38f: {  	[sflag:s17] =	ssyncadd.s32 $0xFFFFDC00  }
0x390: {  	_ =	swait.ge [sflag:s17], $0x2400  }
0x391: {  	[sflag:s17] =	ssyncset.done $0x0  }
0x392: {  	[sflag:s17] =	ssyncadd.s32 $0xFFFFDC00  }
0x393: {  	_ =	swait.ge [sflag:s17], $0x2400  }
0x394: {  	[sflag:s17] =	ssyncset.done $0x0  }
0x395: {  	[sflag:s17] =	ssyncadd.s32 $0xFFFFDC00  }
0x396: {  	_ =	swait.ge [sflag:s17], $0x2400  }
0x397: {  	[sflag:s17] =	ssyncset.done $0x0  }
0x398: {  	[sflag:s17] =	ssyncadd.s32 $0xFFFFDC00  }
0x399: {  	_ =	swait.ge [sflag:s17], $0x2400  }
0x39a: {  	[sflag:s17] =	ssyncset.done $0x0  }
0x39b: {  	[sflag:s17] =	ssyncadd.s32 $0xFFFFDC00  }
0x39c: {  	p0 =	seq.s32 s19, $0x7;
	_ =	swait.ge [sflag:s17], $0xC00  }
.Ltmp1:
0x39d: {  	[sflag:s17] =	ssyncset.done $0x0;
	(pc) =	sbr.rel @p0 .LBB2_6-.Ltmp1, $4  }
0x39e: {  	[sflag:s17] =	ssyncadd.s32 $0xFFFFF400  }
0x39f: {  	_ =	swait.ge [sflag:s17], $0xC00  }
0x3a0: {  	[sflag:s17] =	ssyncset.done $0x0  }
0x3a1: {  	s26 =	smov.u32 s4;
	[sflag:s17] =	ssyncadd.s32 $0xFFFFF400  }
0x3a2: {  	s1 =	sld [smem:$0x7BD];
	_ =	sdelay $0x2  }
0x3a3: {  	s23 =	sadd.s32 s23, s1  }
0x3a4: {  	s1 =	smul.u32 $0x48, s23;
	_ =	sdelay $0x1  }
0x3a5: {  	s3 =	sadd.s32 s8, s1  }
0x3a6: {  	[tilespmem:s6], [sflag:$0x1] =	stream.linear.gather [hbm4b:s3+s6], $0x240, $0x38;
	[tilespmem:$0x1F520] =	vst v63  }
0x3a7: {  	s4 =	simm.s32 $0x248;
	s12 =	sadd.s32 $0x48, s3  }
0x3a8: {  	[tilespmem:s4], [sflag:$0x1] =	stream.linear.gather [hbm4b:s12+s6], $0x240, $0x38;
	[tilespmem:$0x1F520] =	vst v63  }
0x3a9: {  	s28 =	simm.s32 $0x490;
	s25 =	sadd.s32 $0x90, s3  }
0x3aa: {  	[tilespmem:s28], [sflag:$0x1] =	stream.linear.gather [hbm4b:s25+s6], $0x240, $0x38;
	[tilespmem:$0x1F520] =	vst v63  }
0x3ab: {  	s24 =	simm.s32 $0x6D8;
	s4 =	sadd.s32 $0xD8, s3  }
0x3ac: {  	[tilespmem:s24], [sflag:$0x1] =	stream.linear.gather [hbm4b:s4+s6], $0x240, $0x38;
	[tilespmem:$0x1F520] =	vst v63  }
0x3ad: {  	s25 =	sadd.s32 $0x120, s3;
	s28 =	simm.s32 $0x920  }
0x3ae: {  	[tilespmem:s28], [sflag:$0x1] =	stream.linear.gather [hbm4b:s25+s6], $0x240, $0x38;
	[tilespmem:$0x1F520] =	vst v63  }
0x3af: {  	s4 =	sadd.s32 $0x168, s3;
	s24 =	simm.s32 $0xB68  }
0x3b0: {  	[tilespmem:s24], [sflag:$0x1] =	stream.linear.gather [hbm4b:s4+s6], $0x240, $0x38;
	[tilespmem:$0x1F520] =	vst v63  }
0x3b1: {  	s25 =	sadd.s32 $0x1B0, s3;
	s28 =	simm.s32 $0xDB0  }
0x3b2: {  	[tilespmem:s28], [sflag:$0x1] =	stream.linear.gather [hbm4b:s25+s6], $0x240, $0x38;
	[tilespmem:$0x1F520] =	vst v63  }
0x3b3: {  	s4 =	sadd.s32 $0x1F8, s3;
	s24 =	simm.s32 $0xFF8  }
0x3b4: {  	[tilespmem:s24], [sflag:$0x1] =	stream.linear.gather [hbm4b:s4+s6], $0x240, $0x38;
	[tilespmem:$0x1F520] =	vst v63  }
0x3b5: {  	s25 =	sadd.s32 $0x240, s3;
	s28 =	simm.s32 $0x1240  }
0x3b6: {  	[tilespmem:s28], [sflag:$0x1] =	stream.linear.gather [hbm4b:s25+s6], $0x240, $0x38;
	[tilespmem:$0x1F520] =	vst v63  }
0x3b7: {  	s4 =	sadd.s32 $0x288, s3;
	s24 =	simm.s32 $0x1488  }
0x3b8: {  	[tilespmem:s24], [sflag:$0x1] =	stream.linear.gather [hbm4b:s4+s6], $0x240, $0x38;
	[tilespmem:$0x1F520] =	vst v63  }
0x3b9: {  	s25 =	sadd.s32 $0x2D0, s3;
	s28 =	simm.s32 $0x16D0  }
0x3ba: {  	[tilespmem:s28], [sflag:$0x1] =	stream.linear.gather [hbm4b:s25+s6], $0x240, $0x38;
	[tilespmem:$0x1F520] =	vst v63  }
0x3bb: {  	s4 =	sadd.s32 $0x318, s3;
	s24 =	simm.s32 $0x1918  }
0x3bc: {  	[tilespmem:s24], [sflag:$0x1] =	stream.linear.gather [hbm4b:s4+s6], $0x240, $0x38;
	[tilespmem:$0x1F520] =	vst v63  }
0x3bd: {  	s25 =	sadd.s32 $0x360, s3;
	s28 =	simm.s32 $0x1B60  }
0x3be: {  	[tilespmem:s28], [sflag:$0x1] =	stream.linear.gather [hbm4b:s25+s6], $0x240, $0x38;
	[tilespmem:$0x1F520] =	vst v63  }
0x3bf: {  	s4 =	sadd.s32 $0x3A8, s3;
	s24 =	simm.s32 $0x1DA8  }
0x3c0: {  	[tilespmem:s24], [sflag:$0x1] =	stream.linear.gather [hbm4b:s4+s6], $0x240, $0x38;
	[tilespmem:$0x1F520] =	vst v63  }
0x3c1: {  	s25 =	sadd.s32 $0x3F0, s3;
	s28 =	simm.s32 $0x1FF0  }
0x3c2: {  	[tilespmem:s28], [sflag:$0x1] =	stream.linear.gather [hbm4b:s25+s6], $0x240, $0x38;
	[tilespmem:$0x1F520] =	vst v63  }
0x3c3: {  	s3 =	sadd.s32 $0x438, s3;
	s24 =	simm.s32 $0x2238  }
0x3c4: {  	[tilespmem:s24], [sflag:$0x1] =	stream.linear.gather [hbm4b:s3+s6], $0x240, $0x38;
	[tilespmem:$0x1F520] =	vst v63  }
0x3c5: {  	s1 =	sadd.s32 s7, s1  }
0x3c6: {  	[tilespmem:s13], [sflag:$0x1] =	stream.linear.gather [hbm4b:s1+s6], $0x240, $0x38;
	[tilespmem:$0x1F520] =	vst v63  }
0x3c7: {  	s25 =	sadd.s32 $0x48, s1;
	s28 =	simm.s32 $0x26C8  }
0x3c8: {  	[tilespmem:s28], [sflag:$0x1] =	stream.linear.gather [hbm4b:s25+s6], $0x240, $0x38;
	[tilespmem:$0x1F520] =	vst v63  }
0x3c9: {  	s12 =	sadd.s32 $0x90, s1;
	s24 =	simm.s32 $0x2910  }
0x3ca: {  	[tilespmem:s24], [sflag:$0x1] =	stream.linear.gather [hbm4b:s12+s6], $0x240, $0x38;
	[tilespmem:$0x1F520] =	vst v63  }
0x3cb: {  	s25 =	sadd.s32 $0xD8, s1;
	s28 =	simm.s32 $0x2B58  }
0x3cc: {  	[tilespmem:s28], [sflag:$0x1] =	stream.linear.gather [hbm4b:s25+s6], $0x240, $0x38;
	[tilespmem:$0x1F520] =	vst v63  }
0x3cd: {  	s12 =	sadd.s32 $0x120, s1;
	s24 =	simm.s32 $0x2DA0  }
0x3ce: {  	[tilespmem:s24], [sflag:$0x1] =	stream.linear.gather [hbm4b:s12+s6], $0x240, $0x38;
	[tilespmem:$0x1F520] =	vst v63  }
0x3cf: {  	s25 =	sadd.s32 $0x168, s1;
	s28 =	simm.s32 $0x2FE8  }
0x3d0: {  	[tilespmem:s28], [sflag:$0x1] =	stream.linear.gather [hbm4b:s25+s6], $0x240, $0x38;
	[tilespmem:$0x1F520] =	vst v63  }
0x3d1: {  	s12 =	sadd.s32 $0x1B0, s1;
	s24 =	simm.s32 $0x3230  }
0x3d2: {  	[tilespmem:s24], [sflag:$0x1] =	stream.linear.gather [hbm4b:s12+s6], $0x240, $0x38;
	[tilespmem:$0x1F520] =	vst v63  }
0x3d3: {  	s25 =	sadd.s32 $0x1F8, s1;
	s28 =	simm.s32 $0x3478  }
0x3d4: {  	[tilespmem:s28], [sflag:$0x1] =	stream.linear.gather [hbm4b:s25+s6], $0x240, $0x38;
	[tilespmem:$0x1F520] =	vst v63  }
0x3d5: {  	s12 =	sadd.s32 $0x240, s1;
	s24 =	simm.s32 $0x36C0  }
0x3d6: {  	[tilespmem:s24], [sflag:$0x1] =	stream.linear.gather [hbm4b:s12+s6], $0x240, $0x38;
	[tilespmem:$0x1F520] =	vst v63  }
0x3d7: {  	s25 =	sadd.s32 $0x288, s1;
	s28 =	simm.s32 $0x3908  }
0x3d8: {  	[tilespmem:s28], [sflag:$0x1] =	stream.linear.gather [hbm4b:s25+s6], $0x240, $0x38;
	[tilespmem:$0x1F520] =	vst v63  }
0x3d9: {  	s12 =	sadd.s32 $0x2D0, s1;
	s24 =	simm.s32 $0x3B50  }
0x3da: {  	[tilespmem:s24], [sflag:$0x1] =	stream.linear.gather [hbm4b:s12+s6], $0x240, $0x38;
	[tilespmem:$0x1F520] =	vst v63  }
0x3db: {  	s25 =	sadd.s32 $0x318, s1;
	s28 =	simm.s32 $0x3D98  }
0x3dc: {  	[tilespmem:s28], [sflag:$0x1] =	stream.linear.gather [hbm4b:s25+s6], $0x240, $0x38;
	[tilespmem:$0x1F520] =	vst v63  }
0x3dd: {  	s12 =	sadd.s32 $0x360, s1;
	s24 =	simm.s32 $0x3FE0  }
0x3de: {  	[tilespmem:s24], [sflag:$0x1] =	stream.linear.gather [hbm4b:s12+s6], $0x240, $0x38;
	[tilespmem:$0x1F520] =	vst v63  }
0x3df: {  	s25 =	sadd.s32 $0x3A8, s1;
	s28 =	simm.s32 $0x4228  }
0x3e0: {  	[tilespmem:s28], [sflag:$0x1] =	stream.linear.gather [hbm4b:s25+s6], $0x240, $0x38;
	[tilespmem:$0x1F520] =	vst v63  }
0x3e1: {  	s12 =	sadd.s32 $0x3F0, s1;
	s24 =	simm.s32 $0x4470;
	s25 =	smul.u32 $0x240, s23  }
0x3e2: {  	[tilespmem:s24], [sflag:$0x1] =	stream.linear.gather [hbm4b:s12+s6], $0x240, $0x38;
	[tilespmem:$0x1F520] =	vst v63  }
0x3e3: {  	s4 =	sshrl.u32 s25, $0x3  }
0x3e4: {  	s1 =	sadd.s32 $0x438, s1;
	s28 =	simm.s32 $0x46B8;
	s24 =	sadd.s32 s7, s4  }
0x3e5: {  	[tilespmem:s28], [sflag:$0x1] =	stream.linear.gather [hbm4b:s1+s6], $0x240, $0x38;
	[tilespmem:$0x1F520] =	vst v63  }
0x3e6: {  	s12 =	simm.s32 $0x4900;
	s1 =	sadd.s32 $0x90000, s24  }
0x3e7: {  	[tilespmem:s12], [sflag:$0x1] =	stream.linear.gather [hbm4b:s1+s6], $0x240, $0x38;
	[tilespmem:$0x1F520] =	vst v63  }
0x3e8: {  	s28 =	simm.s32 $0x4B48;
	s25 =	sadd.s32 $0x48, s1  }
0x3e9: {  	[tilespmem:s28], [sflag:$0x1] =	stream.linear.gather [hbm4b:s25+s6], $0x240, $0x38;
	[tilespmem:$0x1F520] =	vst v63  }
0x3ea: {  	s4 =	sadd.s32 $0x90, s1;
	s12 =	simm.s32 $0x4D90  }
0x3eb: {  	[tilespmem:s12], [sflag:$0x1] =	stream.linear.gather [hbm4b:s4+s6], $0x240, $0x38;
	[tilespmem:$0x1F520] =	vst v63  }
0x3ec: {  	s25 =	sadd.s32 $0xD8, s1;
	s28 =	simm.s32 $0x4FD8  }
0x3ed: {  	[tilespmem:s28], [sflag:$0x1] =	stream.linear.gather [hbm4b:s25+s6], $0x240, $0x38;
	[tilespmem:$0x1F520] =	vst v63  }
0x3ee: {  	s4 =	sadd.s32 $0x120, s1;
	s12 =	simm.s32 $0x5220  }
0x3ef: {  	[tilespmem:s12], [sflag:$0x1] =	stream.linear.gather [hbm4b:s4+s6], $0x240, $0x38;
	[tilespmem:$0x1F520] =	vst v63  }
0x3f0: {  	s25 =	sadd.s32 $0x168, s1;
	s28 =	simm.s32 $0x5468  }
0x3f1: {  	[tilespmem:s28], [sflag:$0x1] =	stream.linear.gather [hbm4b:s25+s6], $0x240, $0x38;
	[tilespmem:$0x1F520] =	vst v63  }
0x3f2: {  	s4 =	sadd.s32 $0x1B0, s1;
	s12 =	simm.s32 $0x56B0  }
0x3f3: {  	[tilespmem:s12], [sflag:$0x1] =	stream.linear.gather [hbm4b:s4+s6], $0x240, $0x38;
	[tilespmem:$0x1F520] =	vst v63  }
0x3f4: {  	s25 =	sadd.s32 $0x1F8, s1;
	s28 =	simm.s32 $0x58F8  }
0x3f5: {  	[tilespmem:s28], [sflag:$0x1] =	stream.linear.gather [hbm4b:s25+s6], $0x240, $0x38;
	[tilespmem:$0x1F520] =	vst v63  }
0x3f6: {  	s4 =	sadd.s32 $0x240, s1;
	s12 =	simm.s32 $0x5B40  }
0x3f7: {  	[tilespmem:s12], [sflag:$0x1] =	stream.linear.gather [hbm4b:s4+s6], $0x240, $0x38;
	[tilespmem:$0x1F520] =	vst v63  }
0x3f8: {  	s25 =	sadd.s32 $0x288, s1;
	s28 =	simm.s32 $0x5D88  }
0x3f9: {  	[tilespmem:s28], [sflag:$0x1] =	stream.linear.gather [hbm4b:s25+s6], $0x240, $0x38;
	[tilespmem:$0x1F520] =	vst v63  }
0x3fa: {  	s4 =	sadd.s32 $0x2D0, s1;
	s12 =	simm.s32 $0x5FD0  }
0x3fb: {  	[tilespmem:s12], [sflag:$0x1] =	stream.linear.gather [hbm4b:s4+s6], $0x240, $0x38;
	[tilespmem:$0x1F520] =	vst v63  }
0x3fc: {  	s25 =	sadd.s32 $0x318, s1;
	s28 =	simm.s32 $0x6218  }
0x3fd: {  	[tilespmem:s28], [sflag:$0x1] =	stream.linear.gather [hbm4b:s25+s6], $0x240, $0x38;
	[tilespmem:$0x1F520] =	vst v63  }
0x3fe: {  	s4 =	sadd.s32 $0x360, s1;
	s12 =	simm.s32 $0x6460  }
0x3ff: {  	[tilespmem:s12], [sflag:$0x1] =	stream.linear.gather [hbm4b:s4+s6], $0x240, $0x38;
	[tilespmem:$0x1F520] =	vst v63  }
0x400: {  	s25 =	sadd.s32 $0x3A8, s1;
	s28 =	simm.s32 $0x66A8  }
0x401: {  	[tilespmem:s28], [sflag:$0x1] =	stream.linear.gather [hbm4b:s25+s6], $0x240, $0x38;
	[tilespmem:$0x1F520] =	vst v63  }
0x402: {  	s4 =	sadd.s32 $0x3F0, s1;
	s12 =	simm.s32 $0x68F0  }
0x403: {  	[tilespmem:s12], [sflag:$0x1] =	stream.linear.gather [hbm4b:s4+s6], $0x240, $0x38;
	[tilespmem:$0x1F520] =	vst v63  }
0x404: {  	s1 =	sadd.s32 $0x438, s1;
	s25 =	simm.s32 $0x6B38  }
0x405: {  	[tilespmem:s25], [sflag:$0x1] =	stream.linear.gather [hbm4b:s1+s6], $0x240, $0x38;
	[tilespmem:$0x1F520] =	vst v63  }
0x406: {  	s28 =	simm.s32 $0x6D80;
	s1 =	sadd.s32 $0x120000, s24  }
0x407: {  	[tilespmem:s28], [sflag:$0x1] =	stream.linear.gather [hbm4b:s1+s6], $0x240, $0x38;
	[tilespmem:$0x1F520] =	vst v63  }
0x408: {  	s12 =	simm.s32 $0x6FC8;
	s4 =	sadd.s32 $0x48, s1  }
0x409: {  	[tilespmem:s12], [sflag:$0x1] =	stream.linear.gather [hbm4b:s4+s6], $0x240, $0x38;
	[tilespmem:$0x1F520] =	vst v63  }
0x40a: {  	s25 =	sadd.s32 $0x90, s1;
	s28 =	simm.s32 $0x7210  }
0x40b: {  	[tilespmem:s28], [sflag:$0x1] =	stream.linear.gather [hbm4b:s25+s6], $0x240, $0x38;
	[tilespmem:$0x1F520] =	vst v63  }
0x40c: {  	s4 =	sadd.s32 $0xD8, s1;
	s12 =	simm.s32 $0x7458  }
0x40d: {  	[tilespmem:s12], [sflag:$0x1] =	stream.linear.gather [hbm4b:s4+s6], $0x240, $0x38;
	[tilespmem:$0x1F520] =	vst v63  }
0x40e: {  	s25 =	sadd.s32 $0x120, s1;
	s28 =	simm.s32 $0x76A0  }
0x40f: {  	[tilespmem:s28], [sflag:$0x1] =	stream.linear.gather [hbm4b:s25+s6], $0x240, $0x38;
	[tilespmem:$0x1F520] =	vst v63  }
0x410: {  	s4 =	sadd.s32 $0x168, s1;
	s12 =	simm.s32 $0x78E8  }
0x411: {  	[tilespmem:s12], [sflag:$0x1] =	stream.linear.gather [hbm4b:s4+s6], $0x240, $0x38;
	[tilespmem:$0x1F520] =	vst v63  }
0x412: {  	s25 =	sadd.s32 $0x1B0, s1;
	s28 =	simm.s32 $0x7B30  }
0x413: {  	[tilespmem:s28], [sflag:$0x1] =	stream.linear.gather [hbm4b:s25+s6], $0x240, $0x38;
	[tilespmem:$0x1F520] =	vst v63  }
0x414: {  	s4 =	sadd.s32 $0x1F8, s1;
	s12 =	simm.s32 $0x7D78  }
0x415: {  	[tilespmem:s12], [sflag:$0x1] =	stream.linear.gather [hbm4b:s4+s6], $0x240, $0x38;
	[tilespmem:$0x1F520] =	vst v63  }
0x416: {  	s25 =	sadd.s32 $0x240, s1;
	s28 =	simm.s32 $0x7FC0  }
0x417: {  	[tilespmem:s28], [sflag:$0x1] =	stream.linear.gather [hbm4b:s25+s6], $0x240, $0x38;
	[tilespmem:$0x1F520] =	vst v63  }
0x418: {  	s4 =	sadd.s32 $0x288, s1;
	s12 =	simm.s32 $0x8208  }
0x419: {  	[tilespmem:s12], [sflag:$0x1] =	stream.linear.gather [hbm4b:s4+s6], $0x240, $0x38;
	[tilespmem:$0x1F520] =	vst v63  }
0x41a: {  	s25 =	sadd.s32 $0x2D0, s1;
	s28 =	simm.s32 $0x8450  }
0x41b: {  	[tilespmem:s28], [sflag:$0x1] =	stream.linear.gather [hbm4b:s25+s6], $0x240, $0x38;
	[tilespmem:$0x1F520] =	vst v63  }
0x41c: {  	s4 =	sadd.s32 $0x318, s1;
	s12 =	simm.s32 $0x8698  }
0x41d: {  	[tilespmem:s12], [sflag:$0x1] =	stream.linear.gather [hbm4b:s4+s6], $0x240, $0x38;
	[tilespmem:$0x1F520] =	vst v63  }
0x41e: {  	s25 =	sadd.s32 $0x360, s1;
	s28 =	simm.s32 $0x88E0  }
0x41f: {  	[tilespmem:s28], [sflag:$0x1] =	stream.linear.gather [hbm4b:s25+s6], $0x240, $0x38;
	[tilespmem:$0x1F520] =	vst v63  }
0x420: {  	s4 =	sadd.s32 $0x3A8, s1;
	s12 =	simm.s32 $0x8B28  }
0x421: {  	[tilespmem:s12], [sflag:$0x1] =	stream.linear.gather [hbm4b:s4+s6], $0x240, $0x38;
	[tilespmem:$0x1F520] =	vst v63  }
0x422: {  	s25 =	sadd.s32 $0x3F0, s1;
	s28 =	simm.s32 $0x8D70  }
0x423: {  	[tilespmem:s28], [sflag:$0x1] =	stream.linear.gather [hbm4b:s25+s6], $0x240, $0x38;
	[tilespmem:$0x1F520] =	vst v63  }
0x424: {  	s1 =	sadd.s32 $0x438, s1;
	s4 =	simm.s32 $0x8FB8  }
0x425: {  	[tilespmem:s4], [sflag:$0x1] =	stream.linear.gather [hbm4b:s1+s6], $0x240, $0x38;
	[tilespmem:$0x1F520] =	vst v63  }
0x426: {  	s12 =	simm.s32 $0x9200;
	s1 =	sadd.s32 $0x1B0000, s24  }
0x427: {  	[tilespmem:s12], [sflag:$0x1] =	stream.linear.gather [hbm4b:s1+s6], $0x240, $0x38;
	[tilespmem:$0x1F520] =	vst v63  }
0x428: {  	s28 =	simm.s32 $0x9448;
	s25 =	sadd.s32 $0x48, s1  }
0x429: {  	[tilespmem:s28], [sflag:$0x1] =	stream.linear.gather [hbm4b:s25+s6], $0x240, $0x38;
	[tilespmem:$0x1F520] =	vst v63  }
0x42a: {  	s4 =	sadd.s32 $0x90, s1;
	s12 =	simm.s32 $0x9690  }
0x42b: {  	[tilespmem:s12], [sflag:$0x1] =	stream.linear.gather [hbm4b:s4+s6], $0x240, $0x38;
	[tilespmem:$0x1F520] =	vst v63  }
0x42c: {  	s25 =	sadd.s32 $0xD8, s1;
	s28 =	simm.s32 $0x98D8  }
0x42d: {  	[tilespmem:s28], [sflag:$0x1] =	stream.linear.gather [hbm4b:s25+s6], $0x240, $0x38;
	[tilespmem:$0x1F520] =	vst v63  }
0x42e: {  	s4 =	sadd.s32 $0x120, s1;
	s12 =	simm.s32 $0x9B20  }
0x42f: {  	[tilespmem:s12], [sflag:$0x1] =	stream.linear.gather [hbm4b:s4+s6], $0x240, $0x38;
	[tilespmem:$0x1F520] =	vst v63  }
0x430: {  	s25 =	sadd.s32 $0x168, s1;
	s28 =	simm.s32 $0x9D68  }
0x431: {  	[tilespmem:s28], [sflag:$0x1] =	stream.linear.gather [hbm4b:s25+s6], $0x240, $0x38;
	[tilespmem:$0x1F520] =	vst v63  }
0x432: {  	s4 =	sadd.s32 $0x1B0, s1;
	s12 =	simm.s32 $0x9FB0  }
0x433: {  	[tilespmem:s12], [sflag:$0x1] =	stream.linear.gather [hbm4b:s4+s6], $0x240, $0x38;
	[tilespmem:$0x1F520] =	vst v63  }
0x434: {  	s25 =	sadd.s32 $0x1F8, s1;
	s28 =	simm.s32 $0xA1F8  }
0x435: {  	[tilespmem:s28], [sflag:$0x1] =	stream.linear.gather [hbm4b:s25+s6], $0x240, $0x38;
	[tilespmem:$0x1F520] =	vst v63  }
0x436: {  	s4 =	sadd.s32 $0x240, s1;
	s12 =	simm.s32 $0xA440  }
0x437: {  	[tilespmem:s12], [sflag:$0x1] =	stream.linear.gather [hbm4b:s4+s6], $0x240, $0x38;
	[tilespmem:$0x1F520] =	vst v63  }
0x438: {  	s25 =	sadd.s32 $0x288, s1;
	s28 =	simm.s32 $0xA688  }
0x439: {  	[tilespmem:s28], [sflag:$0x1] =	stream.linear.gather [hbm4b:s25+s6], $0x240, $0x38;
	[tilespmem:$0x1F520] =	vst v63  }
0x43a: {  	s4 =	sadd.s32 $0x2D0, s1;
	s12 =	simm.s32 $0xA8D0  }
0x43b: {  	[tilespmem:s12], [sflag:$0x1] =	stream.linear.gather [hbm4b:s4+s6], $0x240, $0x38;
	[tilespmem:$0x1F520] =	vst v63  }
0x43c: {  	s25 =	sadd.s32 $0x318, s1;
	s28 =	simm.s32 $0xAB18  }
0x43d: {  	[tilespmem:s28], [sflag:$0x1] =	stream.linear.gather [hbm4b:s25+s6], $0x240, $0x38;
	[tilespmem:$0x1F520] =	vst v63  }
0x43e: {  	s4 =	sadd.s32 $0x360, s1;
	s12 =	simm.s32 $0xAD60  }
0x43f: {  	[tilespmem:s12], [sflag:$0x1] =	stream.linear.gather [hbm4b:s4+s6], $0x240, $0x38;
	[tilespmem:$0x1F520] =	vst v63  }
0x440: {  	s25 =	sadd.s32 $0x3A8, s1;
	s28 =	simm.s32 $0xAFA8  }
0x441: {  	[tilespmem:s28], [sflag:$0x1] =	stream.linear.gather [hbm4b:s25+s6], $0x240, $0x38;
	[tilespmem:$0x1F520] =	vst v63  }
0x442: {  	s12 =	sadd.s32 $0x3F0, s1;
	s25 =	simm.s32 $0xB1F0  }
0x443: {  	[tilespmem:s25], [sflag:$0x1] =	stream.linear.gather [hbm4b:s12+s6], $0x240, $0x38;
	[tilespmem:$0x1F520] =	vst v63  }
0x444: {  	s1 =	sadd.s32 $0x438, s1;
	s28 =	simm.s32 $0xB438  }
0x445: {  	[tilespmem:s28], [sflag:$0x1] =	stream.linear.gather [hbm4b:s1+s6], $0x240, $0x38;
	[tilespmem:$0x1F520] =	vst v63  }
0x446: {  	s4 =	simm.s32 $0xB680;
	s1 =	sadd.s32 $0x240000, s24  }
0x447: {  	[tilespmem:s4], [sflag:$0x1] =	stream.linear.gather [hbm4b:s1+s6], $0x240, $0x38;
	[tilespmem:$0x1F520] =	vst v63  }
0x448: {  	s24 =	simm.s32 $0xB8C8;
	s12 =	sadd.s32 $0x48, s1  }
0x449: {  	[tilespmem:s24], [sflag:$0x1] =	stream.linear.gather [hbm4b:s12+s6], $0x240, $0x38;
	[tilespmem:$0x1F520] =	vst v63  }
0x44a: {  	s28 =	simm.s32 $0xBB10;
	s25 =	sadd.s32 $0x90, s1  }
0x44b: {  	[tilespmem:s28], [sflag:$0x1] =	stream.linear.gather [hbm4b:s25+s6], $0x240, $0x38;
	[tilespmem:$0x1F520] =	vst v63  }
0x44c: {  	s12 =	sadd.s32 $0xD8, s1;
	s24 =	simm.s32 $0xBD58  }
0x44d: {  	[tilespmem:s24], [sflag:$0x1] =	stream.linear.gather [hbm4b:s12+s6], $0x240, $0x38;
	[tilespmem:$0x1F520] =	vst v63  }
0x44e: {  	s25 =	sadd.s32 $0x120, s1;
	s28 =	simm.s32 $0xBFA0  }
0x44f: {  	[tilespmem:s28], [sflag:$0x1] =	stream.linear.gather [hbm4b:s25+s6], $0x240, $0x38;
	[tilespmem:$0x1F520] =	vst v63  }
0x450: {  	s12 =	sadd.s32 $0x168, s1;
	s24 =	simm.s32 $0xC1E8  }
0x451: {  	[tilespmem:s24], [sflag:$0x1] =	stream.linear.gather [hbm4b:s12+s6], $0x240, $0x38;
	[tilespmem:$0x1F520] =	vst v63  }
0x452: {  	s25 =	sadd.s32 $0x1B0, s1;
	s28 =	simm.s32 $0xC430  }
0x453: {  	[tilespmem:s28], [sflag:$0x1] =	stream.linear.gather [hbm4b:s25+s6], $0x240, $0x38;
	[tilespmem:$0x1F520] =	vst v63  }
0x454: {  	s12 =	sadd.s32 $0x1F8, s1;
	s24 =	simm.s32 $0xC678  }
0x455: {  	[tilespmem:s24], [sflag:$0x1] =	stream.linear.gather [hbm4b:s12+s6], $0x240, $0x38;
	[tilespmem:$0x1F520] =	vst v63  }
0x456: {  	s25 =	sadd.s32 $0x240, s1;
	s28 =	simm.s32 $0xC8C0  }
0x457: {  	[tilespmem:s28], [sflag:$0x1] =	stream.linear.gather [hbm4b:s25+s6], $0x240, $0x38;
	[tilespmem:$0x1F520] =	vst v63  }
0x458: {  	s12 =	sadd.s32 $0x288, s1;
	s24 =	simm.s32 $0xCB08  }
0x459: {  	[tilespmem:s24], [sflag:$0x1] =	stream.linear.gather [hbm4b:s12+s6], $0x240, $0x38;
	[tilespmem:$0x1F520] =	vst v63  }
0x45a: {  	s25 =	sadd.s32 $0x2D0, s1;
	s28 =	simm.s32 $0xCD50  }
0x45b: {  	[tilespmem:s28], [sflag:$0x1] =	stream.linear.gather [hbm4b:s25+s6], $0x240, $0x38;
	[tilespmem:$0x1F520] =	vst v63  }
0x45c: {  	s12 =	sadd.s32 $0x318, s1;
	s24 =	simm.s32 $0xCF98  }
0x45d: {  	[tilespmem:s24], [sflag:$0x1] =	stream.linear.gather [hbm4b:s12+s6], $0x240, $0x38;
	[tilespmem:$0x1F520] =	vst v63  }
0x45e: {  	s25 =	sadd.s32 $0x360, s1;
	s28 =	simm.s32 $0xD1E0  }
0x45f: {  	[tilespmem:s28], [sflag:$0x1] =	stream.linear.gather [hbm4b:s25+s6], $0x240, $0x38;
	[tilespmem:$0x1F520] =	vst v63  }
0x460: {  	s4 =	sadd.s32 $0x3A8, s1;
	s12 =	simm.s32 $0xD428  }
0x461: {  	[tilespmem:s12], [sflag:$0x1] =	stream.linear.gather [hbm4b:s4+s6], $0x240, $0x38;
	[tilespmem:$0x1F520] =	vst v63  }
0x462: {  	s3 =	smul.u32 $0x18, s23;
	s24 =	sadd.s32 $0x3F0, s1;
	s25 =	simm.s32 $0xD670  }
0x463: {  	[tilespmem:s25], [sflag:$0x1] =	stream.linear.gather [hbm4b:s24+s6], $0x240, $0x38;
	[tilespmem:$0x1F520] =	vst v63  }
0x464: {  	s1 =	sadd.s32 $0x438, s1;
	s28 =	simm.s32 $0xD8B8;
	s12 =	rddreg [dreg:$0x1]  }
0x465: {  	[tilespmem:s28], [sflag:$0x1] =	stream.linear.gather [hbm4b:s1+s6], $0x240, $0x38;
	[tilespmem:$0x1F520] =	vst v63  }
0x466: {  	s1 =	sadd.s32 s12, s3  }
0x467: {  	[tilespmem:s0], [sflag:$0x1] =	stream.linear.gather [hbm4b:s1+s6], $0xC0, $0x38;
	[tilespmem:$0x1F520] =	vst v63  }
0x468: {  	s24 =	simm.s32 $0xDBC8;
	s23 =	sadd.s32 $0x18, s1  }
0x469: {  	[tilespmem:s24], [sflag:$0x1] =	stream.linear.gather [hbm4b:s23+s6], $0xC0, $0x38;
	[tilespmem:$0x1F520] =	vst v63  }
0x46a: {  	s28 =	simm.s32 $0xDC90;
	s25 =	sadd.s32 $0x30, s1  }
0x46b: {  	[tilespmem:s28], [sflag:$0x1] =	stream.linear.gather [hbm4b:s25+s6], $0xC0, $0x38;
	[tilespmem:$0x1F520] =	vst v63  }
0x46c: {  	s23 =	sadd.s32 $0x48, s1;
	s24 =	simm.s32 $0xDD58  }
0x46d: {  	[tilespmem:s24], [sflag:$0x1] =	stream.linear.gather [hbm4b:s23+s6], $0xC0, $0x38;
	[tilespmem:$0x1F520] =	vst v63  }
0x46e: {  	s25 =	sadd.s32 $0x60, s1;
	s28 =	simm.s32 $0xDE20  }
0x46f: {  	[tilespmem:s28], [sflag:$0x1] =	stream.linear.gather [hbm4b:s25+s6], $0xC0, $0x38;
	[tilespmem:$0x1F520] =	vst v63  }
0x470: {  	s23 =	sadd.s32 $0x78, s1;
	s24 =	simm.s32 $0xDEE8  }
0x471: {  	[tilespmem:s24], [sflag:$0x1] =	stream.linear.gather [hbm4b:s23+s6], $0xC0, $0x38;
	[tilespmem:$0x1F520] =	vst v63  }
0x472: {  	s25 =	sadd.s32 $0x90, s1;
	s28 =	simm.s32 $0xDFB0  }
0x473: {  	[tilespmem:s28], [sflag:$0x1] =	stream.linear.gather [hbm4b:s25+s6], $0xC0, $0x38;
	[tilespmem:$0x1F520] =	vst v63  }
0x474: {  	s23 =	sadd.s32 $0xA8, s1;
	s24 =	simm.s32 $0xE078  }
0x475: {  	[tilespmem:s24], [sflag:$0x1] =	stream.linear.gather [hbm4b:s23+s6], $0xC0, $0x38;
	[tilespmem:$0x1F520] =	vst v63  }
0x476: {  	s25 =	sadd.s32 $0xC0, s1;
	s28 =	simm.s32 $0xE140  }
0x477: {  	[tilespmem:s28], [sflag:$0x1] =	stream.linear.gather [hbm4b:s25+s6], $0xC0, $0x38;
	[tilespmem:$0x1F520] =	vst v63  }
0x478: {  	s23 =	sadd.s32 $0xD8, s1;
	s24 =	simm.s32 $0xE208  }
0x479: {  	[tilespmem:s24], [sflag:$0x1] =	stream.linear.gather [hbm4b:s23+s6], $0xC0, $0x38;
	[tilespmem:$0x1F520] =	vst v63  }
0x47a: {  	s25 =	sadd.s32 $0xF0, s1;
	s28 =	simm.s32 $0xE2D0  }
0x47b: {  	[tilespmem:s28], [sflag:$0x1] =	stream.linear.gather [hbm4b:s25+s6], $0xC0, $0x38;
	[tilespmem:$0x1F520] =	vst v63  }
0x47c: {  	s23 =	sadd.s32 $0x108, s1;
	s24 =	simm.s32 $0xE398  }
0x47d: {  	[tilespmem:s24], [sflag:$0x1] =	stream.linear.gather [hbm4b:s23+s6], $0xC0, $0x38;
	[tilespmem:$0x1F520] =	vst v63  }
0x47e: {  	s25 =	sadd.s32 $0x120, s1;
	s28 =	simm.s32 $0xE460  }
0x47f: {  	[tilespmem:s28], [sflag:$0x1] =	stream.linear.gather [hbm4b:s25+s6], $0xC0, $0x38;
	[tilespmem:$0x1F520] =	vst v63  }
0x480: {  	s4 =	sadd.s32 $0x138, s1;
	s23 =	simm.s32 $0xE528  }
0x481: {  	[tilespmem:s23], [sflag:$0x1] =	stream.linear.gather [hbm4b:s4+s6], $0xC0, $0x38;
	[tilespmem:$0x1F520] =	vst v63  }
0x482: {  	s24 =	sadd.s32 $0x150, s1;
	s25 =	simm.s32 $0xE5F0  }
0x483: {  	[tilespmem:s25], [sflag:$0x1] =	stream.linear.gather [hbm4b:s24+s6], $0xC0, $0x38;
	[tilespmem:$0x1F520] =	vst v63  }
0x484: {  	s1 =	sadd.s32 $0x168, s1;
	s28 =	simm.s32 $0xE6B8  }
0x485: {  	[tilespmem:s28], [sflag:$0x1] =	stream.linear.gather [hbm4b:s1+s6], $0xC0, $0x38;
	[tilespmem:$0x1F520] =	vst v63  }
0x486: {  	s1 =	sadd.s32 s9, s3  }
0x487: {  	[tilespmem:s15], [sflag:$0x1] =	stream.linear.gather [hbm4b:s1+s6], $0xC0, $0x38;
	[tilespmem:$0x1F520] =	vst v63  }
0x488: {  	s12 =	simm.s32 $0xE848;
	s3 =	sadd.s32 $0x18, s1  }
0x489: {  	[tilespmem:s12], [sflag:$0x1] =	stream.linear.gather [hbm4b:s3+s6], $0xC0, $0x38;
	[tilespmem:$0x1F520] =	vst v63  }
0x48a: {  	s24 =	simm.s32 $0xE910;
	s23 =	sadd.s32 $0x30, s1  }
0x48b: {  	[tilespmem:s24], [sflag:$0x1] =	stream.linear.gather [hbm4b:s23+s6], $0xC0, $0x38;
	[tilespmem:$0x1F520] =	vst v63  }
0x48c: {  	s28 =	simm.s32 $0xE9D8;
	s25 =	sadd.s32 $0x48, s1  }
0x48d: {  	[tilespmem:s28], [sflag:$0x1] =	stream.linear.gather [hbm4b:s25+s6], $0xC0, $0x38;
	[tilespmem:$0x1F520] =	vst v63  }
0x48e: {  	s4 =	sadd.s32 $0x60, s1;
	s12 =	simm.s32 $0xEAA0  }
0x48f: {  	[tilespmem:s12], [sflag:$0x1] =	stream.linear.gather [hbm4b:s4+s6], $0xC0, $0x38;
	[tilespmem:$0x1F520] =	vst v63  }
0x490: {  	s23 =	sadd.s32 $0x78, s1;
	s24 =	simm.s32 $0xEB68  }
0x491: {  	[tilespmem:s24], [sflag:$0x1] =	stream.linear.gather [hbm4b:s23+s6], $0xC0, $0x38;
	[tilespmem:$0x1F520] =	vst v63  }
0x492: {  	s25 =	sadd.s32 $0x90, s1;
	s28 =	simm.s32 $0xEC30  }
0x493: {  	[tilespmem:s28], [sflag:$0x1] =	stream.linear.gather [hbm4b:s25+s6], $0xC0, $0x38;
	[tilespmem:$0x1F520] =	vst v63  }
0x494: {  	s4 =	sadd.s32 $0xA8, s1;
	s12 =	simm.s32 $0xECF8  }
0x495: {  	[tilespmem:s12], [sflag:$0x1] =	stream.linear.gather [hbm4b:s4+s6], $0xC0, $0x38;
	[tilespmem:$0x1F520] =	vst v63  }
0x496: {  	s23 =	sadd.s32 $0xC0, s1;
	s24 =	simm.s32 $0xEDC0  }
0x497: {  	[tilespmem:s24], [sflag:$0x1] =	stream.linear.gather [hbm4b:s23+s6], $0xC0, $0x38;
	[tilespmem:$0x1F520] =	vst v63  }
0x498: {  	s25 =	sadd.s32 $0xD8, s1;
	s28 =	simm.s32 $0xEE88  }
0x499: {  	[tilespmem:s28], [sflag:$0x1] =	stream.linear.gather [hbm4b:s25+s6], $0xC0, $0x38;
	[tilespmem:$0x1F520] =	vst v63  }
0x49a: {  	s4 =	sadd.s32 $0xF0, s1;
	s12 =	simm.s32 $0xEF50  }
0x49b: {  	[tilespmem:s12], [sflag:$0x1] =	stream.linear.gather [hbm4b:s4+s6], $0xC0, $0x38;
	[tilespmem:$0x1F520] =	vst v63  }
0x49c: {  	s23 =	sadd.s32 $0x108, s1;
	s24 =	simm.s32 $0xF018  }
0x49d: {  	[tilespmem:s24], [sflag:$0x1] =	stream.linear.gather [hbm4b:s23+s6], $0xC0, $0x38;
	[tilespmem:$0x1F520] =	vst v63  }
0x49e: {  	s25 =	sadd.s32 $0x120, s1;
	s28 =	simm.s32 $0xF0E0  }
0x49f: {  	[tilespmem:s28], [sflag:$0x1] =	stream.linear.gather [hbm4b:s25+s6], $0xC0, $0x38;
	[tilespmem:$0x1F520] =	vst v63  }
0x4a0: {  	s12 =	sadd.s32 $0x138, s1;
	s23 =	simm.s32 $0xF1A8  }
0x4a1: {  	[tilespmem:s23], [sflag:$0x1] =	stream.linear.gather [hbm4b:s12+s6], $0xC0, $0x38;
	[tilespmem:$0x1F520] =	vst v63  }
0x4a2: {  	s24 =	sadd.s32 $0x150, s1;
	s25 =	simm.s32 $0xF270  }
0x4a3: {  	[tilespmem:s25], [sflag:$0x1] =	stream.linear.gather [hbm4b:s24+s6], $0xC0, $0x38;
	[tilespmem:$0x1F520] =	vst v63  }
0x4a4: {  	s1 =	sadd.s32 $0x168, s1;
	s28 =	simm.s32 $0xF338  }
0x4a5: {  	[tilespmem:s28], [sflag:$0x1] =	stream.linear.gather [hbm4b:s1+s6], $0xC0, $0x38;
	[tilespmem:$0x1F520] =	vst v63  }
.LBB2_6:
0x4a6: {  	s1 =	simm.s32 $0x1  }
0x4a7: {  	s3 =	simm.s32 $0x0;
	s1 =	smin.u32 s1, $0xBF  }
0x4a8: {  	v10 =	vmov s3;
	v11 =	vadd.s32 s1, v2  }
0x4a9: {  	v10 =	vand.u32 $0xFF, v10  }
0x4aa: {  	v12 =	vadd.s32 v2, v10;
	_ =	sdelay $0x1  }
0x4ab: {  	v16 =	vld.idx.msk [tilespmem:v2+s20+$0x0], $0xffff  }
0x4ac: {  	v15 =	vld.idx.msk [tilespmem:v11+s20+$0x0], $0xffff;
	_ =	sdelay $0x1  }
0x4ad: {  	v10 =	vld.idx.msk [tilespmem:v12+s29+$0x0], $0xffff;
	_ =	sdelay $0x2  }
0x4ae: {  	v11 =	vsub.f32 v15, v16  }
0x4af: {  	p0 =	por $0x0, $0x0  }
0x4b0: {  	v10 =	vmax.f32 v10, $0.0e+00;
	v11 =	vpsel p0, $0x501502F9, v11  }
0x4b1: {  	v10 =	vmul.f32 v11, v10;
	_ =	sdelay $0x1  }
0x4b2: {  	v10 =	vsub.f32 $0.0e+00, v10;
	_ =	sdelay $0x1  }
0x4b3: {  	v10 =	vmul.f32 $1.442695020e+00, v10;
	_ =	sdelay $0x1  }
0x4b4: {  	(erf) = vpow2.f32 v10;
	_ =	sdelay $0x6  }
0x4b5: {  	s25 =	simm.s32 $0x1;
	s28 =	simm.s32 $0x2  }
0x4b6: {  	v13 =	vmov s28;
	v11 =	vmov s25  }
0x4b7: {  	s4 =	simm.s32 $0x0;
	v19 =	vand.u32 $0x7FF, v13;
	v18 =	vand.u32 $0x7FF, v11;
	v10 =	vimm.f32 $1.000000000e+00;
	v14 =	vpop (erf)  }
0x4b8: {  	v11 =	vmov s4;
	v13 =	vadd.s32 v4, v18;
	v22 =	vmul.f32 v14, v10  }
0x4b9: {  	v24 =	vand.u32 $0x3FF, v11;
	v11 =	vadd.s32 v4, v19  }
0x4ba: {  	v14 =	vadd.s32 v1, v24;
	v10 =	vsub.f32 v10, v22  }
0x4bb: {  	v27 =	vadd.s32 v1, v19  }
0x4bc: {  	[tilespmem:v12+s18+$0x0] =	vst.idx.msk $0xffff, v10  }
0x4bd: {  	s12 =	simm.s32 $0x2;
	v28 =	vadd.s32 v1, v18;
	v21 =	vld.idx.msk [tilespmem:v13+s31+$0x0], $0xffff  }
0x4be: {  	s23 =	simm.s32 $0x1;
	s1 =	smin.u32 s12, $0xBF;
	v23 =	vadd.s32 v4, v24;
	v20 =	vld.idx.msk [tilespmem:v11+s31+$0x0], $0xffff  }
0x4bf: {  	v25 =	vmov s23;
	v29 =	vadd.s32 s1, v2;
	v17 =	vld.idx.msk [tilespmem:v14+s31+$0x0], $0xffff  }
0x4c0: {  	v25 =	vand.u32 $0xFF, v25;
	v12 =	vld.idx.msk [tilespmem:v27+s2+$0x0], $0xffff  }
0x4c1: {  	v30 =	vadd.s32 v2, v25;
	v13 =	vld.idx.msk [tilespmem:v14+s2+$0x0], $0xffff  }
0x4c2: {  	v31 =	vadd.s32 v3, v19;
	v14 =	vld.idx.msk [tilespmem:v28+s2+$0x0], $0xffff  }
0x4c3: {  	v32 =	vadd.s32 v5, v24;
	v26 =	vld.idx.msk [tilespmem:v23+s31+$0x0], $0xffff  }
0x4c4: {  	v11 =	vadd.s32 v3, v24;
	v23 =	vld.idx.msk [tilespmem:v29+s20+$0x0], $0xffff  }
0x4c5: {  	v38 =	vld.idx.msk [tilespmem:v27+s31+$0x0], $0xffff  }
0x4c6: {  	s24 =	simm.s32 $0x4;
	s25 =	simm.s32 $0x3;
	v29 =	vadd.s32 v5, v19;
	v33 =	vld.idx.msk [tilespmem:v30+s29+$0x0], $0xffff  }
0x4c7: {  	v57 =	vmov s24;
	v60 =	vmov s25;
	v34 =	vadd.s32 v3, v18;
	v40 =	vld.idx.msk [tilespmem:v31+s31+$0x0], $0xffff  }
0x4c8: {  	v37 =	vadd.s32 v6, v18;
	v16 =	vmul.f32 v10, v16;
	v24 =	vadd.s32 v6, v24;
	v36 =	vld.idx.msk [tilespmem:v32+s31+$0x0], $0xffff  }
0x4c9: {  	v25 =	vld.idx.msk [tilespmem:v11+s31+$0x0], $0xffff;
	v11 =	vimm.f32 $0.0e+00;
	v54 =	vsub.f32 v13, v26;
	v41 =	vsub.f32 v23, v15  }
0x4ca: {  	v18 =	vadd.s32 v5, v18;
	v46 =	vld.idx.msk [tilespmem:v28+s31+$0x0], $0xffff;
	v39 =	vadd.f32 v16, v11;
	v16 =	vsub.f32 v14, v21  }
0x4cb: {  	p6 =	por $0x0, $0x0;
	v19 =	vadd.s32 v6, v19;
	v35 =	vsub.f32 v12, v20;
	v51 =	vld.idx.msk [tilespmem:v29+s31+$0x0], $0xffff;
	v29 =	vmax.f32 v33, $0.0e+00  }
0x4cc: {  	v48 =	vld.idx.msk [tilespmem:v34+s31+$0x0], $0xffff;
	v28 =	vmul.f32 v54, v54;
	v44 =	vmul.f32 v16, v16;
	v16 =	vpsel p6, $0x501502F9, v41  }
0x4cd: {  	v63 =	vand.u32 $0x3FF, v60;
	v31 =	vsub.f32 v13, v17;
	v29 =	vmul.f32 v16, v29  }
0x4ce: {  	v43 =	vsub.f32 v12, v38;
	v16 =	vld.idx.msk [tilespmem:v24+s31+$0x0], $0xffff;
	v24 =	vadd.f32 v44, v28;
	v28 =	vmul.f32 v35, v35  }
0x4cf: {  	v32 =	vadd.s32 v1, v63;
	v58 =	vsub.f32 v12, v40;
	v29 =	vsub.f32 $0.0e+00, v29  }
0x4d0: {  	v33 =	vand.u32 $0x7FF, v57;
	v24 =	vadd.f32 v28, v24;
	v28 =	vld.idx.msk [tilespmem:v18+s31+$0x0], $0xffff;
	v18 =	vsub.f32 v14, v46  }
0x4d1: {  	v19 =	vld.idx.msk [tilespmem:v19+s31+$0x0], $0xffff;
	v59 =	vsub.f32 v13, v36;
	v62 =	vsub.f32 v14, v48;
	v31 =	vmul.f32 v31, v31  }
0x4d2: {  	v27 =	vadd.f32 v10, v11;
	v29 =	vmul.f32 $1.442695020e+00, v29;
	v18 =	vmul.f32 v18, v18  }
0x4d3: {  	v50 =	vadd.s32 v4, v33;
	v42 =	vsub.f32 v13, v25;
	v45 =	vsub.f32 $0.0e+00, v24  }
0x4d4: {  	v24 =	vld.idx.msk [tilespmem:v37+s31+$0x0], $0xffff;
	(erf) = vpow2.f32 v29;
	v29 =	vmul.f32 v43, v43;
	v18 =	vadd.f32 v18, v31  }
0x4d5: {  	v61 =	vsub.f32 v12, v51;
	v55 =	vmul.f32 v42, v42;
	v31 =	vmul.f32 v62, v62  }
0x4d6: {  	v35 =	vmul.f32 v59, v59;
	v56 =	vsub.f32 v12, v19;
	v18 =	vadd.f32 v29, v18  }
0x4d7: {  	v47 =	vsub.f32 v13, v16;
	v29 =	vadd.f32 v31, v55;
	v31 =	vmul.f32 v58, v58  }
0x4d8: {  	s28 =	simm.s32 $0x5;
	v59 =	vmul.f32 v61, v61;
	v57 =	vsub.f32 v14, v28;
	v18 =	vsub.f32 $0.0e+00, v18  }
0x4d9: {  	v61 =	vmov s28;
	v29 =	vadd.f32 v31, v29;
	v31 =	vsub.f32 v14, v24  }
0x4da: {  	v37 =	vmul.f32 v56, v56;
	v43 =	vand.u32 $0x7FF, v61;
	v60 =	vmul.f32 v47, v47  }
0x4db: {  	v41 =	vmul.f32 v57, v57;
	v18 =	vmul.f32 $1.442695020e+00, v18;
	v29 =	vsub.f32 $0.0e+00, v29  }
0x4dc: {  	v52 =	vadd.s32 v4, v43;
	v53 =	vadd.s32 v3, v43;
	v62 =	vmul.f32 v31, v31  }
0x4dd: {  	v35 =	vadd.f32 v41, v35;
	v31 =	vpop (erf);
	v29 =	vmul.f32 $1.442695020e+00, v29;
	(erf) = vpow2.f32 v18  }
0x4de: {  	v58 =	vmul.f32 $1.442695020e+00, v45;
	v42 =	vadd.f32 v62, v60;
	v31 =	vmul.f32 v31, v22  }
0x4df: {  	v55 =	vadd.s32 v1, v43;
	v35 =	vadd.f32 v59, v35;
	(erf) = vpow2.f32 v29  }
0x4e0: {  	v34 =	vadd.s32 v6, v43;
	v29 =	vadd.f32 v37, v42;
	v18 =	vsub.f32 v22, v31  }
0x4e1: {  	v47 =	vadd.s32 v1, v33;
	v35 =	vsub.f32 $0.0e+00, v35;
	(erf) = vpow2.f32 v58  }
0x4e2: {  	v41 =	vadd.s32 v5, v43;
	v43 =	vadd.s32 v3, v33;
	v29 =	vsub.f32 $0.0e+00, v29;
	[tilespmem:v30+s18+$0x0] =	vst.idx.msk $0xffff, v18  }
0x4e3: {  	v37 =	vadd.s32 v5, v33;
	v22 =	vmul.f32 $1.442695020e+00, v35;
	v35 =	vadd.s32 v6, v33;
	v33 =	vld.idx.msk [tilespmem:v52+s31+$0x0], $0xffff  }
0x4e4: {  	v30 =	vmul.f32 v18, v15;
	v15 =	vadd.f32 v18, v27;
	v27 =	vld.idx.msk [tilespmem:v55+s2+$0x0], $0xffff  }
0x4e5: {  	v49 =	vadd.s32 v5, v63;
	(erf) = vpow2.f32 v22;
	v22 =	vmul.f32 $1.442695020e+00, v29  }
0x4e6: {  	v45 =	vadd.s32 v6, v63;
	v60 =	vadd.s32 v4, v63;
	v52 =	vadd.s32 v3, v63;
	v29 =	vpop (erf)  }
0x4e7: {  	v42 =	vld.idx.msk [tilespmem:v32+s31+$0x0], $0xffff;
	(erf) = vpow2.f32 v22;
	v22 =	vadd.f32 $1.000000000e+00, v29;
	v54 =	vmul.f32 v29, v17  }
0x4e8: {  	v38 =	vmul.f32 v29, v38;
	v63 =	vmul.f32 v29, v46;
	v29 =	vld.idx.msk [tilespmem:v32+s2+$0x0], $0xffff;
	v17 =	vadd.f32 v30, v39;
	v56 =	vpop (erf)  }
0x4e9: {  	vm0 =	vge.f32 v10, $9.999999770e-03;
	v46 =	vld.idx.msk [tilespmem:v53+s31+$0x0], $0xffff;
	v58 =	vsub.f32 v27, v33;
	v30 =	vadd.f32 v56, v22  }
0x4ea: {  	v32 =	vld.idx.msk [tilespmem:v47+s2+$0x0], $0xffff;
	v39 =	vmul.f32 v56, v48;
	v48 =	vadd.f32 $0.0e+00, v63;
	v40 =	vmul.f32 v56, v40;
	v59 =	vpop (erf)  }
0x4eb: {  	v22 =	vld.idx.msk [tilespmem:v50+s31+$0x0], $0xffff;
	v50 =	vadd.f32 $0.0e+00, v38;
	v38 =	vmul.f32 v56, v25;
	v53 =	vmul.f32 v59, v21  }
0x4ec: {  	v44 =	vadd.f32 $0.0e+00, v54;
	v25 =	vld.idx.msk [tilespmem:v52+s31+$0x0], $0xffff;
	v57 =	vmul.f32 v59, v20;
	v52 =	vmul.f32 v59, v26  }
0x4ed: {  	v21 =	vimm.f32 $0.0e+00;
	v61 =	vadd.f32 v59, v30;
	v54 =	vadd.f32 v39, v48  }
0x4ee: {  	v20 =	vimm.f32 $0.0e+00;
	v56 =	vadd.f32 v40, v50;
	v30 =	vld.idx.msk [tilespmem:v55+s31+$0x0], $0xffff;
	v55 =	vsub.f32 v29, v42;
	v48 =	vpop (erf)  }
0x4ef: {  	s23 =	simm.s32 $0x3;
	s12 =	simm.s32 $0x8;
	v26 =	vld.idx.msk [tilespmem:v60+s31+$0x0], $0xffff;
	v50 =	vmul.f32 v48, v36;
	v59 =	vadd.f32 v48, v61;
	v40 =	vmul.f32 v48, v51  }
.LBB2_7:
0x4f0: {  	s1 =	sadd.s32 $0xFFFFFFFF, s23;
	v39 =	vsub.f32 v32, v22;
	v60 =	vadd.f32 v38, v44;
	v28 =	vmul.f32 v48, v28;
	v61 =	vpop (erf)  }
0x4f1: {  	s3 =	smin.u32 s23, $0xBF;
	v48 =	vmovc v23;
	v51 =	vmovc v31;
	v36 =	vmov v33;
	v44 =	vmov v42;
	v38 =	vmov v46;
	s25 =	smov.u32 s12;
	s24 =	sadd.s32 $0x3, s12  }
0x4f2: {  	p0 =	sne.s32 s12, $0x23F;
	v46 =	vadd.f32 v57, v56;
	v23 =	vmov s1;
	v42 =	vadd.s32 s3, v2  }
0x4f3: {  	v53 =	vadd.f32 v53, v54;
	v24 =	vmul.f32 v61, v24;
	v23 =	vand.u32 $0xFF, v23  }
0x4f4: {  	v19 =	vmul.f32 v61, v19;
	v33 =	vadd.s32 v2, v23;
	v23 =	vsub.f32 v29, v25  }
0x4f5: {  	v56 =	vmul.f32 v39, v39;
	v46 =	vadd.f32 v40, v46;
	v54 =	vsub.f32 v27, v30;
	v39 =	vld.idx.msk [tilespmem:v49+s31+$0x0], $0xffff  }
0x4f6: {  	s1 =	sadd.s32 $0xFFFFFFFF, s25;
	v28 =	vadd.f32 v28, v53;
	v57 =	vsub.f32 v29, v26;
	v49 =	vmul.f32 v23, v23;
	v40 =	vld.idx.msk [tilespmem:v41+s31+$0x0], $0xffff  }
0x4f7: {  	v19 =	vadd.f32 v19, v46;
	v41 =	vmov s1;
	v23 =	vld.idx.msk [tilespmem:v42+s20+$0x0], $0xffff;
	v42 =	vadd.f32 v61, v59  }
0x4f8: {  	v52 =	vadd.f32 v52, v60;
	v24 =	vadd.f32 v24, v28;
	v53 =	vmul.f32 v57, v57;
	v45 =	vld.idx.msk [tilespmem:v45+s31+$0x0], $0xffff  }
0x4f9: {  	v46 =	vand.u32 $0x7FF, v41;
	v41 =	vadd.f32 v19, v12;
	v28 =	vld.idx.msk [tilespmem:v33+s29+$0x0], $0xffff;
	(erf) = vrcp.f32 v42  }
0x4fa: {  	s1 =	sadd.s32 $0xFFFFFFFE, s25;
	v42 =	vadd.f32 v56, v53;
	v53 =	vmul.f32 v58, v58;
	v19 =	vld.idx.msk [tilespmem:v34+s31+$0x0], $0xffff;
	v34 =	vadd.f32 v24, v14  }
0x4fb: {  	v56 =	vsub.f32 v27, v38;
	v24 =	vmov s1;
	v57 =	vsub.f32 v29, v39  }
0x4fc: {  	v59 =	vmul.f32 v61, v16;
	v42 =	vadd.f32 v53, v42;
	v53 =	vadd.f32 v50, v52  }
0x4fd: {  	v58 =	vsub.f32 v23, v48;
	v57 =	vmul.f32 v57, v57;
	v50 =	vld.idx.msk [tilespmem:v47+s31+$0x0], $0xffff;
	v47 =	vsub.f32 v27, v40  }
0x4fe: {  	p1 =	seq.s32 s25, $0x23F;
	v52 =	vand.u32 $0x3FF, v24;
	v42 =	vsub.f32 $0.0e+00, v42;
	v16 =	vmovc v45;
	v24 =	vld.idx.msk [tilespmem:v35+s31+$0x0], $0xffff;
	v35 =	vadd.f32 v59, v53  }
0x4ff: {  	v45 =	vpsel p1, $0x501502F9, v58;
	v28 =	vmax.f32 v28, $0.0e+00;
	v53 =	vld.idx.msk [tilespmem:v43+s31+$0x0], $0xffff;
	v43 =	vsub.f32 v29, v16  }
0x500: {  	v28 =	vmul.f32 v45, v28;
	v60 =	vsub.f32 v27, v19;
	v35 =	vadd.f32 v35, v13  }
0x501: {  	v55 =	vmul.f32 v55, v55;
	v54 =	vmul.f32 v54, v54;
	v58 =	vadd.s32 v1, v52  }
0x502: {  	v42 =	vmul.f32 $1.442695020e+00, v42;
	v59 =	vsub.f32 $0.0e+00, v28;
	v28 =	vld.idx.msk [tilespmem:v37+s31+$0x0], $0xffff;
	v37 =	vmul.f32 v60, v60;
	v45 =	vpop (erf)  }
0x503: {  	v60 =	vsub.f32 v32, v50;
	v35 =	vmul.f32 v35, v45;
	v34 =	vmul.f32 v34, v45  }
0x504: {  	v59 =	vmul.f32 $1.442695020e+00, v59;
	v61 =	vsub.f32 v32, v24;
	v41 =	vmul.f32 v41, v45  }
0x505: {  	v45 =	vmul.f32 v60, v60;
	v60 =	vsub.f32 v32, v53;
	v35 =	vsel vm0, v35, v13;
	v13 =	vmovc v29  }
0x506: {  	v29 =	vsel vm0, v34, v14;
	v34 =	vsel vm0, v41, v12;
	v12 =	vmovc v27;
	v14 =	vmovc v32;
	(erf) = vpow2.f32 v59  }
0x507: {  	v27 =	vadd.f32 v45, v55;
	v32 =	vmul.f32 v60, v60;
	v35 =	vmul.f32 v35, v10  }
0x508: {  	v29 =	vmul.f32 v29, v10;
	v34 =	vmul.f32 v34, v10;
	v10 =	vmovc v18;
	v41 =	vsub.f32 v14, v28  }
0x509: {  	v18 =	vadd.f32 v54, v27;
	v27 =	vadd.f32 v32, v49;
	v32 =	vmul.f32 v56, v56  }
0x50a: {  	v11 =	vadd.f32 v35, v11;
	v21 =	vadd.f32 v29, v21;
	v41 =	vmul.f32 v41, v41  }
0x50b: {  	v29 =	vmul.f32 v43, v43;
	v18 =	vsub.f32 $0.0e+00, v18;
	v27 =	vadd.f32 v32, v27  }
0x50c: {  	v35 =	vmul.f32 v47, v47;
	v20 =	vadd.f32 v34, v20;
	v32 =	vadd.f32 v41, v57  }
0x50d: {  	v34 =	vmov s25;
	v18 =	vmul.f32 $1.442695020e+00, v18;
	v27 =	vsub.f32 $0.0e+00, v27  }
0x50e: {  	v43 =	vand.u32 $0x7FF, v34;
	v34 =	vmul.f32 v61, v61;
	v32 =	vadd.f32 v35, v32  }
0x50f: {  	v35 =	vadd.s32 v4, v46;
	v27 =	vmul.f32 $1.442695020e+00, v27;
	v41 =	vpop (erf);
	(erf) = vpow2.f32 v18  }
0x510: {  	v29 =	vadd.f32 v34, v29;
	v32 =	vsub.f32 $0.0e+00, v32;
	v31 =	vmul.f32 v41, v31  }
0x511: {  	v54 =	vadd.s32 v4, v43;
	v41 =	vadd.s32 v5, v43;
	(erf) = vpow2.f32 v27  }
0x512: {  	v29 =	vadd.f32 v37, v29;
	v27 =	vmul.f32 $1.442695020e+00, v32;
	v18 =	vsub.f32 v51, v31  }
0x513: {  	v34 =	vadd.s32 v6, v43;
	v32 =	vadd.s32 v3, v43;
	(erf) = vpow2.f32 v42  }
0x514: {  	v49 =	vadd.s32 v5, v52;
	v29 =	vsub.f32 $0.0e+00, v29;
	v51 =	vadd.s32 v1, v43;
	[tilespmem:v33+s18+$0x0] =	vst.idx.msk $0xffff, v18  }
0x515: {  	v45 =	vadd.s32 v6, v52;
	v55 =	vld.idx.msk [tilespmem:v35+s31+$0x0], $0xffff;
	v35 =	vadd.s32 v6, v46;
	(erf) = vpow2.f32 v27  }
0x516: {  	v47 =	vadd.s32 v1, v46;
	v43 =	vadd.s32 v3, v46;
	v27 =	vmul.f32 $1.442695020e+00, v29;
	v33 =	vld.idx.msk [tilespmem:v54+s31+$0x0], $0xffff  }
0x517: {  	v37 =	vadd.s32 v5, v46;
	v48 =	vmul.f32 v18, v48;
	v15 =	vadd.f32 v18, v15;
	v42 =	vld.idx.msk [tilespmem:v58+s31+$0x0], $0xffff  }
0x518: {  	vm0 =	vge.f32 v10, $9.999999770e-03;
	v54 =	vadd.s32 v3, v52;
	v46 =	vld.idx.msk [tilespmem:v32+s31+$0x0], $0xffff;
	v32 =	vpop (erf);
	(erf) = vpow2.f32 v27  }
0x519: {  	v27 =	vld.idx.msk [tilespmem:v51+s2+$0x0], $0xffff;
	v56 =	vadd.f32 $1.000000000e+00, v32;
	v44 =	vmul.f32 v32, v44;
	v30 =	vmul.f32 v32, v30  }
0x51a: {  	v59 =	vadd.s32 v4, v52;
	v17 =	vadd.f32 v48, v17;
	v48 =	vmul.f32 v32, v50;
	v29 =	vld.idx.msk [tilespmem:v58+s2+$0x0], $0xffff;
	v50 =	vpop (erf)  }
0x51b: {  	v32 =	vld.idx.msk [tilespmem:v47+s2+$0x0], $0xffff;
	v44 =	vadd.f32 $0.0e+00, v44;
	v52 =	vadd.f32 v50, v56;
	v56 =	vmul.f32 v50, v53  }
.Ltmp2:
0x51c: {  	v58 =	vadd.f32 $0.0e+00, v48;
	v30 =	vadd.f32 $0.0e+00, v30;
	v57 =	vmul.f32 v50, v38;
	v60 =	vpop (erf);
	(pc) =	sbr.rel @p0 .LBB2_7-.Ltmp2, $4  }
0x51d: {  	v38 =	vmul.f32 v50, v25;
	v61 =	vadd.f32 v60, v52;
	v53 =	vmul.f32 v60, v22;
	v22 =	vmovc v55  }
0x51e: {  	v25 =	vld.idx.msk [tilespmem:v54+s31+$0x0], $0xffff;
	v54 =	vadd.f32 v56, v58;
	v56 =	vadd.f32 v57, v30;
	v57 =	vmul.f32 v60, v36;
	v48 =	vpop (erf)  }
0x51f: {  	v52 =	vmul.f32 v60, v26;
	v58 =	vsub.f32 v27, v33;
	v30 =	vld.idx.msk [tilespmem:v51+s31+$0x0], $0xffff;
	v50 =	vmul.f32 v48, v39  }
0x520: {  	s23 =	sadd.s32 $0x1, s23;
	s12 =	smov.u32 s24;
	v55 =	vsub.f32 v29, v42;
	v40 =	vmul.f32 v48, v40;
	v26 =	vld.idx.msk [tilespmem:v59+s31+$0x0], $0xffff;
	v59 =	vadd.f32 v48, v61  }
0x521: {  	_ =	sdelay $0x3  }
0x522: {  	v23 =	vld.idx.msk [tilespmem:v47+s31+$0x0], $0xffff  }
0x523: {  	v31 =	vld.idx.msk [tilespmem:v43+s31+$0x0], $0xffff  }
0x524: {  	v60 =	vpop (erf)  }
0x525: {  	v36 =	vsub.f32 v32, v22;
	v37 =	vld.idx.msk [tilespmem:v37+s31+$0x0], $0xffff;
	v63 =	vmul.f32 v58, v58;
	v59 =	vadd.f32 v60, v59  }
0x526: {  	v41 =	vld.idx.msk [tilespmem:v41+s31+$0x0], $0xffff;
	v55 =	vmul.f32 v55, v55;
	v62 =	vsub.f32 v29, v25;
	v39 =	vsub.f32 v29, v26  }
0x527: {  	v47 =	vld.idx.msk [tilespmem:v49+s31+$0x0], $0xffff;
	v36 =	vmul.f32 v36, v36;
	v49 =	vsub.f32 v27, v30;
	v51 =	vsub.f32 v32, v23  }
0x528: {  	v43 =	vmul.f32 v62, v62;
	v61 =	vsub.f32 v32, v31;
	v39 =	vmul.f32 v39, v39  }
0x529: {  	v35 =	vld.idx.msk [tilespmem:v35+s31+$0x0], $0xffff;
	v62 =	vsub.f32 v27, v46;
	v49 =	vmul.f32 v49, v49;
	v51 =	vmul.f32 v51, v51  }
0x52a: {  	v45 =	vld.idx.msk [tilespmem:v45+s31+$0x0], $0xffff;
	v58 =	vmul.f32 v61, v61;
	v61 =	vsub.f32 v32, v37;
	v36 =	vadd.f32 v36, v39  }
0x52b: {  	v34 =	vld.idx.msk [tilespmem:v34+s31+$0x0], $0xffff;
	v39 =	vmul.f32 v62, v62;
	v62 =	vsub.f32 v27, v41;
	v51 =	vadd.f32 v51, v55  }
0x52c: {  	(erf) = vrcp.f32 v59;
	v43 =	vadd.f32 v58, v43;
	v36 =	vadd.f32 v63, v36  }
0x52d: {  	v58 =	vmul.f32 v61, v61;
	v63 =	vsub.f32 v29, v47;
	v49 =	vadd.f32 v49, v51  }
0x52e: {  	v61 =	vsub.f32 v32, v35;
	v39 =	vadd.f32 v39, v43;
	v51 =	vmul.f32 v62, v62  }
0x52f: {  	v55 =	vmul.f32 v63, v63;
	v63 =	vsub.f32 v29, v45;
	v49 =	vsub.f32 $0.0e+00, v49  }
0x530: {  	v62 =	vsub.f32 v27, v34;
	v59 =	vmul.f32 v61, v61;
	v39 =	vsub.f32 $0.0e+00, v39  }
0x531: {  	v55 =	vadd.f32 v58, v55;
	v43 =	vmul.f32 v63, v63;
	v49 =	vmul.f32 $1.442695020e+00, v49  }
0x532: {  	v36 =	vsub.f32 $0.0e+00, v36;
	v63 =	vmul.f32 v62, v62;
	v39 =	vmul.f32 $1.442695020e+00, v39  }
0x533: {  	v51 =	vadd.f32 v51, v55;
	v43 =	vadd.f32 v59, v43;
	(erf) = vpow2.f32 v49  }
0x534: {  	v36 =	vmul.f32 $1.442695020e+00, v36  }
0x535: {  	(erf) = vpow2.f32 v39;
	v55 =	vadd.f32 v63, v43;
	v58 =	vsub.f32 $0.0e+00, v51;
	_ =	sdelay $0x1  }
0x536: {  	(erf) = vpow2.f32 v36;
	v43 =	vmul.f32 $1.442695020e+00, v58;
	v59 =	vsub.f32 $0.0e+00, v55;
	_ =	sdelay $0x1  }
0x537: {  	v38 =	vadd.f32 v38, v44;
	(erf) = vpow2.f32 v43;
	v36 =	vmul.f32 $1.442695020e+00, v59;
	_ =	sdelay $0x1  }
0x538: {  	v38 =	vadd.f32 v52, v38;
	v39 =	vpop (erf);
	(erf) = vpow2.f32 v36  }
0x539: {  	v62 =	vadd.f32 v57, v56;
	v61 =	vpop (erf)  }
0x53a: {  	v16 =	vmul.f32 v60, v16;
	v38 =	vadd.f32 v50, v38;
	v52 =	vadd.f32 $1.000000000e+00, v61  }
0x53b: {  	v19 =	vmul.f32 v60, v19;
	v40 =	vadd.f32 v40, v62;
	v63 =	vadd.f32 v53, v54;
	v53 =	vpop (erf)  }
0x53c: {  	v16 =	vadd.f32 v16, v38;
	v54 =	vadd.f32 v53, v52  }
0x53d: {  	v28 =	vmul.f32 v48, v28;
	v19 =	vadd.f32 v19, v40;
	v55 =	vpop (erf)  }
0x53e: {  	vm15 =	vge.f32 v18, $9.999999770e-03;
	v16 =	vadd.f32 v16, v13;
	v56 =	vadd.f32 v55, v54  }
0x53f: {  	v24 =	vmul.f32 v60, v24;
	v28 =	vadd.f32 v28, v63;
	v19 =	vadd.f32 v19, v12;
	v58 =	vpop (erf)  }
0x540: {  	v57 =	vmul.f32 v61, v42;
	v59 =	vmul.f32 v61, v30;
	v38 =	vadd.f32 v58, v56  }
0x541: {  	v24 =	vadd.f32 v24, v28;
	v23 =	vmul.f32 v61, v23;
	v31 =	vmul.f32 v53, v31;
	v61 =	vpop (erf)  }
0x542: {  	v62 =	vmul.f32 v53, v25;
	v60 =	vadd.f32 $0.0e+00, v57;
	v38 =	vadd.f32 v61, v38  }
0x543: {  	v43 =	vmul.f32 v53, v46;
	v23 =	vadd.f32 $0.0e+00, v23;
	v30 =	vadd.f32 $0.0e+00, v59  }
0x544: {  	v63 =	vmul.f32 v55, v26;
	v25 =	vadd.f32 v62, v60;
	(erf) = vrcp.f32 v38  }
0x545: {  	v44 =	vmul.f32 v55, v22;
	v28 =	vmul.f32 v55, v33;
	v23 =	vadd.f32 v31, v23  }
0x546: {  	v30 =	vadd.f32 v43, v30;
	v46 =	vmul.f32 v58, v47;
	v25 =	vadd.f32 v63, v25  }
0x547: {  	v47 =	vmul.f32 v58, v41;
	v48 =	vmul.f32 v58, v37;
	v22 =	vadd.f32 v44, v23  }
0x548: {  	v49 =	vadd.f32 v28, v30;
	v50 =	vmul.f32 v61, v45;
	v25 =	vadd.f32 v46, v25  }
0x549: {  	v24 =	vadd.f32 v24, v14;
	v51 =	vmul.f32 v61, v35;
	v22 =	vadd.f32 v48, v22  }
0x54a: {  	v52 =	vmul.f32 v61, v34;
	v23 =	vadd.f32 v47, v49;
	v25 =	vadd.f32 v50, v25  }
0x54b: {  	v16 =	vmul.f32 v16, v39;
	v19 =	vmul.f32 v19, v39;
	v22 =	vadd.f32 v51, v22  }
0x54c: {  	v24 =	vmul.f32 v24, v39;
	v54 =	vadd.f32 v52, v23;
	v55 =	vadd.f32 v25, v29  }
0x54d: {  	v53 =	vsel vm0, v16, v13;
	v57 =	vsel vm0, v19, v12;
	v58 =	vadd.f32 v22, v32;
	v59 =	vpop (erf)  }
0x54e: {  	v13 =	vmul.f32 v53, v10;
	v16 =	vadd.f32 v54, v27;
	v23 =	vmul.f32 v55, v59  }
0x54f: {  	v60 =	vmul.f32 v57, v10;
	v56 =	vsel vm0, v24, v14;
	v19 =	vmul.f32 v58, v59  }
0x550: {  	v14 =	vmul.f32 v56, v10;
	v61 =	vmul.f32 v16, v59;
	v62 =	vsel vm15, v23, v29  }
0x551: {  	v11 =	vadd.f32 v13, v11;
	v63 =	vsel vm15, v19, v32;
	v16 =	vmul.f32 v62, v18  }
0x552: {  	v14 =	vadd.f32 v14, v21;
	v12 =	vsel vm15, v61, v27;
	v13 =	vmul.f32 v63, v18  }
0x553: {  	v10 =	vadd.f32 v60, v20;
	v12 =	vmul.f32 v12, v18;
	v11 =	vadd.f32 v16, v11  }
0x554: {  	v13 =	vadd.f32 v13, v14  }
0x555: {  	v10 =	vadd.f32 v12, v10;
	[tilespmem:v7+s30+$0x0] =	vst.idx.msk $0xffff, v11  }
0x556: {  	[tilespmem:v8+s30+$0x0] =	vst.idx.msk $0xffff, v13  }
0x557: {  	[tilespmem:v9+s30+$0x0] =	vst.idx.msk $0xffff, v10  }
0x558: {  	[tilespmem:$0x1F500] =	vst v17  }
0x559: {  	s1 =	sadd.s32 s11, s22;
	[tilespmem:$0x1F510] =	vst v15  }
0x55a: {  	[hbm4b:s1+s6] =	stream.linear.scatter [tilespmem:s18], [sflag:$0x3], $0xC0, $0x38;
	[tilespmem:$0x1F520] =	vst v63  }
0x55b: {  	s4 =	simm.s32 $0x1E8C8;
	s3 =	sadd.s32 $0x18, s1  }
0x55c: {  	[hbm4b:s3+s6] =	stream.linear.scatter [tilespmem:s4], [sflag:$0x3], $0xC0, $0x38;
	[tilespmem:$0x1F520] =	vst v63  }
0x55d: {  	s22 =	simm.s32 $0x1E990;
	s12 =	sadd.s32 $0x30, s1  }
0x55e: {  	[hbm4b:s12+s6] =	stream.linear.scatter [tilespmem:s22], [sflag:$0x3], $0xC0, $0x38;
	[tilespmem:$0x1F520] =	vst v63  }
0x55f: {  	s24 =	simm.s32 $0x1EA58;
	s23 =	sadd.s32 $0x48, s1  }
0x560: {  	[hbm4b:s23+s6] =	stream.linear.scatter [tilespmem:s24], [sflag:$0x3], $0xC0, $0x38;
	[tilespmem:$0x1F520] =	vst v63  }
0x561: {  	s28 =	simm.s32 $0x1EB20;
	s25 =	sadd.s32 $0x60, s1  }
0x562: {  	[hbm4b:s25+s6] =	stream.linear.scatter [tilespmem:s28], [sflag:$0x3], $0xC0, $0x38;
	[tilespmem:$0x1F520] =	vst v63  }
0x563: {  	s12 =	sadd.s32 $0x78, s1;
	s22 =	simm.s32 $0x1EBE8  }
0x564: {  	[hbm4b:s12+s6] =	stream.linear.scatter [tilespmem:s22], [sflag:$0x3], $0xC0, $0x38;
	[tilespmem:$0x1F520] =	vst v63  }
0x565: {  	s23 =	sadd.s32 $0x90, s1;
	s24 =	simm.s32 $0x1ECB0  }
0x566: {  	[hbm4b:s23+s6] =	stream.linear.scatter [tilespmem:s24], [sflag:$0x3], $0xC0, $0x38;
	[tilespmem:$0x1F520] =	vst v63  }
0x567: {  	s25 =	sadd.s32 $0xA8, s1;
	s28 =	simm.s32 $0x1ED78  }
0x568: {  	[hbm4b:s25+s6] =	stream.linear.scatter [tilespmem:s28], [sflag:$0x3], $0xC0, $0x38;
	[tilespmem:$0x1F520] =	vst v63  }
0x569: {  	s12 =	sadd.s32 $0xC0, s1;
	s22 =	simm.s32 $0x1EE40  }
0x56a: {  	[hbm4b:s12+s6] =	stream.linear.scatter [tilespmem:s22], [sflag:$0x3], $0xC0, $0x38;
	[tilespmem:$0x1F520] =	vst v63  }
0x56b: {  	s23 =	sadd.s32 $0xD8, s1;
	s24 =	simm.s32 $0x1EF08  }
0x56c: {  	[hbm4b:s23+s6] =	stream.linear.scatter [tilespmem:s24], [sflag:$0x3], $0xC0, $0x38;
	[tilespmem:$0x1F520] =	vst v63  }
0x56d: {  	s25 =	sadd.s32 $0xF0, s1;
	s28 =	simm.s32 $0x1EFD0  }
0x56e: {  	[hbm4b:s25+s6] =	stream.linear.scatter [tilespmem:s28], [sflag:$0x3], $0xC0, $0x38;
	[tilespmem:$0x1F520] =	vst v63  }
0x56f: {  	s12 =	sadd.s32 $0x108, s1;
	s22 =	simm.s32 $0x1F098  }
0x570: {  	[hbm4b:s12+s6] =	stream.linear.scatter [tilespmem:s22], [sflag:$0x3], $0xC0, $0x38;
	[tilespmem:$0x1F520] =	vst v63  }
0x571: {  	s23 =	sadd.s32 $0x120, s1;
	s24 =	simm.s32 $0x1F160  }
0x572: {  	[hbm4b:s23+s6] =	stream.linear.scatter [tilespmem:s24], [sflag:$0x3], $0xC0, $0x38;
	[tilespmem:$0x1F520] =	vst v63  }
0x573: {  	s25 =	sadd.s32 $0x138, s1;
	s28 =	simm.s32 $0x1F228  }
0x574: {  	[hbm4b:s25+s6] =	stream.linear.scatter [tilespmem:s28], [sflag:$0x3], $0xC0, $0x38;
	[tilespmem:$0x1F520] =	vst v63  }
0x575: {  	s4 =	sadd.s32 $0x150, s1;
	s12 =	simm.s32 $0x1F2F0  }
0x576: {  	[hbm4b:s4+s6] =	stream.linear.scatter [tilespmem:s12], [sflag:$0x3], $0xC0, $0x38;
	[tilespmem:$0x1F520] =	vst v63  }
0x577: {  	s1 =	sadd.s32 $0x168, s1;
	s22 =	simm.s32 $0x1F3B8  }
0x578: {  	[hbm4b:s1+s6] =	stream.linear.scatter [tilespmem:s22], [sflag:$0x3], $0xC0, $0x38;
	[tilespmem:$0x1F520] =	vst v63  }
0x579: {  	_ =	swait.ge [sflag:s5], $0xC00  }
0x57a: {  	[sflag:s5] =	ssyncset.done $0x0  }
0x57b: {  	s23 =	sadd.s32 s10, s21;
	[sflag:s5] =	ssyncadd.s32 $0xFFFFF400  }
0x57c: {  	[hbm4b:s23+s6] =	stream.linear.scatter [tilespmem:s30], [sflag:$0x3], $0x80, $0x38;
	[tilespmem:$0x1F520] =	vst v63  }
0x57d: {  	_ =	swait.ge [sflag:s5], $0x80  }
0x57e: {  	s24 =	sshrl.u32 s21, $0x3;
	[sflag:s5] =	ssyncset.done $0x0  }
0x57f: {  	s25 =	sadd.s32 s26, s24;
	s28 =	simm.s32 $0x1F500;
	[sflag:s5] =	ssyncadd.s32 $0xFFFFFF80  }
0x580: {  	[hbm4b:s25+s6] =	stream.linear.scatter [tilespmem:s28], [sflag:$0x3], $0x10, $0x38;
	[tilespmem:$0x1F520] =	vst v63  }
0x581: {  	s19 =	sadd.s32 $0x1, s19;
	_ =	swait.ge [sflag:s5], $0x10  }
0x582: {  	p0 =	sne.s32 s19, $0x8;
	[sflag:s5] =	ssyncset.done $0x0  }
.Ltmp3:
0x583: {  	s1 =	sadd.s32 s14, s24;
	[sflag:s5] =	ssyncadd.s32 $0xFFFFFFF0;
	(pc) =	sbr.rel @p0 .LBB2_2-.Ltmp3, $4  }
0x584: {  	[hbm4b:s1+s6] =	stream.linear.scatter [tilespmem:s16], [sflag:$0x3], $0x10, $0x38;
	[tilespmem:$0x1F520] =	vst v63  }
0x585: {  	_ =	swait.ge [sflag:s5], $0x10  }
0x586: {  	[sflag:s5] =	ssyncset.done $0x0  }
0x587: {  	[sflag:s5] =	ssyncadd.s32 $0xFFFFFFF0  }
0x588: {  	s3 =	sld [smem:$0x795]  }
0x589: {  	s1 =	sld [smem:$0x7B9];
	_ =	sdelay $0x1  }
0x58a: {  	s3 =	sadd.s32 $0x1, s3  }
0x58b: {  	p0 =	sne.s32 s3, s1  }
.Ltmp4:
0x58c: {  	_ = 	snop;
	(pc) =	sbr.rel @p0 .LBB2_1-.Ltmp4, $1  }
0x58d: {  	_ =	sdelay $0x3  }
0x58e: {  	_ =	sfence.sel $0x180000  }
0x58f: {  	[bflag:$0x0] =	sbarrier.arrive $0xFFFF  }
0x590: {  	_ =	strace $0x90000047  }
0x591: {  	s0 =	stileid.u32;
	[bflag:$0x2] =	sbarrier.arrive $0xFFFF  }
0x592: {  	p0 =	sne.s32 s0, $0x0;
	s0 =	rddreg [dreg:$0x4]  }
0x593: {  	s0 =	sadd.s32 @!p0 $0x100000, s0  }
0x594: {  	[sflag:s0] =	ssyncadd.tile.s32 @!p0 $0x1;
	_ =	shalt  }
.Lfunc_end2:
_tile_overlayer_lowered:
.L_overlay_start_2:
0x595: {  	(tag) =	ssettag $0x2  }
0x596: {  	s0 =	rddreg [dreg:$0x0];
	s2 =	stileid.u32  }
0x597: {  	s1 =	rddreg [dreg:$0x1];
	p0 =	sne.s32 s2, $0x0  }
0x598: {  	s3 =	rddreg [dreg:$0x2];
	[bflag:$0x3] =	sbarrier.arrive $0xFFFF;
	s2 =	simm.s32 @!p0 $0x1C03  }
0x599: {  	[timem:s3], [sflag:s2] =	dma.local @!p0 [hbm:s0], s1  }
0x59a: {  	s0 =	simm.s32 @!p0 $0x3  }
0x59b: {  	_ =	swait.ge @!p0 [sflag:s0], s1  }
0x59c: {  	s1 =	ssub.s32 @!p0 $0x0, s1;
	[sflag:s0] =	ssyncset.done @!p0 $0x0  }
0x59d: {  	[sflag:s0] =	ssyncadd.s32 @!p0 s1  }
0x59e: {  	[bflag:$0x3] =	sbarrier.arrive $0xFFFF  }
0x59f: {  	_ =	shalt  }

</sc_bundles>
